<compile_context>
chip_gen: v7x
topology: tpu7x:2x2x1
jax: 0.10.2.dev20260603
libtpu: 0.0.44.dev20260713+nightly
codegen_flags: <defaults>
</compile_context>

<pallas_src>
import functools

import jax
import jax.numpy as jnp
from jax import lax
from jax.experimental import pallas as pl
from jax.experimental.pallas import tpu as pltpu
from jax.experimental.pallas import tpu_sc as plsc

NC = 2
NS = 16
NW = NC * NS
L = 16
C = 2048
UNROLL = 2

_EPS = 1e-6
_MAGIC = 0x5F3759DF


def _rsqrt(s):
    i = lax.bitcast_convert_type(s, jnp.int32)
    y = lax.bitcast_convert_type(_MAGIC - lax.shift_right_logical(i, 1),
                                 jnp.float32)
    for _ in range(2):
        y = y * (1.5 - 0.5 * s * y * y)
    return y


def _trace_vec(v, px_v, py_v, pz_v, dx_v, dy_v, dz_v, int_v, out_v, surf):
    iota = lax.iota(jnp.int32, L)
    sl = pl.ds(v * L, L)
    px = px_v[sl]
    py = py_v[sl]
    pz = pz_v[sl]
    dx = dx_v[sl]
    dy = dy_v[sl]
    dz = dz_v[sl]
    inten = int_v[sl]

    rn = _rsqrt(dx * dx + dy * dy + dz * dz)
    dx, dy, dz = dx * rn, dy * rn, dz * rn

    for i in range(8):
        z, c, eta = surf[3 * i], surf[3 * i + 1], surf[3 * i + 2]
        eta2 = eta * eta
        adz = jnp.abs(dz)
        dzok = adz > _EPS
        safe_dz = jnp.where(dzok, dz, 1.0)
        t = (z - pz) / safe_dz
        mask = dzok & (t > _EPS)
        nx_, ny_, nz_ = px + t * dx, py + t * dy, pz + t * dz
        ux, uy = c * nx_, c * ny_
        rn2 = _rsqrt(ux * ux + uy * uy + 1.0)
        cos_i = jnp.clip((dx * ux + dy * uy + dz) * rn2, -1.0, 1.0)
        sin2 = eta2 * jnp.maximum(0.0, 1.0 - cos_i * cos_i)
        arg = jnp.maximum(1e-8, 1.0 - sin2)
        cos_t = arg * _rsqrt(arg)
        kk = (eta * cos_i - cos_t) * rn2
        ndx = eta * dx - kk * ux
        ndy = eta * dy - kk * uy
        ndz = eta * dz - kk
        rn3 = _rsqrt(eta2 - (eta * cos_i) * (eta * cos_i) + arg)
        ndx, ndy, ndz = ndx * rn3, ndy * rn3, ndz * rn3
        om = 1.0 - cos_i
        imod = jnp.clip(1.0 - 0.04 * om * om, 0.0, 1.0)
        nint = inten * imod
        px = jnp.where(mask, nx_, px)
        py = jnp.where(mask, ny_, py)
        pz = jnp.where(mask, nz_, pz)
        dx = jnp.where(mask, ndx, dx)
        dy = jnp.where(mask, ndy, dy)
        dz = jnp.where(mask, ndz, dz)
        inten = jnp.where(mask, nint, inten)

    i7 = iota * 7 + v * (7 * L)
    plsc.store_scatter(out_v, [i7], px)
    plsc.store_scatter(out_v, [i7 + 1], py)
    plsc.store_scatter(out_v, [i7 + 2], pz)
    plsc.store_scatter(out_v, [i7 + 3], dx)
    plsc.store_scatter(out_v, [i7 + 4], dy)
    plsc.store_scatter(out_v, [i7 + 5], dz)
    plsc.store_scatter(out_v, [i7 + 6], inten)


def _make_kernel(n):
    rw = n // NW
    chunks = rw // C
    assert rw * NW == n and chunks * C == rw

    mesh = plsc.VectorSubcoreMesh(core_axis_name="c", subcore_axis_name="s")

    @functools.partial(
        pl.kernel,
        out_type=jax.ShapeDtypeStruct((n * 7,), jnp.float32),
        mesh=mesh,
        compiler_params=pltpu.CompilerParams(needs_layout_passes=False),
        scratch_types=[
            pltpu.VMEM((C,), jnp.float32),
            pltpu.VMEM((C,), jnp.float32),
            pltpu.VMEM((C,), jnp.float32),
            pltpu.VMEM((C,), jnp.float32),
            pltpu.VMEM((C,), jnp.float32),
            pltpu.VMEM((C,), jnp.float32),
            pltpu.VMEM((C,), jnp.float32),
            pltpu.VMEM((7 * C,), jnp.float32),
            pltpu.VMEM((32,), jnp.float32),
        ],
    )
    def k(posT_hbm, dirsT_hbm, int_hbm, surf_hbm, out_hbm,
          px_v, py_v, pz_v, dx_v, dy_v, dz_v, int_v, out_v, surf_v):
        wid = lax.axis_index("s") * NC + lax.axis_index("c")
        base = wid * rw
        pltpu.sync_copy(surf_hbm, surf_v)
        sv0 = surf_v[pl.ds(0, L)]
        sv1 = surf_v[pl.ds(L, L)]
        surf = [sv0[j] if j < L else sv1[j - L] for j in range(24)]

        def chunk_body(g, carry):
            b = base + g * C
            pltpu.sync_copy(posT_hbm.at[pl.ds(b, C)], px_v)
            pltpu.sync_copy(posT_hbm.at[pl.ds(n + b, C)], py_v)
            pltpu.sync_copy(posT_hbm.at[pl.ds(2 * n + b, C)], pz_v)
            pltpu.sync_copy(dirsT_hbm.at[pl.ds(b, C)], dx_v)
            pltpu.sync_copy(dirsT_hbm.at[pl.ds(n + b, C)], dy_v)
            pltpu.sync_copy(dirsT_hbm.at[pl.ds(2 * n + b, C)], dz_v)
            pltpu.sync_copy(int_hbm.at[pl.ds(b, C)], int_v)

            @plsc.parallel_loop(0, C // L, 1, unroll=UNROLL)
            def vec_body(v):
                _trace_vec(v, px_v, py_v, pz_v, dx_v, dy_v, dz_v, int_v,
                           out_v, surf)

            pltpu.sync_copy(out_v, out_hbm.at[pl.ds(b * 7, 7 * C)])
            return carry

        lax.fori_loop(0, chunks, chunk_body, 0)

    return k


def kernel(pos, dirs, intensity, surf_z, surf_c, surf_n):
    n = pos.shape[0]
    surf = jnp.concatenate(
        [jnp.stack([surf_z, surf_c, surf_n], axis=-1).reshape(-1),
         jnp.zeros((8,), jnp.float32)]).astype(jnp.float32)
    out = _make_kernel(n)(pos.T.reshape(-1), dirs.T.reshape(-1),
                          intensity, surf)
    return out.reshape(n, 7)

# --- scband reference (transcript-rebuilt; emitter-appended) ---
"""Pipeline reference for scband-sequential-system-3092376453578 (READ-ONLY COPY).

The authoritative reference and input builder live on the scoring server;
editing this copy changes nothing except your own understanding.
"""

import jax, jax.numpy as jnp
import numpy as np

N = 2097152
S = 8

def setup_inputs(seed: int = 0) -> dict:
    key = jax.random.key(seed)
    k1, k2 = jax.random.split(key, 2)
    pos = jax.random.normal(k1, (N, 3), dtype=jnp.float32)
    pos = pos.at[:, 2].set(pos[:, 2] * 0.1)
    dirs = jax.random.normal(k2, (N, 3), dtype=jnp.float32)
    dirs = dirs.at[:, 2].set(jnp.abs(dirs[:, 2]) + 1.0)
    intensity = jnp.ones((N,), dtype=jnp.float32)
    surf_z = jnp.arange(1, S + 1, dtype=jnp.float32) * 5.0
    surf_c = jnp.asarray([0.02, -0.02] * (S // 2), dtype=jnp.float32)
    surf_n = jnp.asarray([1.0 / 1.515, 1.515] * (S // 2), dtype=jnp.float32)
    return {"pos": pos, "dirs": dirs, "intensity": intensity,
            "surf_z": surf_z, "surf_c": surf_c, "surf_n": surf_n}

def _trace(pos, d, intensity, surf_z, surf_c, surf_n):
    eps = 1e-6
    d = d / jnp.linalg.norm(d, axis=-1, keepdims=True)
    for i in range(surf_z.shape[0]):
        z = surf_z[i]
        c = surf_c[i]
        eta = surf_n[i]
        dz = d[:, 2]
        safe_dz = jnp.where(jnp.abs(dz) > eps, dz, 1.0)
        t = (z - pos[:, 2]) / safe_dz
        # intersectTest: t < inf (finite, forward intersection)
        mask = (jnp.abs(dz) > eps) & (t > eps)
        t = jnp.where(mask, t, 0.0)
        new_pos = pos + t[:, None] * d
        # spherical-ish surface normal from curvature
        n = jnp.stack([-c * new_pos[:, 0], -c * new_pos[:, 1], -jnp.ones_like(dz)], axis=-1)
        n = n / jnp.linalg.norm(n, axis=-1, keepdims=True)
        cos_i = jnp.clip(-jnp.sum(d * n, axis=-1), -1.0, 1.0)
        sin2_t = (eta ** 2) * jnp.maximum(0.0, 1.0 - cos_i ** 2)
        cos_t = jnp.sqrt(jnp.maximum(1e-8, 1.0 - sin2_t))
        new_d = eta * d + (eta * cos_i - cos_t)[:, None] * n
        new_d = new_d / jnp.maximum(jnp.linalg.norm(new_d, axis=-1, keepdims=True), 1e-8)
        imod = jnp.clip(1.0 - 0.04 * (1.0 - cos_i) ** 2, 0.0, 1.0)
        new_int = intensity * imod
        # rays.update_subset(rays_valid, ray_mask) -> masked overwrite
        m = mask[:, None]
        pos = jnp.where(m, new_pos, pos)
        d = jnp.where(m, new_d, d)
        intensity = jnp.where(mask, new_int, intensity)
    return jnp.concatenate([pos, d, intensity[:, None]], axis=-1)

def reference(pos, dirs, intensity, surf_z, surf_c, surf_n):
    return _trace(pos, dirs, intensity, surf_z, surf_c, surf_n)

if __name__ == "__main__":
    import jax
    _d = setup_inputs()
    print(jax.jit(kernel)(*tuple(_d.values())))

</pallas_src>

<mosaic_0001>
#map = affine_map<(d0, d1) -> (0)>
module attributes {stable_mosaic.version = 14 : i64} {
  func.func @k(%arg0: i32, %arg1: i32, %arg2: memref<6291456xf32, #tpu.memory_space<hbm>>, %arg3: memref<6291456xf32, #tpu.memory_space<hbm>>, %arg4: memref<2097152xf32, #tpu.memory_space<hbm>>, %arg5: memref<32xf32, #tpu.memory_space<hbm>>, %arg6: memref<14680064xf32, #tpu.memory_space<hbm>>, %arg7: memref<2048xf32, #tpu.memory_space<vmem>>, %arg8: memref<2048xf32, #tpu.memory_space<vmem>>, %arg9: memref<2048xf32, #tpu.memory_space<vmem>>, %arg10: memref<2048xf32, #tpu.memory_space<vmem>>, %arg11: memref<2048xf32, #tpu.memory_space<vmem>>, %arg12: memref<2048xf32, #tpu.memory_space<vmem>>, %arg13: memref<2048xf32, #tpu.memory_space<vmem>>, %arg14: memref<14336xf32, #tpu.memory_space<vmem>>, %arg15: memref<32xf32, #tpu.memory_space<vmem>>) attributes {dimension_semantics = [#tpu.dimension_semantics<core_parallel>, #tpu.dimension_semantics<subcore_parallel>], iteration_bounds = array<i64: 2, 16>, scalar_prefetch = 0 : i64, scratch_operands = 9 : i64, tpu.core_type = #tpu.core_type<sc_vector_subcore>, window_params = [{transform_indices = #map}, {transform_indices = #map}, {transform_indices = #map}, {transform_indices = #map}, {transform_indices = #map}]} {
    %mul3A = arith.constant 2 : i32
    %mul3A_0 = arith.muli %arg1, %mul3A : i32
    %add3A = arith.addi %mul3A_0, %arg0 : i32
    %mul3A_1 = arith.constant 65536 : i32
    %mul3A_2 = arith.muli %add3A, %mul3A_1 : i32
    "tpu.region"() ({
      %run_scoped3A = tpu.sem_alloc : memref<!tpu.dma_semaphore, #tpu.memory_space<semaphore_mem>>
      tpu.enqueue_dma source(%arg5 : memref<32xf32, #tpu.memory_space<hbm>>) target(%arg15 : memref<32xf32, #tpu.memory_space<vmem>>) target_semaphore(%run_scoped3A : memref<!tpu.dma_semaphore, #tpu.memory_space<semaphore_mem>>)
      tpu.wait_dma2 semaphore(%run_scoped3A : memref<!tpu.dma_semaphore, #tpu.memory_space<semaphore_mem>>) src(%arg5 : memref<32xf32, #tpu.memory_space<hbm>>) dst(%arg15 : memref<32xf32, #tpu.memory_space<vmem>>)
      tpu.yield
    }) : () -> ()
    %get3A = arith.constant 0 : index
    %get3A_3 = tpu.vector_load %arg15[%get3A] {strides = array<i32>} : memref<32xf32, #tpu.memory_space<vmem>>, vector<16xf32>,
    %get3A_4 = arith.constant 16 : index
    %get3A_5 = tpu.vector_load %arg15[%get3A_4] {strides = array<i32>} : memref<32xf32, #tpu.memory_space<vmem>>, vector<16xf32>,
    %slice3A = vector.extract_strided_slice %get3A_3 {offsets = [0], sizes = [1], strides = [1]} : vector<16xf32> to vector<1xf32>
    %squeeze3A = vector.extract %slice3A[0] : f32 from vector<1xf32>
    %slice3A_6 = vector.extract_strided_slice %get3A_3 {offsets = [1], sizes = [1], strides = [1]} : vector<16xf32> to vector<1xf32>
    %squeeze3A_7 = vector.extract %slice3A_6[0] : f32 from vector<1xf32>
    %slice3A_8 = vector.extract_strided_slice %get3A_3 {offsets = [2], sizes = [1], strides = [1]} : vector<16xf32> to vector<1xf32>
    %squeeze3A_9 = vector.extract %slice3A_8[0] : f32 from vector<1xf32>
    %slice3A_10 = vector.extract_strided_slice %get3A_3 {offsets = [3], sizes = [1], strides = [1]} : vector<16xf32> to vector<1xf32>
    %squeeze3A_11 = vector.extract %slice3A_10[0] : f32 from vector<1xf32>
    %slice3A_12 = vector.extract_strided_slice %get3A_3 {offsets = [4], sizes = [1], strides = [1]} : vector<16xf32> to vector<1xf32>
    %squeeze3A_13 = vector.extract %slice3A_12[0] : f32 from vector<1xf32>
    %slice3A_14 = vector.extract_strided_slice %get3A_3 {offsets = [5], sizes = [1], strides = [1]} : vector<16xf32> to vector<1xf32>
    %squeeze3A_15 = vector.extract %slice3A_14[0] : f32 from vector<1xf32>
    %slice3A_16 = vector.extract_strided_slice %get3A_3 {offsets = [6], sizes = [1], strides = [1]} : vector<16xf32> to vector<1xf32>
    %squeeze3A_17 = vector.extract %slice3A_16[0] : f32 from vector<1xf32>
    %slice3A_18 = vector.extract_strided_slice %get3A_3 {offsets = [7], sizes = [1], strides = [1]} : vector<16xf32> to vector<1xf32>
    %squeeze3A_19 = vector.extract %slice3A_18[0] : f32 from vector<1xf32>
    %slice3A_20 = vector.extract_strided_slice %get3A_3 {offsets = [8], sizes = [1], strides = [1]} : vector<16xf32> to vector<1xf32>
    %squeeze3A_21 = vector.extract %slice3A_20[0] : f32 from vector<1xf32>
    %slice3A_22 = vector.extract_strided_slice %get3A_3 {offsets = [9], sizes = [1], strides = [1]} : vector<16xf32> to vector<1xf32>
    %squeeze3A_23 = vector.extract %slice3A_22[0] : f32 from vector<1xf32>
    %slice3A_24 = vector.extract_strided_slice %get3A_3 {offsets = [10], sizes = [1], strides = [1]} : vector<16xf32> to vector<1xf32>
    %squeeze3A_25 = vector.extract %slice3A_24[0] : f32 from vector<1xf32>
    %slice3A_26 = vector.extract_strided_slice %get3A_3 {offsets = [11], sizes = [1], strides = [1]} : vector<16xf32> to vector<1xf32>
    %squeeze3A_27 = vector.extract %slice3A_26[0] : f32 from vector<1xf32>
    %slice3A_28 = vector.extract_strided_slice %get3A_3 {offsets = [12], sizes = [1], strides = [1]} : vector<16xf32> to vector<1xf32>
    %squeeze3A_29 = vector.extract %slice3A_28[0] : f32 from vector<1xf32>
    %slice3A_30 = vector.extract_strided_slice %get3A_3 {offsets = [13], sizes = [1], strides = [1]} : vector<16xf32> to vector<1xf32>
    %squeeze3A_31 = vector.extract %slice3A_30[0] : f32 from vector<1xf32>
    %slice3A_32 = vector.extract_strided_slice %get3A_3 {offsets = [14], sizes = [1], strides = [1]} : vector<16xf32> to vector<1xf32>
    %squeeze3A_33 = vector.extract %slice3A_32[0] : f32 from vector<1xf32>
    %slice3A_34 = vector.extract_strided_slice %get3A_3 {offsets = [15], sizes = [1], strides = [1]} : vector<16xf32> to vector<1xf32>
    %squeeze3A_35 = vector.extract %slice3A_34[0] : f32 from vector<1xf32>
    %slice3A_36 = vector.extract_strided_slice %get3A_5 {offsets = [0], sizes = [1], strides = [1]} : vector<16xf32> to vector<1xf32>
    %squeeze3A_37 = vector.extract %slice3A_36[0] : f32 from vector<1xf32>
    %slice3A_38 = vector.extract_strided_slice %get3A_5 {offsets = [1], sizes = [1], strides = [1]} : vector<16xf32> to vector<1xf32>
    %squeeze3A_39 = vector.extract %slice3A_38[0] : f32 from vector<1xf32>
    %slice3A_40 = vector.extract_strided_slice %get3A_5 {offsets = [2], sizes = [1], strides = [1]} : vector<16xf32> to vector<1xf32>
    %squeeze3A_41 = vector.extract %slice3A_40[0] : f32 from vector<1xf32>
    %slice3A_42 = vector.extract_strided_slice %get3A_5 {offsets = [3], sizes = [1], strides = [1]} : vector<16xf32> to vector<1xf32>
    %squeeze3A_43 = vector.extract %slice3A_42[0] : f32 from vector<1xf32>
    %slice3A_44 = vector.extract_strided_slice %get3A_5 {offsets = [4], sizes = [1], strides = [1]} : vector<16xf32> to vector<1xf32>
    %squeeze3A_45 = vector.extract %slice3A_44[0] : f32 from vector<1xf32>
    %slice3A_46 = vector.extract_strided_slice %get3A_5 {offsets = [5], sizes = [1], strides = [1]} : vector<16xf32> to vector<1xf32>
    %squeeze3A_47 = vector.extract %slice3A_46[0] : f32 from vector<1xf32>
    %slice3A_48 = vector.extract_strided_slice %get3A_5 {offsets = [6], sizes = [1], strides = [1]} : vector<16xf32> to vector<1xf32>
    %squeeze3A_49 = vector.extract %slice3A_48[0] : f32 from vector<1xf32>
    %slice3A_50 = vector.extract_strided_slice %get3A_5 {offsets = [7], sizes = [1], strides = [1]} : vector<16xf32> to vector<1xf32>
    %squeeze3A_51 = vector.extract %slice3A_50[0] : f32 from vector<1xf32>
    %scan3A = arith.constant 0 : i32
    %scan3A_52 = arith.constant 0 : i32
    %scan3A_53 = arith.constant 32 : i32
    %scan3A_54 = arith.addi %scan3A_52, %scan3A_53 : i32
    %scan3A_55 = arith.constant 1 : i32
    scf.for %scan3A_57 = %scan3A_52 to %scan3A_54 step %scan3A_55  : i32 {
      %mul3A_58 = arith.constant 2048 : i32
      %mul3A_59 = arith.muli %scan3A_57, %mul3A_58 : i32
      %add3A_60 = arith.addi %mul3A_2, %mul3A_59 : i32
      "tpu.region"() ({
        %run_scoped3A = tpu.sem_alloc : memref<!tpu.dma_semaphore, #tpu.memory_space<semaphore_mem>>
        %dma_start3A = tpu.memref_slice %arg2[%add3A_60] : memref<6291456xf32, #tpu.memory_space<hbm>> -> memref<2048xf32, #tpu.memory_space<hbm>>
        %dma_start3A_73 = tpu.memref_slice %arg2[%add3A_60] : memref<6291456xf32, #tpu.memory_space<hbm>> -> memref<2048xf32, #tpu.memory_space<hbm>>
        tpu.enqueue_dma source(%dma_start3A_73 : memref<2048xf32, #tpu.memory_space<hbm>>) target(%arg7 : memref<2048xf32, #tpu.memory_space<vmem>>) target_semaphore(%run_scoped3A : memref<!tpu.dma_semaphore, #tpu.memory_space<semaphore_mem>>)
        %dma_wait3A = tpu.memref_slice %arg2[%add3A_60] : memref<6291456xf32, #tpu.memory_space<hbm>> -> memref<2048xf32, #tpu.memory_space<hbm>>
        %dma_wait3A_74 = tpu.memref_slice %arg2[%add3A_60] : memref<6291456xf32, #tpu.memory_space<hbm>> -> memref<2048xf32, #tpu.memory_space<hbm>>
        tpu.wait_dma2 semaphore(%run_scoped3A : memref<!tpu.dma_semaphore, #tpu.memory_space<semaphore_mem>>) src(%dma_wait3A_74 : memref<2048xf32, #tpu.memory_space<hbm>>) dst(%arg7 : memref<2048xf32, #tpu.memory_space<vmem>>)
        tpu.yield
      }) : () -> ()
      %add3A_61 = arith.constant 2097152 : i32
      %add3A_62 = arith.addi %add3A_61, %add3A_60 : i32
      "tpu.region"() ({
        %run_scoped3A = tpu.sem_alloc : memref<!tpu.dma_semaphore, #tpu.memory_space<semaphore_mem>>
        %dma_start3A = tpu.memref_slice %arg2[%add3A_62] : memref<6291456xf32, #tpu.memory_space<hbm>> -> memref<2048xf32, #tpu.memory_space<hbm>>
        %dma_start3A_73 = tpu.memref_slice %arg2[%add3A_62] : memref<6291456xf32, #tpu.memory_space<hbm>> -> memref<2048xf32, #tpu.memory_space<hbm>>
        tpu.enqueue_dma source(%dma_start3A_73 : memref<2048xf32, #tpu.memory_space<hbm>>) target(%arg8 : memref<2048xf32, #tpu.memory_space<vmem>>) target_semaphore(%run_scoped3A : memref<!tpu.dma_semaphore, #tpu.memory_space<semaphore_mem>>)
        %dma_wait3A = tpu.memref_slice %arg2[%add3A_62] : memref<6291456xf32, #tpu.memory_space<hbm>> -> memref<2048xf32, #tpu.memory_space<hbm>>
        %dma_wait3A_74 = tpu.memref_slice %arg2[%add3A_62] : memref<6291456xf32, #tpu.memory_space<hbm>> -> memref<2048xf32, #tpu.memory_space<hbm>>
        tpu.wait_dma2 semaphore(%run_scoped3A : memref<!tpu.dma_semaphore, #tpu.memory_space<semaphore_mem>>) src(%dma_wait3A_74 : memref<2048xf32, #tpu.memory_space<hbm>>) dst(%arg8 : memref<2048xf32, #tpu.memory_space<vmem>>)
        tpu.yield
      }) : () -> ()
      %add3A_63 = arith.constant 4194304 : i32
      %add3A_64 = arith.addi %add3A_63, %add3A_60 : i32
      "tpu.region"() ({
        %run_scoped3A = tpu.sem_alloc : memref<!tpu.dma_semaphore, #tpu.memory_space<semaphore_mem>>
        %dma_start3A = tpu.memref_slice %arg2[%add3A_64] : memref<6291456xf32, #tpu.memory_space<hbm>> -> memref<2048xf32, #tpu.memory_space<hbm>>
        %dma_start3A_73 = tpu.memref_slice %arg2[%add3A_64] : memref<6291456xf32, #tpu.memory_space<hbm>> -> memref<2048xf32, #tpu.memory_space<hbm>>
        tpu.enqueue_dma source(%dma_start3A_73 : memref<2048xf32, #tpu.memory_space<hbm>>) target(%arg9 : memref<2048xf32, #tpu.memory_space<vmem>>) target_semaphore(%run_scoped3A : memref<!tpu.dma_semaphore, #tpu.memory_space<semaphore_mem>>)
        %dma_wait3A = tpu.memref_slice %arg2[%add3A_64] : memref<6291456xf32, #tpu.memory_space<hbm>> -> memref<2048xf32, #tpu.memory_space<hbm>>
        %dma_wait3A_74 = tpu.memref_slice %arg2[%add3A_64] : memref<6291456xf32, #tpu.memory_space<hbm>> -> memref<2048xf32, #tpu.memory_space<hbm>>
        tpu.wait_dma2 semaphore(%run_scoped3A : memref<!tpu.dma_semaphore, #tpu.memory_space<semaphore_mem>>) src(%dma_wait3A_74 : memref<2048xf32, #tpu.memory_space<hbm>>) dst(%arg9 : memref<2048xf32, #tpu.memory_space<vmem>>)
        tpu.yield
      }) : () -> ()
      "tpu.region"() ({
        %run_scoped3A = tpu.sem_alloc : memref<!tpu.dma_semaphore, #tpu.memory_space<semaphore_mem>>
        %dma_start3A = tpu.memref_slice %arg3[%add3A_60] : memref<6291456xf32, #tpu.memory_space<hbm>> -> memref<2048xf32, #tpu.memory_space<hbm>>
        %dma_start3A_73 = tpu.memref_slice %arg3[%add3A_60] : memref<6291456xf32, #tpu.memory_space<hbm>> -> memref<2048xf32, #tpu.memory_space<hbm>>
        tpu.enqueue_dma source(%dma_start3A_73 : memref<2048xf32, #tpu.memory_space<hbm>>) target(%arg10 : memref<2048xf32, #tpu.memory_space<vmem>>) target_semaphore(%run_scoped3A : memref<!tpu.dma_semaphore, #tpu.memory_space<semaphore_mem>>)
        %dma_wait3A = tpu.memref_slice %arg3[%add3A_60] : memref<6291456xf32, #tpu.memory_space<hbm>> -> memref<2048xf32, #tpu.memory_space<hbm>>
        %dma_wait3A_74 = tpu.memref_slice %arg3[%add3A_60] : memref<6291456xf32, #tpu.memory_space<hbm>> -> memref<2048xf32, #tpu.memory_space<hbm>>
        tpu.wait_dma2 semaphore(%run_scoped3A : memref<!tpu.dma_semaphore, #tpu.memory_space<semaphore_mem>>) src(%dma_wait3A_74 : memref<2048xf32, #tpu.memory_space<hbm>>) dst(%arg10 : memref<2048xf32, #tpu.memory_space<vmem>>)
        tpu.yield
      }) : () -> ()
      %add3A_65 = arith.constant 2097152 : i32
      %add3A_66 = arith.addi %add3A_65, %add3A_60 : i32
      "tpu.region"() ({
        %run_scoped3A = tpu.sem_alloc : memref<!tpu.dma_semaphore, #tpu.memory_space<semaphore_mem>>
        %dma_start3A = tpu.memref_slice %arg3[%add3A_66] : memref<6291456xf32, #tpu.memory_space<hbm>> -> memref<2048xf32, #tpu.memory_space<hbm>>
        %dma_start3A_73 = tpu.memref_slice %arg3[%add3A_66] : memref<6291456xf32, #tpu.memory_space<hbm>> -> memref<2048xf32, #tpu.memory_space<hbm>>
        tpu.enqueue_dma source(%dma_start3A_73 : memref<2048xf32, #tpu.memory_space<hbm>>) target(%arg11 : memref<2048xf32, #tpu.memory_space<vmem>>) target_semaphore(%run_scoped3A : memref<!tpu.dma_semaphore, #tpu.memory_space<semaphore_mem>>)
        %dma_wait3A = tpu.memref_slice %arg3[%add3A_66] : memref<6291456xf32, #tpu.memory_space<hbm>> -> memref<2048xf32, #tpu.memory_space<hbm>>
        %dma_wait3A_74 = tpu.memref_slice %arg3[%add3A_66] : memref<6291456xf32, #tpu.memory_space<hbm>> -> memref<2048xf32, #tpu.memory_space<hbm>>
        tpu.wait_dma2 semaphore(%run_scoped3A : memref<!tpu.dma_semaphore, #tpu.memory_space<semaphore_mem>>) src(%dma_wait3A_74 : memref<2048xf32, #tpu.memory_space<hbm>>) dst(%arg11 : memref<2048xf32, #tpu.memory_space<vmem>>)
        tpu.yield
      }) : () -> ()
      %add3A_67 = arith.constant 4194304 : i32
      %add3A_68 = arith.addi %add3A_67, %add3A_60 : i32
      "tpu.region"() ({
        %run_scoped3A = tpu.sem_alloc : memref<!tpu.dma_semaphore, #tpu.memory_space<semaphore_mem>>
        %dma_start3A = tpu.memref_slice %arg3[%add3A_68] : memref<6291456xf32, #tpu.memory_space<hbm>> -> memref<2048xf32, #tpu.memory_space<hbm>>
        %dma_start3A_73 = tpu.memref_slice %arg3[%add3A_68] : memref<6291456xf32, #tpu.memory_space<hbm>> -> memref<2048xf32, #tpu.memory_space<hbm>>
        tpu.enqueue_dma source(%dma_start3A_73 : memref<2048xf32, #tpu.memory_space<hbm>>) target(%arg12 : memref<2048xf32, #tpu.memory_space<vmem>>) target_semaphore(%run_scoped3A : memref<!tpu.dma_semaphore, #tpu.memory_space<semaphore_mem>>)
        %dma_wait3A = tpu.memref_slice %arg3[%add3A_68] : memref<6291456xf32, #tpu.memory_space<hbm>> -> memref<2048xf32, #tpu.memory_space<hbm>>
        %dma_wait3A_74 = tpu.memref_slice %arg3[%add3A_68] : memref<6291456xf32, #tpu.memory_space<hbm>> -> memref<2048xf32, #tpu.memory_space<hbm>>
        tpu.wait_dma2 semaphore(%run_scoped3A : memref<!tpu.dma_semaphore, #tpu.memory_space<semaphore_mem>>) src(%dma_wait3A_74 : memref<2048xf32, #tpu.memory_space<hbm>>) dst(%arg12 : memref<2048xf32, #tpu.memory_space<vmem>>)
        tpu.yield
      }) : () -> ()
      "tpu.region"() ({
        %run_scoped3A = tpu.sem_alloc : memref<!tpu.dma_semaphore, #tpu.memory_space<semaphore_mem>>
        %dma_start3A = tpu.memref_slice %arg4[%add3A_60] : memref<2097152xf32, #tpu.memory_space<hbm>> -> memref<2048xf32, #tpu.memory_space<hbm>>
        %dma_start3A_73 = tpu.memref_slice %arg4[%add3A_60] : memref<2097152xf32, #tpu.memory_space<hbm>> -> memref<2048xf32, #tpu.memory_space<hbm>>
        tpu.enqueue_dma source(%dma_start3A_73 : memref<2048xf32, #tpu.memory_space<hbm>>) target(%arg13 : memref<2048xf32, #tpu.memory_space<vmem>>) target_semaphore(%run_scoped3A : memref<!tpu.dma_semaphore, #tpu.memory_space<semaphore_mem>>)
        %dma_wait3A = tpu.memref_slice %arg4[%add3A_60] : memref<2097152xf32, #tpu.memory_space<hbm>> -> memref<2048xf32, #tpu.memory_space<hbm>>
        %dma_wait3A_74 = tpu.memref_slice %arg4[%add3A_60] : memref<2097152xf32, #tpu.memory_space<hbm>> -> memref<2048xf32, #tpu.memory_space<hbm>>
        tpu.wait_dma2 semaphore(%run_scoped3A : memref<!tpu.dma_semaphore, #tpu.memory_space<semaphore_mem>>) src(%dma_wait3A_74 : memref<2048xf32, #tpu.memory_space<hbm>>) dst(%arg13 : memref<2048xf32, #tpu.memory_space<vmem>>)
        tpu.yield
      }) : () -> ()
      %parallel_loop3A = arith.constant 0 : i32
      %parallel_loop3A_69 = arith.constant 128 : i32
      %parallel_loop3A_70 = arith.constant 1 : i32
      scf.for %parallel_loop3A_73 = %parallel_loop3A to %parallel_loop3A_69 step %parallel_loop3A_70  : i32 {
        %parallel_loop3A_74 = tpu.iota {dimensions = array<i32: 0>} : vector<16xi32>
        %parallel_loop3A_75 = arith.constant 16 : i32
        %parallel_loop3A_76 = arith.muli %parallel_loop3A_73, %parallel_loop3A_75 : i32
        %parallel_loop3A_77 = arith.index_cast %parallel_loop3A_76 : i32 to index
        %parallel_loop3A_78 = tpu.vector_load %arg7[%parallel_loop3A_77] {strides = array<i32>} : memref<2048xf32, #tpu.memory_space<vmem>>, vector<16xf32>,
        %parallel_loop3A_79 = arith.index_cast %parallel_loop3A_76 : i32 to index
        %parallel_loop3A_80 = tpu.vector_load %arg8[%parallel_loop3A_79] {strides = array<i32>} : memref<2048xf32, #tpu.memory_space<vmem>>, vector<16xf32>,
        %parallel_loop3A_81 = arith.index_cast %parallel_loop3A_76 : i32 to index
        %parallel_loop3A_82 = tpu.vector_load %arg9[%parallel_loop3A_81] {strides = array<i32>} : memref<2048xf32, #tpu.memory_space<vmem>>, vector<16xf32>,
        %parallel_loop3A_83 = arith.index_cast %parallel_loop3A_76 : i32 to index
        %parallel_loop3A_84 = tpu.vector_load %arg10[%parallel_loop3A_83] {strides = array<i32>} : memref<2048xf32, #tpu.memory_space<vmem>>, vector<16xf32>,
        %parallel_loop3A_85 = arith.index_cast %parallel_loop3A_76 : i32 to index
        %parallel_loop3A_86 = tpu.vector_load %arg11[%parallel_loop3A_85] {strides = array<i32>} : memref<2048xf32, #tpu.memory_space<vmem>>, vector<16xf32>,
        %parallel_loop3A_87 = arith.index_cast %parallel_loop3A_76 : i32 to index
        %parallel_loop3A_88 = tpu.vector_load %arg12[%parallel_loop3A_87] {strides = array<i32>} : memref<2048xf32, #tpu.memory_space<vmem>>, vector<16xf32>,
        %parallel_loop3A_89 = arith.index_cast %parallel_loop3A_76 : i32 to index
        %parallel_loop3A_90 = tpu.vector_load %arg13[%parallel_loop3A_89] {strides = array<i32>} : memref<2048xf32, #tpu.memory_space<vmem>>, vector<16xf32>,
        %parallel_loop3A_91 = arith.mulf %parallel_loop3A_84, %parallel_loop3A_84 : vector<16xf32>
        %parallel_loop3A_92 = arith.mulf %parallel_loop3A_86, %parallel_loop3A_86 : vector<16xf32>
        %parallel_loop3A_93 = arith.addf %parallel_loop3A_91, %parallel_loop3A_92 : vector<16xf32>
        %parallel_loop3A_94 = arith.mulf %parallel_loop3A_88, %parallel_loop3A_88 : vector<16xf32>
        %parallel_loop3A_95 = arith.addf %parallel_loop3A_93, %parallel_loop3A_94 : vector<16xf32>
        %parallel_loop3A_96 = tpu.bitcast %parallel_loop3A_95 : vector<16xf32> -> vector<16xi32>
        %parallel_loop3A_97 = arith.constant 1 : i32
        %parallel_loop3A_98 = vector.broadcast %parallel_loop3A_97 : i32 to vector<16xi32>
        %parallel_loop3A_99 = arith.shrui %parallel_loop3A_96, %parallel_loop3A_98 : vector<16xi32>
        %parallel_loop3A_100 = arith.constant 1597463007 : i32
        %parallel_loop3A_101 = vector.broadcast %parallel_loop3A_100 : i32 to vector<16xi32>
        %parallel_loop3A_102 = arith.subi %parallel_loop3A_101, %parallel_loop3A_99 : vector<16xi32>
        %parallel_loop3A_103 = tpu.bitcast %parallel_loop3A_102 : vector<16xi32> -> vector<16xf32>
        %parallel_loop3A_104 = arith.constant 5.000000e-01 : f32
        %parallel_loop3A_105 = vector.broadcast %parallel_loop3A_104 : f32 to vector<16xf32>
        %parallel_loop3A_106 = arith.mulf %parallel_loop3A_105, %parallel_loop3A_95 : vector<16xf32>
        %parallel_loop3A_107 = arith.mulf %parallel_loop3A_106, %parallel_loop3A_103 : vector<16xf32>
        %parallel_loop3A_108 = arith.mulf %parallel_loop3A_107, %parallel_loop3A_103 : vector<16xf32>
        %parallel_loop3A_109 = arith.constant 1.500000e+00 : f32
        %parallel_loop3A_110 = vector.broadcast %parallel_loop3A_109 : f32 to vector<16xf32>
        %parallel_loop3A_111 = arith.subf %parallel_loop3A_110, %parallel_loop3A_108 : vector<16xf32>
        %parallel_loop3A_112 = arith.mulf %parallel_loop3A_103, %parallel_loop3A_111 : vector<16xf32>
        %parallel_loop3A_113 = arith.constant 5.000000e-01 : f32
        %parallel_loop3A_114 = vector.broadcast %parallel_loop3A_113 : f32 to vector<16xf32>
        %parallel_loop3A_115 = arith.mulf %parallel_loop3A_114, %parallel_loop3A_95 : vector<16xf32>
        %parallel_loop3A_116 = arith.mulf %parallel_loop3A_115, %parallel_loop3A_112 : vector<16xf32>
        %parallel_loop3A_117 = arith.mulf %parallel_loop3A_116, %parallel_loop3A_112 : vector<16xf32>
        %parallel_loop3A_118 = arith.constant 1.500000e+00 : f32
        %parallel_loop3A_119 = vector.broadcast %parallel_loop3A_118 : f32 to vector<16xf32>
        %parallel_loop3A_120 = arith.subf %parallel_loop3A_119, %parallel_loop3A_117 : vector<16xf32>
        %parallel_loop3A_121 = arith.mulf %parallel_loop3A_112, %parallel_loop3A_120 : vector<16xf32>
        %parallel_loop3A_122 = arith.mulf %parallel_loop3A_84, %parallel_loop3A_121 : vector<16xf32>
        %parallel_loop3A_123 = arith.mulf %parallel_loop3A_86, %parallel_loop3A_121 : vector<16xf32>
        %parallel_loop3A_124 = arith.mulf %parallel_loop3A_88, %parallel_loop3A_121 : vector<16xf32>
        %parallel_loop3A_125 = arith.mulf %squeeze3A_9, %squeeze3A_9 : f32
        %parallel_loop3A_126 = math.absf %parallel_loop3A_124 : vector<16xf32>
        %parallel_loop3A_127 = arith.constant 9.99999997E-7 : f32
        %parallel_loop3A_128 = vector.broadcast %parallel_loop3A_127 : f32 to vector<16xf32>
        %parallel_loop3A_129 = arith.cmpf ogt, %parallel_loop3A_126, %parallel_loop3A_128 : vector<16xf32>
        %parallel_loop3A_130 = arith.constant 1.000000e+00 : f32
        %parallel_loop3A_131 = vector.broadcast %parallel_loop3A_130 : f32 to vector<16xf32>
        %parallel_loop3A_132 = arith.select %parallel_loop3A_129, %parallel_loop3A_124, %parallel_loop3A_131 : vector<16xi1>, vector<16xf32>
        %parallel_loop3A_133 = vector.broadcast %squeeze3A : f32 to vector<16xf32>
        %parallel_loop3A_134 = arith.subf %parallel_loop3A_133, %parallel_loop3A_82 : vector<16xf32>
        %parallel_loop3A_135 = arith.divf %parallel_loop3A_134, %parallel_loop3A_132 : vector<16xf32>
        %parallel_loop3A_136 = arith.constant 9.99999997E-7 : f32
        %parallel_loop3A_137 = vector.broadcast %parallel_loop3A_136 : f32 to vector<16xf32>
        %parallel_loop3A_138 = arith.cmpf ogt, %parallel_loop3A_135, %parallel_loop3A_137 : vector<16xf32>
        %parallel_loop3A_139 = arith.andi %parallel_loop3A_129, %parallel_loop3A_138 : vector<16xi1>
        %parallel_loop3A_140 = arith.mulf %parallel_loop3A_135, %parallel_loop3A_122 : vector<16xf32>
        %parallel_loop3A_141 = arith.addf %parallel_loop3A_78, %parallel_loop3A_140 : vector<16xf32>
        %parallel_loop3A_142 = arith.mulf %parallel_loop3A_135, %parallel_loop3A_123 : vector<16xf32>
        %parallel_loop3A_143 = arith.addf %parallel_loop3A_80, %parallel_loop3A_142 : vector<16xf32>
        %parallel_loop3A_144 = arith.mulf %parallel_loop3A_135, %parallel_loop3A_124 : vector<16xf32>
        %parallel_loop3A_145 = arith.addf %parallel_loop3A_82, %parallel_loop3A_144 : vector<16xf32>
        %parallel_loop3A_146 = vector.broadcast %squeeze3A_7 : f32 to vector<16xf32>
        %parallel_loop3A_147 = arith.mulf %parallel_loop3A_146, %parallel_loop3A_141 : vector<16xf32>
        %parallel_loop3A_148 = vector.broadcast %squeeze3A_7 : f32 to vector<16xf32>
        %parallel_loop3A_149 = arith.mulf %parallel_loop3A_148, %parallel_loop3A_143 : vector<16xf32>
        %parallel_loop3A_150 = arith.mulf %parallel_loop3A_147, %parallel_loop3A_147 : vector<16xf32>
        %parallel_loop3A_151 = arith.mulf %parallel_loop3A_149, %parallel_loop3A_149 : vector<16xf32>
        %parallel_loop3A_152 = arith.addf %parallel_loop3A_150, %parallel_loop3A_151 : vector<16xf32>
        %parallel_loop3A_153 = arith.constant 1.000000e+00 : f32
        %parallel_loop3A_154 = vector.broadcast %parallel_loop3A_153 : f32 to vector<16xf32>
        %parallel_loop3A_155 = arith.addf %parallel_loop3A_152, %parallel_loop3A_154 : vector<16xf32>
        %parallel_loop3A_156 = tpu.bitcast %parallel_loop3A_155 : vector<16xf32> -> vector<16xi32>
        %parallel_loop3A_157 = arith.constant 1 : i32
        %parallel_loop3A_158 = vector.broadcast %parallel_loop3A_157 : i32 to vector<16xi32>
        %parallel_loop3A_159 = arith.shrui %parallel_loop3A_156, %parallel_loop3A_158 : vector<16xi32>
        %parallel_loop3A_160 = arith.constant 1597463007 : i32
        %parallel_loop3A_161 = vector.broadcast %parallel_loop3A_160 : i32 to vector<16xi32>
        %parallel_loop3A_162 = arith.subi %parallel_loop3A_161, %parallel_loop3A_159 : vector<16xi32>
        %parallel_loop3A_163 = tpu.bitcast %parallel_loop3A_162 : vector<16xi32> -> vector<16xf32>
        %parallel_loop3A_164 = arith.constant 5.000000e-01 : f32
        %parallel_loop3A_165 = vector.broadcast %parallel_loop3A_164 : f32 to vector<16xf32>
        %parallel_loop3A_166 = arith.mulf %parallel_loop3A_165, %parallel_loop3A_155 : vector<16xf32>
        %parallel_loop3A_167 = arith.mulf %parallel_loop3A_166, %parallel_loop3A_163 : vector<16xf32>
        %parallel_loop3A_168 = arith.mulf %parallel_loop3A_167, %parallel_loop3A_163 : vector<16xf32>
        %parallel_loop3A_169 = arith.constant 1.500000e+00 : f32
        %parallel_loop3A_170 = vector.broadcast %parallel_loop3A_169 : f32 to vector<16xf32>
        %parallel_loop3A_171 = arith.subf %parallel_loop3A_170, %parallel_loop3A_168 : vector<16xf32>
        %parallel_loop3A_172 = arith.mulf %parallel_loop3A_163, %parallel_loop3A_171 : vector<16xf32>
        %parallel_loop3A_173 = arith.constant 5.000000e-01 : f32
        %parallel_loop3A_174 = vector.broadcast %parallel_loop3A_173 : f32 to vector<16xf32>
        %parallel_loop3A_175 = arith.mulf %parallel_loop3A_174, %parallel_loop3A_155 : vector<16xf32>
        %parallel_loop3A_176 = arith.mulf %parallel_loop3A_175, %parallel_loop3A_172 : vector<16xf32>
        %parallel_loop3A_177 = arith.mulf %parallel_loop3A_176, %parallel_loop3A_172 : vector<16xf32>
        %parallel_loop3A_178 = arith.constant 1.500000e+00 : f32
        %parallel_loop3A_179 = vector.broadcast %parallel_loop3A_178 : f32 to vector<16xf32>
        %parallel_loop3A_180 = arith.subf %parallel_loop3A_179, %parallel_loop3A_177 : vector<16xf32>
        %parallel_loop3A_181 = arith.mulf %parallel_loop3A_172, %parallel_loop3A_180 : vector<16xf32>
        %parallel_loop3A_182 = arith.mulf %parallel_loop3A_122, %parallel_loop3A_147 : vector<16xf32>
        %parallel_loop3A_183 = arith.mulf %parallel_loop3A_123, %parallel_loop3A_149 : vector<16xf32>
        %parallel_loop3A_184 = arith.addf %parallel_loop3A_182, %parallel_loop3A_183 : vector<16xf32>
        %parallel_loop3A_185 = arith.addf %parallel_loop3A_184, %parallel_loop3A_124 : vector<16xf32>
        %parallel_loop3A_186 = arith.mulf %parallel_loop3A_185, %parallel_loop3A_181 : vector<16xf32>
        %parallel_loop3A_187 = arith.constant -1.000000e+00 : f32
        %parallel_loop3A_188 = arith.constant 1.000000e+00 : f32
        %parallel_loop3A_189 = vector.broadcast %parallel_loop3A_187 : f32 to vector<16xf32>
        %parallel_loop3A_190 = arith.maximumf %parallel_loop3A_189, %parallel_loop3A_186 : vector<16xf32>
        %parallel_loop3A_191 = vector.broadcast %parallel_loop3A_188 : f32 to vector<16xf32>
        %parallel_loop3A_192 = arith.minimumf %parallel_loop3A_191, %parallel_loop3A_190 : vector<16xf32>
        %parallel_loop3A_193 = arith.mulf %parallel_loop3A_192, %parallel_loop3A_192 : vector<16xf32>
        %parallel_loop3A_194 = arith.constant 1.000000e+00 : f32
        %parallel_loop3A_195 = vector.broadcast %parallel_loop3A_194 : f32 to vector<16xf32>
        %parallel_loop3A_196 = arith.subf %parallel_loop3A_195, %parallel_loop3A_193 : vector<16xf32>
        %parallel_loop3A_197 = arith.constant 0.000000e+00 : f32
        %parallel_loop3A_198 = vector.broadcast %parallel_loop3A_197 : f32 to vector<16xf32>
        %parallel_loop3A_199 = arith.maximumf %parallel_loop3A_198, %parallel_loop3A_196 : vector<16xf32>
        %parallel_loop3A_200 = vector.broadcast %parallel_loop3A_125 : f32 to vector<16xf32>
        %parallel_loop3A_201 = arith.mulf %parallel_loop3A_200, %parallel_loop3A_199 : vector<16xf32>
        %parallel_loop3A_202 = arith.constant 1.000000e+00 : f32
        %parallel_loop3A_203 = vector.broadcast %parallel_loop3A_202 : f32 to vector<16xf32>
        %parallel_loop3A_204 = arith.subf %parallel_loop3A_203, %parallel_loop3A_201 : vector<16xf32>
        %parallel_loop3A_205 = arith.constant 9.99999993E-9 : f32
        %parallel_loop3A_206 = vector.broadcast %parallel_loop3A_205 : f32 to vector<16xf32>
        %parallel_loop3A_207 = arith.maximumf %parallel_loop3A_206, %parallel_loop3A_204 : vector<16xf32>
        %parallel_loop3A_208 = tpu.bitcast %parallel_loop3A_207 : vector<16xf32> -> vector<16xi32>
        %parallel_loop3A_209 = arith.constant 1 : i32
        %parallel_loop3A_210 = vector.broadcast %parallel_loop3A_209 : i32 to vector<16xi32>
        %parallel_loop3A_211 = arith.shrui %parallel_loop3A_208, %parallel_loop3A_210 : vector<16xi32>
        %parallel_loop3A_212 = arith.constant 1597463007 : i32
        %parallel_loop3A_213 = vector.broadcast %parallel_loop3A_212 : i32 to vector<16xi32>
        %parallel_loop3A_214 = arith.subi %parallel_loop3A_213, %parallel_loop3A_211 : vector<16xi32>
        %parallel_loop3A_215 = tpu.bitcast %parallel_loop3A_214 : vector<16xi32> -> vector<16xf32>
        %parallel_loop3A_216 = arith.constant 5.000000e-01 : f32
        %parallel_loop3A_217 = vector.broadcast %parallel_loop3A_216 : f32 to vector<16xf32>
        %parallel_loop3A_218 = arith.mulf %parallel_loop3A_217, %parallel_loop3A_207 : vector<16xf32>
        %parallel_loop3A_219 = arith.mulf %parallel_loop3A_218, %parallel_loop3A_215 : vector<16xf32>
        %parallel_loop3A_220 = arith.mulf %parallel_loop3A_219, %parallel_loop3A_215 : vector<16xf32>
        %parallel_loop3A_221 = arith.constant 1.500000e+00 : f32
        %parallel_loop3A_222 = vector.broadcast %parallel_loop3A_221 : f32 to vector<16xf32>
        %parallel_loop3A_223 = arith.subf %parallel_loop3A_222, %parallel_loop3A_220 : vector<16xf32>
        %parallel_loop3A_224 = arith.mulf %parallel_loop3A_215, %parallel_loop3A_223 : vector<16xf32>
        %parallel_loop3A_225 = arith.constant 5.000000e-01 : f32
        %parallel_loop3A_226 = vector.broadcast %parallel_loop3A_225 : f32 to vector<16xf32>
        %parallel_loop3A_227 = arith.mulf %parallel_loop3A_226, %parallel_loop3A_207 : vector<16xf32>
        %parallel_loop3A_228 = arith.mulf %parallel_loop3A_227, %parallel_loop3A_224 : vector<16xf32>
        %parallel_loop3A_229 = arith.mulf %parallel_loop3A_228, %parallel_loop3A_224 : vector<16xf32>
        %parallel_loop3A_230 = arith.constant 1.500000e+00 : f32
        %parallel_loop3A_231 = vector.broadcast %parallel_loop3A_230 : f32 to vector<16xf32>
        %parallel_loop3A_232 = arith.subf %parallel_loop3A_231, %parallel_loop3A_229 : vector<16xf32>
        %parallel_loop3A_233 = arith.mulf %parallel_loop3A_224, %parallel_loop3A_232 : vector<16xf32>
        %parallel_loop3A_234 = arith.mulf %parallel_loop3A_207, %parallel_loop3A_233 : vector<16xf32>
        %parallel_loop3A_235 = vector.broadcast %squeeze3A_9 : f32 to vector<16xf32>
        %parallel_loop3A_236 = arith.mulf %parallel_loop3A_235, %parallel_loop3A_192 : vector<16xf32>
        %parallel_loop3A_237 = arith.subf %parallel_loop3A_236, %parallel_loop3A_234 : vector<16xf32>
        %parallel_loop3A_238 = arith.mulf %parallel_loop3A_237, %parallel_loop3A_181 : vector<16xf32>
        %parallel_loop3A_239 = vector.broadcast %squeeze3A_9 : f32 to vector<16xf32>
        %parallel_loop3A_240 = arith.mulf %parallel_loop3A_239, %parallel_loop3A_122 : vector<16xf32>
        %parallel_loop3A_241 = arith.mulf %parallel_loop3A_238, %parallel_loop3A_147 : vector<16xf32>
        %parallel_loop3A_242 = arith.subf %parallel_loop3A_240, %parallel_loop3A_241 : vector<16xf32>
        %parallel_loop3A_243 = vector.broadcast %squeeze3A_9 : f32 to vector<16xf32>
        %parallel_loop3A_244 = arith.mulf %parallel_loop3A_243, %parallel_loop3A_123 : vector<16xf32>
        %parallel_loop3A_245 = arith.mulf %parallel_loop3A_238, %parallel_loop3A_149 : vector<16xf32>
        %parallel_loop3A_246 = arith.subf %parallel_loop3A_244, %parallel_loop3A_245 : vector<16xf32>
        %parallel_loop3A_247 = vector.broadcast %squeeze3A_9 : f32 to vector<16xf32>
        %parallel_loop3A_248 = arith.mulf %parallel_loop3A_247, %parallel_loop3A_124 : vector<16xf32>
        %parallel_loop3A_249 = arith.subf %parallel_loop3A_248, %parallel_loop3A_238 : vector<16xf32>
        %parallel_loop3A_250 = vector.broadcast %squeeze3A_9 : f32 to vector<16xf32>
        %parallel_loop3A_251 = arith.mulf %parallel_loop3A_250, %parallel_loop3A_192 : vector<16xf32>
        %parallel_loop3A_252 = vector.broadcast %squeeze3A_9 : f32 to vector<16xf32>
        %parallel_loop3A_253 = arith.mulf %parallel_loop3A_252, %parallel_loop3A_192 : vector<16xf32>
        %parallel_loop3A_254 = arith.mulf %parallel_loop3A_251, %parallel_loop3A_253 : vector<16xf32>
        %parallel_loop3A_255 = vector.broadcast %parallel_loop3A_125 : f32 to vector<16xf32>
        %parallel_loop3A_256 = arith.subf %parallel_loop3A_255, %parallel_loop3A_254 : vector<16xf32>
        %parallel_loop3A_257 = arith.addf %parallel_loop3A_256, %parallel_loop3A_207 : vector<16xf32>
        %parallel_loop3A_258 = tpu.bitcast %parallel_loop3A_257 : vector<16xf32> -> vector<16xi32>
        %parallel_loop3A_259 = arith.constant 1 : i32
        %parallel_loop3A_260 = vector.broadcast %parallel_loop3A_259 : i32 to vector<16xi32>
        %parallel_loop3A_261 = arith.shrui %parallel_loop3A_258, %parallel_loop3A_260 : vector<16xi32>
        %parallel_loop3A_262 = arith.constant 1597463007 : i32
        %parallel_loop3A_263 = vector.broadcast %parallel_loop3A_262 : i32 to vector<16xi32>
        %parallel_loop3A_264 = arith.subi %parallel_loop3A_263, %parallel_loop3A_261 : vector<16xi32>
        %parallel_loop3A_265 = tpu.bitcast %parallel_loop3A_264 : vector<16xi32> -> vector<16xf32>
        %parallel_loop3A_266 = arith.constant 5.000000e-01 : f32
        %parallel_loop3A_267 = vector.broadcast %parallel_loop3A_266 : f32 to vector<16xf32>
        %parallel_loop3A_268 = arith.mulf %parallel_loop3A_267, %parallel_loop3A_257 : vector<16xf32>
        %parallel_loop3A_269 = arith.mulf %parallel_loop3A_268, %parallel_loop3A_265 : vector<16xf32>
        %parallel_loop3A_270 = arith.mulf %parallel_loop3A_269, %parallel_loop3A_265 : vector<16xf32>
        %parallel_loop3A_271 = arith.constant 1.500000e+00 : f32
        %parallel_loop3A_272 = vector.broadcast %parallel_loop3A_271 : f32 to vector<16xf32>
        %parallel_loop3A_273 = arith.subf %parallel_loop3A_272, %parallel_loop3A_270 : vector<16xf32>
        %parallel_loop3A_274 = arith.mulf %parallel_loop3A_265, %parallel_loop3A_273 : vector<16xf32>
        %parallel_loop3A_275 = arith.constant 5.000000e-01 : f32
        %parallel_loop3A_276 = vector.broadcast %parallel_loop3A_275 : f32 to vector<16xf32>
        %parallel_loop3A_277 = arith.mulf %parallel_loop3A_276, %parallel_loop3A_257 : vector<16xf32>
        %parallel_loop3A_278 = arith.mulf %parallel_loop3A_277, %parallel_loop3A_274 : vector<16xf32>
        %parallel_loop3A_279 = arith.mulf %parallel_loop3A_278, %parallel_loop3A_274 : vector<16xf32>
        %parallel_loop3A_280 = arith.constant 1.500000e+00 : f32
        %parallel_loop3A_281 = vector.broadcast %parallel_loop3A_280 : f32 to vector<16xf32>
        %parallel_loop3A_282 = arith.subf %parallel_loop3A_281, %parallel_loop3A_279 : vector<16xf32>
        %parallel_loop3A_283 = arith.mulf %parallel_loop3A_274, %parallel_loop3A_282 : vector<16xf32>
        %parallel_loop3A_284 = arith.mulf %parallel_loop3A_242, %parallel_loop3A_283 : vector<16xf32>
        %parallel_loop3A_285 = arith.mulf %parallel_loop3A_246, %parallel_loop3A_283 : vector<16xf32>
        %parallel_loop3A_286 = arith.mulf %parallel_loop3A_249, %parallel_loop3A_283 : vector<16xf32>
        %parallel_loop3A_287 = arith.constant 1.000000e+00 : f32
        %parallel_loop3A_288 = vector.broadcast %parallel_loop3A_287 : f32 to vector<16xf32>
        %parallel_loop3A_289 = arith.subf %parallel_loop3A_288, %parallel_loop3A_192 : vector<16xf32>
        %parallel_loop3A_290 = arith.constant 4.000000e-02 : f32
        %parallel_loop3A_291 = vector.broadcast %parallel_loop3A_290 : f32 to vector<16xf32>
        %parallel_loop3A_292 = arith.mulf %parallel_loop3A_291, %parallel_loop3A_289 : vector<16xf32>
        %parallel_loop3A_293 = arith.mulf %parallel_loop3A_292, %parallel_loop3A_289 : vector<16xf32>
        %parallel_loop3A_294 = arith.constant 1.000000e+00 : f32
        %parallel_loop3A_295 = vector.broadcast %parallel_loop3A_294 : f32 to vector<16xf32>
        %parallel_loop3A_296 = arith.subf %parallel_loop3A_295, %parallel_loop3A_293 : vector<16xf32>
        %parallel_loop3A_297 = arith.constant 0.000000e+00 : f32
        %parallel_loop3A_298 = arith.constant 1.000000e+00 : f32
        %parallel_loop3A_299 = vector.broadcast %parallel_loop3A_297 : f32 to vector<16xf32>
        %parallel_loop3A_300 = arith.maximumf %parallel_loop3A_299, %parallel_loop3A_296 : vector<16xf32>
        %parallel_loop3A_301 = vector.broadcast %parallel_loop3A_298 : f32 to vector<16xf32>
        %parallel_loop3A_302 = arith.minimumf %parallel_loop3A_301, %parallel_loop3A_300 : vector<16xf32>
        %parallel_loop3A_303 = arith.mulf %parallel_loop3A_90, %parallel_loop3A_302 : vector<16xf32>
        %parallel_loop3A_304 = arith.select %parallel_loop3A_139, %parallel_loop3A_141, %parallel_loop3A_78 : vector<16xi1>, vector<16xf32>
        %parallel_loop3A_305 = arith.select %parallel_loop3A_139, %parallel_loop3A_143, %parallel_loop3A_80 : vector<16xi1>, vector<16xf32>
        %parallel_loop3A_306 = arith.select %parallel_loop3A_139, %parallel_loop3A_145, %parallel_loop3A_82 : vector<16xi1>, vector<16xf32>
        %parallel_loop3A_307 = arith.select %parallel_loop3A_139, %parallel_loop3A_284, %parallel_loop3A_122 : vector<16xi1>, vector<16xf32>
        %parallel_loop3A_308 = arith.select %parallel_loop3A_139, %parallel_loop3A_285, %parallel_loop3A_123 : vector<16xi1>, vector<16xf32>
        %parallel_loop3A_309 = arith.select %parallel_loop3A_139, %parallel_loop3A_286, %parallel_loop3A_124 : vector<16xi1>, vector<16xf32>
        %parallel_loop3A_310 = arith.select %parallel_loop3A_139, %parallel_loop3A_303, %parallel_loop3A_90 : vector<16xi1>, vector<16xf32>
        %parallel_loop3A_311 = arith.mulf %squeeze3A_15, %squeeze3A_15 : f32
        %parallel_loop3A_312 = math.absf %parallel_loop3A_309 : vector<16xf32>
        %parallel_loop3A_313 = arith.constant 9.99999997E-7 : f32
        %parallel_loop3A_314 = vector.broadcast %parallel_loop3A_313 : f32 to vector<16xf32>
        %parallel_loop3A_315 = arith.cmpf ogt, %parallel_loop3A_312, %parallel_loop3A_314 : vector<16xf32>
        %parallel_loop3A_316 = arith.constant 1.000000e+00 : f32
        %parallel_loop3A_317 = vector.broadcast %parallel_loop3A_316 : f32 to vector<16xf32>
        %parallel_loop3A_318 = arith.select %parallel_loop3A_315, %parallel_loop3A_309, %parallel_loop3A_317 : vector<16xi1>, vector<16xf32>
        %parallel_loop3A_319 = vector.broadcast %squeeze3A_11 : f32 to vector<16xf32>
        %parallel_loop3A_320 = arith.subf %parallel_loop3A_319, %parallel_loop3A_306 : vector<16xf32>
        %parallel_loop3A_321 = arith.divf %parallel_loop3A_320, %parallel_loop3A_318 : vector<16xf32>
        %parallel_loop3A_322 = arith.constant 9.99999997E-7 : f32
        %parallel_loop3A_323 = vector.broadcast %parallel_loop3A_322 : f32 to vector<16xf32>
        %parallel_loop3A_324 = arith.cmpf ogt, %parallel_loop3A_321, %parallel_loop3A_323 : vector<16xf32>
        %parallel_loop3A_325 = arith.andi %parallel_loop3A_315, %parallel_loop3A_324 : vector<16xi1>
        %parallel_loop3A_326 = arith.mulf %parallel_loop3A_321, %parallel_loop3A_307 : vector<16xf32>
        %parallel_loop3A_327 = arith.addf %parallel_loop3A_304, %parallel_loop3A_326 : vector<16xf32>
        %parallel_loop3A_328 = arith.mulf %parallel_loop3A_321, %parallel_loop3A_308 : vector<16xf32>
        %parallel_loop3A_329 = arith.addf %parallel_loop3A_305, %parallel_loop3A_328 : vector<16xf32>
        %parallel_loop3A_330 = arith.mulf %parallel_loop3A_321, %parallel_loop3A_309 : vector<16xf32>
        %parallel_loop3A_331 = arith.addf %parallel_loop3A_306, %parallel_loop3A_330 : vector<16xf32>
        %parallel_loop3A_332 = vector.broadcast %squeeze3A_13 : f32 to vector<16xf32>
        %parallel_loop3A_333 = arith.mulf %parallel_loop3A_332, %parallel_loop3A_327 : vector<16xf32>
        %parallel_loop3A_334 = vector.broadcast %squeeze3A_13 : f32 to vector<16xf32>
        %parallel_loop3A_335 = arith.mulf %parallel_loop3A_334, %parallel_loop3A_329 : vector<16xf32>
        %parallel_loop3A_336 = arith.mulf %parallel_loop3A_333, %parallel_loop3A_333 : vector<16xf32>
        %parallel_loop3A_337 = arith.mulf %parallel_loop3A_335, %parallel_loop3A_335 : vector<16xf32>
        %parallel_loop3A_338 = arith.addf %parallel_loop3A_336, %parallel_loop3A_337 : vector<16xf32>
        %parallel_loop3A_339 = arith.constant 1.000000e+00 : f32
        %parallel_loop3A_340 = vector.broadcast %parallel_loop3A_339 : f32 to vector<16xf32>
        %parallel_loop3A_341 = arith.addf %parallel_loop3A_338, %parallel_loop3A_340 : vector<16xf32>
        %parallel_loop3A_342 = tpu.bitcast %parallel_loop3A_341 : vector<16xf32> -> vector<16xi32>
        %parallel_loop3A_343 = arith.constant 1 : i32
        %parallel_loop3A_344 = vector.broadcast %parallel_loop3A_343 : i32 to vector<16xi32>
        %parallel_loop3A_345 = arith.shrui %parallel_loop3A_342, %parallel_loop3A_344 : vector<16xi32>
        %parallel_loop3A_346 = arith.constant 1597463007 : i32
        %parallel_loop3A_347 = vector.broadcast %parallel_loop3A_346 : i32 to vector<16xi32>
        %parallel_loop3A_348 = arith.subi %parallel_loop3A_347, %parallel_loop3A_345 : vector<16xi32>
        %parallel_loop3A_349 = tpu.bitcast %parallel_loop3A_348 : vector<16xi32> -> vector<16xf32>
        %parallel_loop3A_350 = arith.constant 5.000000e-01 : f32
        %parallel_loop3A_351 = vector.broadcast %parallel_loop3A_350 : f32 to vector<16xf32>
        %parallel_loop3A_352 = arith.mulf %parallel_loop3A_351, %parallel_loop3A_341 : vector<16xf32>
        %parallel_loop3A_353 = arith.mulf %parallel_loop3A_352, %parallel_loop3A_349 : vector<16xf32>
        %parallel_loop3A_354 = arith.mulf %parallel_loop3A_353, %parallel_loop3A_349 : vector<16xf32>
        %parallel_loop3A_355 = arith.constant 1.500000e+00 : f32
        %parallel_loop3A_356 = vector.broadcast %parallel_loop3A_355 : f32 to vector<16xf32>
        %parallel_loop3A_357 = arith.subf %parallel_loop3A_356, %parallel_loop3A_354 : vector<16xf32>
        %parallel_loop3A_358 = arith.mulf %parallel_loop3A_349, %parallel_loop3A_357 : vector<16xf32>
        %parallel_loop3A_359 = arith.constant 5.000000e-01 : f32
        %parallel_loop3A_360 = vector.broadcast %parallel_loop3A_359 : f32 to vector<16xf32>
        %parallel_loop3A_361 = arith.mulf %parallel_loop3A_360, %parallel_loop3A_341 : vector<16xf32>
        %parallel_loop3A_362 = arith.mulf %parallel_loop3A_361, %parallel_loop3A_358 : vector<16xf32>
        %parallel_loop3A_363 = arith.mulf %parallel_loop3A_362, %parallel_loop3A_358 : vector<16xf32>
        %parallel_loop3A_364 = arith.constant 1.500000e+00 : f32
        %parallel_loop3A_365 = vector.broadcast %parallel_loop3A_364 : f32 to vector<16xf32>
        %parallel_loop3A_366 = arith.subf %parallel_loop3A_365, %parallel_loop3A_363 : vector<16xf32>
        %parallel_loop3A_367 = arith.mulf %parallel_loop3A_358, %parallel_loop3A_366 : vector<16xf32>
        %parallel_loop3A_368 = arith.mulf %parallel_loop3A_307, %parallel_loop3A_333 : vector<16xf32>
        %parallel_loop3A_369 = arith.mulf %parallel_loop3A_308, %parallel_loop3A_335 : vector<16xf32>
        %parallel_loop3A_370 = arith.addf %parallel_loop3A_368, %parallel_loop3A_369 : vector<16xf32>
        %parallel_loop3A_371 = arith.addf %parallel_loop3A_370, %parallel_loop3A_309 : vector<16xf32>
        %parallel_loop3A_372 = arith.mulf %parallel_loop3A_371, %parallel_loop3A_367 : vector<16xf32>
        %parallel_loop3A_373 = arith.constant -1.000000e+00 : f32
        %parallel_loop3A_374 = arith.constant 1.000000e+00 : f32
        %parallel_loop3A_375 = vector.broadcast %parallel_loop3A_373 : f32 to vector<16xf32>
        %parallel_loop3A_376 = arith.maximumf %parallel_loop3A_375, %parallel_loop3A_372 : vector<16xf32>
        %parallel_loop3A_377 = vector.broadcast %parallel_loop3A_374 : f32 to vector<16xf32>
        %parallel_loop3A_378 = arith.minimumf %parallel_loop3A_377, %parallel_loop3A_376 : vector<16xf32>
        %parallel_loop3A_379 = arith.mulf %parallel_loop3A_378, %parallel_loop3A_378 : vector<16xf32>
        %parallel_loop3A_380 = arith.constant 1.000000e+00 : f32
        %parallel_loop3A_381 = vector.broadcast %parallel_loop3A_380 : f32 to vector<16xf32>
        %parallel_loop3A_382 = arith.subf %parallel_loop3A_381, %parallel_loop3A_379 : vector<16xf32>
        %parallel_loop3A_383 = arith.constant 0.000000e+00 : f32
        %parallel_loop3A_384 = vector.broadcast %parallel_loop3A_383 : f32 to vector<16xf32>
        %parallel_loop3A_385 = arith.maximumf %parallel_loop3A_384, %parallel_loop3A_382 : vector<16xf32>
        %parallel_loop3A_386 = vector.broadcast %parallel_loop3A_311 : f32 to vector<16xf32>
        %parallel_loop3A_387 = arith.mulf %parallel_loop3A_386, %parallel_loop3A_385 : vector<16xf32>
        %parallel_loop3A_388 = arith.constant 1.000000e+00 : f32
        %parallel_loop3A_389 = vector.broadcast %parallel_loop3A_388 : f32 to vector<16xf32>
        %parallel_loop3A_390 = arith.subf %parallel_loop3A_389, %parallel_loop3A_387 : vector<16xf32>
        %parallel_loop3A_391 = arith.constant 9.99999993E-9 : f32
        %parallel_loop3A_392 = vector.broadcast %parallel_loop3A_391 : f32 to vector<16xf32>
        %parallel_loop3A_393 = arith.maximumf %parallel_loop3A_392, %parallel_loop3A_390 : vector<16xf32>
        %parallel_loop3A_394 = tpu.bitcast %parallel_loop3A_393 : vector<16xf32> -> vector<16xi32>
        %parallel_loop3A_395 = arith.constant 1 : i32
        %parallel_loop3A_396 = vector.broadcast %parallel_loop3A_395 : i32 to vector<16xi32>
        %parallel_loop3A_397 = arith.shrui %parallel_loop3A_394, %parallel_loop3A_396 : vector<16xi32>
        %parallel_loop3A_398 = arith.constant 1597463007 : i32
        %parallel_loop3A_399 = vector.broadcast %parallel_loop3A_398 : i32 to vector<16xi32>
        %parallel_loop3A_400 = arith.subi %parallel_loop3A_399, %parallel_loop3A_397 : vector<16xi32>
        %parallel_loop3A_401 = tpu.bitcast %parallel_loop3A_400 : vector<16xi32> -> vector<16xf32>
        %parallel_loop3A_402 = arith.constant 5.000000e-01 : f32
        %parallel_loop3A_403 = vector.broadcast %parallel_loop3A_402 : f32 to vector<16xf32>
        %parallel_loop3A_404 = arith.mulf %parallel_loop3A_403, %parallel_loop3A_393 : vector<16xf32>
        %parallel_loop3A_405 = arith.mulf %parallel_loop3A_404, %parallel_loop3A_401 : vector<16xf32>
        %parallel_loop3A_406 = arith.mulf %parallel_loop3A_405, %parallel_loop3A_401 : vector<16xf32>
        %parallel_loop3A_407 = arith.constant 1.500000e+00 : f32
        %parallel_loop3A_408 = vector.broadcast %parallel_loop3A_407 : f32 to vector<16xf32>
        %parallel_loop3A_409 = arith.subf %parallel_loop3A_408, %parallel_loop3A_406 : vector<16xf32>
        %parallel_loop3A_410 = arith.mulf %parallel_loop3A_401, %parallel_loop3A_409 : vector<16xf32>
        %parallel_loop3A_411 = arith.constant 5.000000e-01 : f32
        %parallel_loop3A_412 = vector.broadcast %parallel_loop3A_411 : f32 to vector<16xf32>
        %parallel_loop3A_413 = arith.mulf %parallel_loop3A_412, %parallel_loop3A_393 : vector<16xf32>
        %parallel_loop3A_414 = arith.mulf %parallel_loop3A_413, %parallel_loop3A_410 : vector<16xf32>
        %parallel_loop3A_415 = arith.mulf %parallel_loop3A_414, %parallel_loop3A_410 : vector<16xf32>
        %parallel_loop3A_416 = arith.constant 1.500000e+00 : f32
        %parallel_loop3A_417 = vector.broadcast %parallel_loop3A_416 : f32 to vector<16xf32>
        %parallel_loop3A_418 = arith.subf %parallel_loop3A_417, %parallel_loop3A_415 : vector<16xf32>
        %parallel_loop3A_419 = arith.mulf %parallel_loop3A_410, %parallel_loop3A_418 : vector<16xf32>
        %parallel_loop3A_420 = arith.mulf %parallel_loop3A_393, %parallel_loop3A_419 : vector<16xf32>
        %parallel_loop3A_421 = vector.broadcast %squeeze3A_15 : f32 to vector<16xf32>
        %parallel_loop3A_422 = arith.mulf %parallel_loop3A_421, %parallel_loop3A_378 : vector<16xf32>
        %parallel_loop3A_423 = arith.subf %parallel_loop3A_422, %parallel_loop3A_420 : vector<16xf32>
        %parallel_loop3A_424 = arith.mulf %parallel_loop3A_423, %parallel_loop3A_367 : vector<16xf32>
        %parallel_loop3A_425 = vector.broadcast %squeeze3A_15 : f32 to vector<16xf32>
        %parallel_loop3A_426 = arith.mulf %parallel_loop3A_425, %parallel_loop3A_307 : vector<16xf32>
        %parallel_loop3A_427 = arith.mulf %parallel_loop3A_424, %parallel_loop3A_333 : vector<16xf32>
        %parallel_loop3A_428 = arith.subf %parallel_loop3A_426, %parallel_loop3A_427 : vector<16xf32>
        %parallel_loop3A_429 = vector.broadcast %squeeze3A_15 : f32 to vector<16xf32>
        %parallel_loop3A_430 = arith.mulf %parallel_loop3A_429, %parallel_loop3A_308 : vector<16xf32>
        %parallel_loop3A_431 = arith.mulf %parallel_loop3A_424, %parallel_loop3A_335 : vector<16xf32>
        %parallel_loop3A_432 = arith.subf %parallel_loop3A_430, %parallel_loop3A_431 : vector<16xf32>
        %parallel_loop3A_433 = vector.broadcast %squeeze3A_15 : f32 to vector<16xf32>
        %parallel_loop3A_434 = arith.mulf %parallel_loop3A_433, %parallel_loop3A_309 : vector<16xf32>
        %parallel_loop3A_435 = arith.subf %parallel_loop3A_434, %parallel_loop3A_424 : vector<16xf32>
        %parallel_loop3A_436 = vector.broadcast %squeeze3A_15 : f32 to vector<16xf32>
        %parallel_loop3A_437 = arith.mulf %parallel_loop3A_436, %parallel_loop3A_378 : vector<16xf32>
        %parallel_loop3A_438 = vector.broadcast %squeeze3A_15 : f32 to vector<16xf32>
        %parallel_loop3A_439 = arith.mulf %parallel_loop3A_438, %parallel_loop3A_378 : vector<16xf32>
        %parallel_loop3A_440 = arith.mulf %parallel_loop3A_437, %parallel_loop3A_439 : vector<16xf32>
        %parallel_loop3A_441 = vector.broadcast %parallel_loop3A_311 : f32 to vector<16xf32>
        %parallel_loop3A_442 = arith.subf %parallel_loop3A_441, %parallel_loop3A_440 : vector<16xf32>
        %parallel_loop3A_443 = arith.addf %parallel_loop3A_442, %parallel_loop3A_393 : vector<16xf32>
        %parallel_loop3A_444 = tpu.bitcast %parallel_loop3A_443 : vector<16xf32> -> vector<16xi32>
        %parallel_loop3A_445 = arith.constant 1 : i32
        %parallel_loop3A_446 = vector.broadcast %parallel_loop3A_445 : i32 to vector<16xi32>
        %parallel_loop3A_447 = arith.shrui %parallel_loop3A_444, %parallel_loop3A_446 : vector<16xi32>
        %parallel_loop3A_448 = arith.constant 1597463007 : i32
        %parallel_loop3A_449 = vector.broadcast %parallel_loop3A_448 : i32 to vector<16xi32>
        %parallel_loop3A_450 = arith.subi %parallel_loop3A_449, %parallel_loop3A_447 : vector<16xi32>
        %parallel_loop3A_451 = tpu.bitcast %parallel_loop3A_450 : vector<16xi32> -> vector<16xf32>
        %parallel_loop3A_452 = arith.constant 5.000000e-01 : f32
        %parallel_loop3A_453 = vector.broadcast %parallel_loop3A_452 : f32 to vector<16xf32>
        %parallel_loop3A_454 = arith.mulf %parallel_loop3A_453, %parallel_loop3A_443 : vector<16xf32>
        %parallel_loop3A_455 = arith.mulf %parallel_loop3A_454, %parallel_loop3A_451 : vector<16xf32>
        %parallel_loop3A_456 = arith.mulf %parallel_loop3A_455, %parallel_loop3A_451 : vector<16xf32>
        %parallel_loop3A_457 = arith.constant 1.500000e+00 : f32
        %parallel_loop3A_458 = vector.broadcast %parallel_loop3A_457 : f32 to vector<16xf32>
        %parallel_loop3A_459 = arith.subf %parallel_loop3A_458, %parallel_loop3A_456 : vector<16xf32>
        %parallel_loop3A_460 = arith.mulf %parallel_loop3A_451, %parallel_loop3A_459 : vector<16xf32>
        %parallel_loop3A_461 = arith.constant 5.000000e-01 : f32
        %parallel_loop3A_462 = vector.broadcast %parallel_loop3A_461 : f32 to vector<16xf32>
        %parallel_loop3A_463 = arith.mulf %parallel_loop3A_462, %parallel_loop3A_443 : vector<16xf32>
        %parallel_loop3A_464 = arith.mulf %parallel_loop3A_463, %parallel_loop3A_460 : vector<16xf32>
        %parallel_loop3A_465 = arith.mulf %parallel_loop3A_464, %parallel_loop3A_460 : vector<16xf32>
        %parallel_loop3A_466 = arith.constant 1.500000e+00 : f32
        %parallel_loop3A_467 = vector.broadcast %parallel_loop3A_466 : f32 to vector<16xf32>
        %parallel_loop3A_468 = arith.subf %parallel_loop3A_467, %parallel_loop3A_465 : vector<16xf32>
        %parallel_loop3A_469 = arith.mulf %parallel_loop3A_460, %parallel_loop3A_468 : vector<16xf32>
        %parallel_loop3A_470 = arith.mulf %parallel_loop3A_428, %parallel_loop3A_469 : vector<16xf32>
        %parallel_loop3A_471 = arith.mulf %parallel_loop3A_432, %parallel_loop3A_469 : vector<16xf32>
        %parallel_loop3A_472 = arith.mulf %parallel_loop3A_435, %parallel_loop3A_469 : vector<16xf32>
        %parallel_loop3A_473 = arith.constant 1.000000e+00 : f32
        %parallel_loop3A_474 = vector.broadcast %parallel_loop3A_473 : f32 to vector<16xf32>
        %parallel_loop3A_475 = arith.subf %parallel_loop3A_474, %parallel_loop3A_378 : vector<16xf32>
        %parallel_loop3A_476 = arith.constant 4.000000e-02 : f32
        %parallel_loop3A_477 = vector.broadcast %parallel_loop3A_476 : f32 to vector<16xf32>
        %parallel_loop3A_478 = arith.mulf %parallel_loop3A_477, %parallel_loop3A_475 : vector<16xf32>
        %parallel_loop3A_479 = arith.mulf %parallel_loop3A_478, %parallel_loop3A_475 : vector<16xf32>
        %parallel_loop3A_480 = arith.constant 1.000000e+00 : f32
        %parallel_loop3A_481 = vector.broadcast %parallel_loop3A_480 : f32 to vector<16xf32>
        %parallel_loop3A_482 = arith.subf %parallel_loop3A_481, %parallel_loop3A_479 : vector<16xf32>
        %parallel_loop3A_483 = arith.constant 0.000000e+00 : f32
        %parallel_loop3A_484 = arith.constant 1.000000e+00 : f32
        %parallel_loop3A_485 = vector.broadcast %parallel_loop3A_483 : f32 to vector<16xf32>
        %parallel_loop3A_486 = arith.maximumf %parallel_loop3A_485, %parallel_loop3A_482 : vector<16xf32>
        %parallel_loop3A_487 = vector.broadcast %parallel_loop3A_484 : f32 to vector<16xf32>
        %parallel_loop3A_488 = arith.minimumf %parallel_loop3A_487, %parallel_loop3A_486 : vector<16xf32>
        %parallel_loop3A_489 = arith.mulf %parallel_loop3A_310, %parallel_loop3A_488 : vector<16xf32>
        %parallel_loop3A_490 = arith.select %parallel_loop3A_325, %parallel_loop3A_327, %parallel_loop3A_304 : vector<16xi1>, vector<16xf32>
        %parallel_loop3A_491 = arith.select %parallel_loop3A_325, %parallel_loop3A_329, %parallel_loop3A_305 : vector<16xi1>, vector<16xf32>
        %parallel_loop3A_492 = arith.select %parallel_loop3A_325, %parallel_loop3A_331, %parallel_loop3A_306 : vector<16xi1>, vector<16xf32>
        %parallel_loop3A_493 = arith.select %parallel_loop3A_325, %parallel_loop3A_470, %parallel_loop3A_307 : vector<16xi1>, vector<16xf32>
        %parallel_loop3A_494 = arith.select %parallel_loop3A_325, %parallel_loop3A_471, %parallel_loop3A_308 : vector<16xi1>, vector<16xf32>
        %parallel_loop3A_495 = arith.select %parallel_loop3A_325, %parallel_loop3A_472, %parallel_loop3A_309 : vector<16xi1>, vector<16xf32>
        %parallel_loop3A_496 = arith.select %parallel_loop3A_325, %parallel_loop3A_489, %parallel_loop3A_310 : vector<16xi1>, vector<16xf32>
        %parallel_loop3A_497 = arith.mulf %squeeze3A_21, %squeeze3A_21 : f32
        %parallel_loop3A_498 = math.absf %parallel_loop3A_495 : vector<16xf32>
        %parallel_loop3A_499 = arith.constant 9.99999997E-7 : f32
        %parallel_loop3A_500 = vector.broadcast %parallel_loop3A_499 : f32 to vector<16xf32>
        %parallel_loop3A_501 = arith.cmpf ogt, %parallel_loop3A_498, %parallel_loop3A_500 : vector<16xf32>
        %parallel_loop3A_502 = arith.constant 1.000000e+00 : f32
        %parallel_loop3A_503 = vector.broadcast %parallel_loop3A_502 : f32 to vector<16xf32>
        %parallel_loop3A_504 = arith.select %parallel_loop3A_501, %parallel_loop3A_495, %parallel_loop3A_503 : vector<16xi1>, vector<16xf32>
        %parallel_loop3A_505 = vector.broadcast %squeeze3A_17 : f32 to vector<16xf32>
        %parallel_loop3A_506 = arith.subf %parallel_loop3A_505, %parallel_loop3A_492 : vector<16xf32>
        %parallel_loop3A_507 = arith.divf %parallel_loop3A_506, %parallel_loop3A_504 : vector<16xf32>
        %parallel_loop3A_508 = arith.constant 9.99999997E-7 : f32
        %parallel_loop3A_509 = vector.broadcast %parallel_loop3A_508 : f32 to vector<16xf32>
        %parallel_loop3A_510 = arith.cmpf ogt, %parallel_loop3A_507, %parallel_loop3A_509 : vector<16xf32>
        %parallel_loop3A_511 = arith.andi %parallel_loop3A_501, %parallel_loop3A_510 : vector<16xi1>
        %parallel_loop3A_512 = arith.mulf %parallel_loop3A_507, %parallel_loop3A_493 : vector<16xf32>
        %parallel_loop3A_513 = arith.addf %parallel_loop3A_490, %parallel_loop3A_512 : vector<16xf32>
        %parallel_loop3A_514 = arith.mulf %parallel_loop3A_507, %parallel_loop3A_494 : vector<16xf32>
        %parallel_loop3A_515 = arith.addf %parallel_loop3A_491, %parallel_loop3A_514 : vector<16xf32>
        %parallel_loop3A_516 = arith.mulf %parallel_loop3A_507, %parallel_loop3A_495 : vector<16xf32>
        %parallel_loop3A_517 = arith.addf %parallel_loop3A_492, %parallel_loop3A_516 : vector<16xf32>
        %parallel_loop3A_518 = vector.broadcast %squeeze3A_19 : f32 to vector<16xf32>
        %parallel_loop3A_519 = arith.mulf %parallel_loop3A_518, %parallel_loop3A_513 : vector<16xf32>
        %parallel_loop3A_520 = vector.broadcast %squeeze3A_19 : f32 to vector<16xf32>
        %parallel_loop3A_521 = arith.mulf %parallel_loop3A_520, %parallel_loop3A_515 : vector<16xf32>
        %parallel_loop3A_522 = arith.mulf %parallel_loop3A_519, %parallel_loop3A_519 : vector<16xf32>
        %parallel_loop3A_523 = arith.mulf %parallel_loop3A_521, %parallel_loop3A_521 : vector<16xf32>
        %parallel_loop3A_524 = arith.addf %parallel_loop3A_522, %parallel_loop3A_523 : vector<16xf32>
        %parallel_loop3A_525 = arith.constant 1.000000e+00 : f32
        %parallel_loop3A_526 = vector.broadcast %parallel_loop3A_525 : f32 to vector<16xf32>
        %parallel_loop3A_527 = arith.addf %parallel_loop3A_524, %parallel_loop3A_526 : vector<16xf32>
        %parallel_loop3A_528 = tpu.bitcast %parallel_loop3A_527 : vector<16xf32> -> vector<16xi32>
        %parallel_loop3A_529 = arith.constant 1 : i32
        %parallel_loop3A_530 = vector.broadcast %parallel_loop3A_529 : i32 to vector<16xi32>
        %parallel_loop3A_531 = arith.shrui %parallel_loop3A_528, %parallel_loop3A_530 : vector<16xi32>
        %parallel_loop3A_532 = arith.constant 1597463007 : i32
        %parallel_loop3A_533 = vector.broadcast %parallel_loop3A_532 : i32 to vector<16xi32>
        %parallel_loop3A_534 = arith.subi %parallel_loop3A_533, %parallel_loop3A_531 : vector<16xi32>
        %parallel_loop3A_535 = tpu.bitcast %parallel_loop3A_534 : vector<16xi32> -> vector<16xf32>
        %parallel_loop3A_536 = arith.constant 5.000000e-01 : f32
        %parallel_loop3A_537 = vector.broadcast %parallel_loop3A_536 : f32 to vector<16xf32>
        %parallel_loop3A_538 = arith.mulf %parallel_loop3A_537, %parallel_loop3A_527 : vector<16xf32>
        %parallel_loop3A_539 = arith.mulf %parallel_loop3A_538, %parallel_loop3A_535 : vector<16xf32>
        %parallel_loop3A_540 = arith.mulf %parallel_loop3A_539, %parallel_loop3A_535 : vector<16xf32>
        %parallel_loop3A_541 = arith.constant 1.500000e+00 : f32
        %parallel_loop3A_542 = vector.broadcast %parallel_loop3A_541 : f32 to vector<16xf32>
        %parallel_loop3A_543 = arith.subf %parallel_loop3A_542, %parallel_loop3A_540 : vector<16xf32>
        %parallel_loop3A_544 = arith.mulf %parallel_loop3A_535, %parallel_loop3A_543 : vector<16xf32>
        %parallel_loop3A_545 = arith.constant 5.000000e-01 : f32
        %parallel_loop3A_546 = vector.broadcast %parallel_loop3A_545 : f32 to vector<16xf32>
        %parallel_loop3A_547 = arith.mulf %parallel_loop3A_546, %parallel_loop3A_527 : vector<16xf32>
        %parallel_loop3A_548 = arith.mulf %parallel_loop3A_547, %parallel_loop3A_544 : vector<16xf32>
        %parallel_loop3A_549 = arith.mulf %parallel_loop3A_548, %parallel_loop3A_544 : vector<16xf32>
        %parallel_loop3A_550 = arith.constant 1.500000e+00 : f32
        %parallel_loop3A_551 = vector.broadcast %parallel_loop3A_550 : f32 to vector<16xf32>
        %parallel_loop3A_552 = arith.subf %parallel_loop3A_551, %parallel_loop3A_549 : vector<16xf32>
        %parallel_loop3A_553 = arith.mulf %parallel_loop3A_544, %parallel_loop3A_552 : vector<16xf32>
        %parallel_loop3A_554 = arith.mulf %parallel_loop3A_493, %parallel_loop3A_519 : vector<16xf32>
        %parallel_loop3A_555 = arith.mulf %parallel_loop3A_494, %parallel_loop3A_521 : vector<16xf32>
        %parallel_loop3A_556 = arith.addf %parallel_loop3A_554, %parallel_loop3A_555 : vector<16xf32>
        %parallel_loop3A_557 = arith.addf %parallel_loop3A_556, %parallel_loop3A_495 : vector<16xf32>
        %parallel_loop3A_558 = arith.mulf %parallel_loop3A_557, %parallel_loop3A_553 : vector<16xf32>
        %parallel_loop3A_559 = arith.constant -1.000000e+00 : f32
        %parallel_loop3A_560 = arith.constant 1.000000e+00 : f32
        %parallel_loop3A_561 = vector.broadcast %parallel_loop3A_559 : f32 to vector<16xf32>
        %parallel_loop3A_562 = arith.maximumf %parallel_loop3A_561, %parallel_loop3A_558 : vector<16xf32>
        %parallel_loop3A_563 = vector.broadcast %parallel_loop3A_560 : f32 to vector<16xf32>
        %parallel_loop3A_564 = arith.minimumf %parallel_loop3A_563, %parallel_loop3A_562 : vector<16xf32>
        %parallel_loop3A_565 = arith.mulf %parallel_loop3A_564, %parallel_loop3A_564 : vector<16xf32>
        %parallel_loop3A_566 = arith.constant 1.000000e+00 : f32
        %parallel_loop3A_567 = vector.broadcast %parallel_loop3A_566 : f32 to vector<16xf32>
        %parallel_loop3A_568 = arith.subf %parallel_loop3A_567, %parallel_loop3A_565 : vector<16xf32>
        %parallel_loop3A_569 = arith.constant 0.000000e+00 : f32
        %parallel_loop3A_570 = vector.broadcast %parallel_loop3A_569 : f32 to vector<16xf32>
        %parallel_loop3A_571 = arith.maximumf %parallel_loop3A_570, %parallel_loop3A_568 : vector<16xf32>
        %parallel_loop3A_572 = vector.broadcast %parallel_loop3A_497 : f32 to vector<16xf32>
        %parallel_loop3A_573 = arith.mulf %parallel_loop3A_572, %parallel_loop3A_571 : vector<16xf32>
        %parallel_loop3A_574 = arith.constant 1.000000e+00 : f32
        %parallel_loop3A_575 = vector.broadcast %parallel_loop3A_574 : f32 to vector<16xf32>
        %parallel_loop3A_576 = arith.subf %parallel_loop3A_575, %parallel_loop3A_573 : vector<16xf32>
        %parallel_loop3A_577 = arith.constant 9.99999993E-9 : f32
        %parallel_loop3A_578 = vector.broadcast %parallel_loop3A_577 : f32 to vector<16xf32>
        %parallel_loop3A_579 = arith.maximumf %parallel_loop3A_578, %parallel_loop3A_576 : vector<16xf32>
        %parallel_loop3A_580 = tpu.bitcast %parallel_loop3A_579 : vector<16xf32> -> vector<16xi32>
        %parallel_loop3A_581 = arith.constant 1 : i32
        %parallel_loop3A_582 = vector.broadcast %parallel_loop3A_581 : i32 to vector<16xi32>
        %parallel_loop3A_583 = arith.shrui %parallel_loop3A_580, %parallel_loop3A_582 : vector<16xi32>
        %parallel_loop3A_584 = arith.constant 1597463007 : i32
        %parallel_loop3A_585 = vector.broadcast %parallel_loop3A_584 : i32 to vector<16xi32>
        %parallel_loop3A_586 = arith.subi %parallel_loop3A_585, %parallel_loop3A_583 : vector<16xi32>
        %parallel_loop3A_587 = tpu.bitcast %parallel_loop3A_586 : vector<16xi32> -> vector<16xf32>
        %parallel_loop3A_588 = arith.constant 5.000000e-01 : f32
        %parallel_loop3A_589 = vector.broadcast %parallel_loop3A_588 : f32 to vector<16xf32>
        %parallel_loop3A_590 = arith.mulf %parallel_loop3A_589, %parallel_loop3A_579 : vector<16xf32>
        %parallel_loop3A_591 = arith.mulf %parallel_loop3A_590, %parallel_loop3A_587 : vector<16xf32>
        %parallel_loop3A_592 = arith.mulf %parallel_loop3A_591, %parallel_loop3A_587 : vector<16xf32>
        %parallel_loop3A_593 = arith.constant 1.500000e+00 : f32
        %parallel_loop3A_594 = vector.broadcast %parallel_loop3A_593 : f32 to vector<16xf32>
        %parallel_loop3A_595 = arith.subf %parallel_loop3A_594, %parallel_loop3A_592 : vector<16xf32>
        %parallel_loop3A_596 = arith.mulf %parallel_loop3A_587, %parallel_loop3A_595 : vector<16xf32>
        %parallel_loop3A_597 = arith.constant 5.000000e-01 : f32
        %parallel_loop3A_598 = vector.broadcast %parallel_loop3A_597 : f32 to vector<16xf32>
        %parallel_loop3A_599 = arith.mulf %parallel_loop3A_598, %parallel_loop3A_579 : vector<16xf32>
        %parallel_loop3A_600 = arith.mulf %parallel_loop3A_599, %parallel_loop3A_596 : vector<16xf32>
        %parallel_loop3A_601 = arith.mulf %parallel_loop3A_600, %parallel_loop3A_596 : vector<16xf32>
        %parallel_loop3A_602 = arith.constant 1.500000e+00 : f32
        %parallel_loop3A_603 = vector.broadcast %parallel_loop3A_602 : f32 to vector<16xf32>
        %parallel_loop3A_604 = arith.subf %parallel_loop3A_603, %parallel_loop3A_601 : vector<16xf32>
        %parallel_loop3A_605 = arith.mulf %parallel_loop3A_596, %parallel_loop3A_604 : vector<16xf32>
        %parallel_loop3A_606 = arith.mulf %parallel_loop3A_579, %parallel_loop3A_605 : vector<16xf32>
        %parallel_loop3A_607 = vector.broadcast %squeeze3A_21 : f32 to vector<16xf32>
        %parallel_loop3A_608 = arith.mulf %parallel_loop3A_607, %parallel_loop3A_564 : vector<16xf32>
        %parallel_loop3A_609 = arith.subf %parallel_loop3A_608, %parallel_loop3A_606 : vector<16xf32>
        %parallel_loop3A_610 = arith.mulf %parallel_loop3A_609, %parallel_loop3A_553 : vector<16xf32>
        %parallel_loop3A_611 = vector.broadcast %squeeze3A_21 : f32 to vector<16xf32>
        %parallel_loop3A_612 = arith.mulf %parallel_loop3A_611, %parallel_loop3A_493 : vector<16xf32>
        %parallel_loop3A_613 = arith.mulf %parallel_loop3A_610, %parallel_loop3A_519 : vector<16xf32>
        %parallel_loop3A_614 = arith.subf %parallel_loop3A_612, %parallel_loop3A_613 : vector<16xf32>
        %parallel_loop3A_615 = vector.broadcast %squeeze3A_21 : f32 to vector<16xf32>
        %parallel_loop3A_616 = arith.mulf %parallel_loop3A_615, %parallel_loop3A_494 : vector<16xf32>
        %parallel_loop3A_617 = arith.mulf %parallel_loop3A_610, %parallel_loop3A_521 : vector<16xf32>
        %parallel_loop3A_618 = arith.subf %parallel_loop3A_616, %parallel_loop3A_617 : vector<16xf32>
        %parallel_loop3A_619 = vector.broadcast %squeeze3A_21 : f32 to vector<16xf32>
        %parallel_loop3A_620 = arith.mulf %parallel_loop3A_619, %parallel_loop3A_495 : vector<16xf32>
        %parallel_loop3A_621 = arith.subf %parallel_loop3A_620, %parallel_loop3A_610 : vector<16xf32>
        %parallel_loop3A_622 = vector.broadcast %squeeze3A_21 : f32 to vector<16xf32>
        %parallel_loop3A_623 = arith.mulf %parallel_loop3A_622, %parallel_loop3A_564 : vector<16xf32>
        %parallel_loop3A_624 = vector.broadcast %squeeze3A_21 : f32 to vector<16xf32>
        %parallel_loop3A_625 = arith.mulf %parallel_loop3A_624, %parallel_loop3A_564 : vector<16xf32>
        %parallel_loop3A_626 = arith.mulf %parallel_loop3A_623, %parallel_loop3A_625 : vector<16xf32>
        %parallel_loop3A_627 = vector.broadcast %parallel_loop3A_497 : f32 to vector<16xf32>
        %parallel_loop3A_628 = arith.subf %parallel_loop3A_627, %parallel_loop3A_626 : vector<16xf32>
        %parallel_loop3A_629 = arith.addf %parallel_loop3A_628, %parallel_loop3A_579 : vector<16xf32>
        %parallel_loop3A_630 = tpu.bitcast %parallel_loop3A_629 : vector<16xf32> -> vector<16xi32>
        %parallel_loop3A_631 = arith.constant 1 : i32
        %parallel_loop3A_632 = vector.broadcast %parallel_loop3A_631 : i32 to vector<16xi32>
        %parallel_loop3A_633 = arith.shrui %parallel_loop3A_630, %parallel_loop3A_632 : vector<16xi32>
        %parallel_loop3A_634 = arith.constant 1597463007 : i32
        %parallel_loop3A_635 = vector.broadcast %parallel_loop3A_634 : i32 to vector<16xi32>
        %parallel_loop3A_636 = arith.subi %parallel_loop3A_635, %parallel_loop3A_633 : vector<16xi32>
        %parallel_loop3A_637 = tpu.bitcast %parallel_loop3A_636 : vector<16xi32> -> vector<16xf32>
        %parallel_loop3A_638 = arith.constant 5.000000e-01 : f32
        %parallel_loop3A_639 = vector.broadcast %parallel_loop3A_638 : f32 to vector<16xf32>
        %parallel_loop3A_640 = arith.mulf %parallel_loop3A_639, %parallel_loop3A_629 : vector<16xf32>
        %parallel_loop3A_641 = arith.mulf %parallel_loop3A_640, %parallel_loop3A_637 : vector<16xf32>
        %parallel_loop3A_642 = arith.mulf %parallel_loop3A_641, %parallel_loop3A_637 : vector<16xf32>
        %parallel_loop3A_643 = arith.constant 1.500000e+00 : f32
        %parallel_loop3A_644 = vector.broadcast %parallel_loop3A_643 : f32 to vector<16xf32>
        %parallel_loop3A_645 = arith.subf %parallel_loop3A_644, %parallel_loop3A_642 : vector<16xf32>
        %parallel_loop3A_646 = arith.mulf %parallel_loop3A_637, %parallel_loop3A_645 : vector<16xf32>
        %parallel_loop3A_647 = arith.constant 5.000000e-01 : f32
        %parallel_loop3A_648 = vector.broadcast %parallel_loop3A_647 : f32 to vector<16xf32>
        %parallel_loop3A_649 = arith.mulf %parallel_loop3A_648, %parallel_loop3A_629 : vector<16xf32>
        %parallel_loop3A_650 = arith.mulf %parallel_loop3A_649, %parallel_loop3A_646 : vector<16xf32>
        %parallel_loop3A_651 = arith.mulf %parallel_loop3A_650, %parallel_loop3A_646 : vector<16xf32>
        %parallel_loop3A_652 = arith.constant 1.500000e+00 : f32
        %parallel_loop3A_653 = vector.broadcast %parallel_loop3A_652 : f32 to vector<16xf32>
        %parallel_loop3A_654 = arith.subf %parallel_loop3A_653, %parallel_loop3A_651 : vector<16xf32>
        %parallel_loop3A_655 = arith.mulf %parallel_loop3A_646, %parallel_loop3A_654 : vector<16xf32>
        %parallel_loop3A_656 = arith.mulf %parallel_loop3A_614, %parallel_loop3A_655 : vector<16xf32>
        %parallel_loop3A_657 = arith.mulf %parallel_loop3A_618, %parallel_loop3A_655 : vector<16xf32>
        %parallel_loop3A_658 = arith.mulf %parallel_loop3A_621, %parallel_loop3A_655 : vector<16xf32>
        %parallel_loop3A_659 = arith.constant 1.000000e+00 : f32
        %parallel_loop3A_660 = vector.broadcast %parallel_loop3A_659 : f32 to vector<16xf32>
        %parallel_loop3A_661 = arith.subf %parallel_loop3A_660, %parallel_loop3A_564 : vector<16xf32>
        %parallel_loop3A_662 = arith.constant 4.000000e-02 : f32
        %parallel_loop3A_663 = vector.broadcast %parallel_loop3A_662 : f32 to vector<16xf32>
        %parallel_loop3A_664 = arith.mulf %parallel_loop3A_663, %parallel_loop3A_661 : vector<16xf32>
        %parallel_loop3A_665 = arith.mulf %parallel_loop3A_664, %parallel_loop3A_661 : vector<16xf32>
        %parallel_loop3A_666 = arith.constant 1.000000e+00 : f32
        %parallel_loop3A_667 = vector.broadcast %parallel_loop3A_666 : f32 to vector<16xf32>
        %parallel_loop3A_668 = arith.subf %parallel_loop3A_667, %parallel_loop3A_665 : vector<16xf32>
        %parallel_loop3A_669 = arith.constant 0.000000e+00 : f32
        %parallel_loop3A_670 = arith.constant 1.000000e+00 : f32
        %parallel_loop3A_671 = vector.broadcast %parallel_loop3A_669 : f32 to vector<16xf32>
        %parallel_loop3A_672 = arith.maximumf %parallel_loop3A_671, %parallel_loop3A_668 : vector<16xf32>
        %parallel_loop3A_673 = vector.broadcast %parallel_loop3A_670 : f32 to vector<16xf32>
        %parallel_loop3A_674 = arith.minimumf %parallel_loop3A_673, %parallel_loop3A_672 : vector<16xf32>
        %parallel_loop3A_675 = arith.mulf %parallel_loop3A_496, %parallel_loop3A_674 : vector<16xf32>
        %parallel_loop3A_676 = arith.select %parallel_loop3A_511, %parallel_loop3A_513, %parallel_loop3A_490 : vector<16xi1>, vector<16xf32>
        %parallel_loop3A_677 = arith.select %parallel_loop3A_511, %parallel_loop3A_515, %parallel_loop3A_491 : vector<16xi1>, vector<16xf32>
        %parallel_loop3A_678 = arith.select %parallel_loop3A_511, %parallel_loop3A_517, %parallel_loop3A_492 : vector<16xi1>, vector<16xf32>
        %parallel_loop3A_679 = arith.select %parallel_loop3A_511, %parallel_loop3A_656, %parallel_loop3A_493 : vector<16xi1>, vector<16xf32>
        %parallel_loop3A_680 = arith.select %parallel_loop3A_511, %parallel_loop3A_657, %parallel_loop3A_494 : vector<16xi1>, vector<16xf32>
        %parallel_loop3A_681 = arith.select %parallel_loop3A_511, %parallel_loop3A_658, %parallel_loop3A_495 : vector<16xi1>, vector<16xf32>
        %parallel_loop3A_682 = arith.select %parallel_loop3A_511, %parallel_loop3A_675, %parallel_loop3A_496 : vector<16xi1>, vector<16xf32>
        %parallel_loop3A_683 = arith.mulf %squeeze3A_27, %squeeze3A_27 : f32
        %parallel_loop3A_684 = math.absf %parallel_loop3A_681 : vector<16xf32>
        %parallel_loop3A_685 = arith.constant 9.99999997E-7 : f32
        %parallel_loop3A_686 = vector.broadcast %parallel_loop3A_685 : f32 to vector<16xf32>
        %parallel_loop3A_687 = arith.cmpf ogt, %parallel_loop3A_684, %parallel_loop3A_686 : vector<16xf32>
        %parallel_loop3A_688 = arith.constant 1.000000e+00 : f32
        %parallel_loop3A_689 = vector.broadcast %parallel_loop3A_688 : f32 to vector<16xf32>
        %parallel_loop3A_690 = arith.select %parallel_loop3A_687, %parallel_loop3A_681, %parallel_loop3A_689 : vector<16xi1>, vector<16xf32>
        %parallel_loop3A_691 = vector.broadcast %squeeze3A_23 : f32 to vector<16xf32>
        %parallel_loop3A_692 = arith.subf %parallel_loop3A_691, %parallel_loop3A_678 : vector<16xf32>
        %parallel_loop3A_693 = arith.divf %parallel_loop3A_692, %parallel_loop3A_690 : vector<16xf32>
        %parallel_loop3A_694 = arith.constant 9.99999997E-7 : f32
        %parallel_loop3A_695 = vector.broadcast %parallel_loop3A_694 : f32 to vector<16xf32>
        %parallel_loop3A_696 = arith.cmpf ogt, %parallel_loop3A_693, %parallel_loop3A_695 : vector<16xf32>
        %parallel_loop3A_697 = arith.andi %parallel_loop3A_687, %parallel_loop3A_696 : vector<16xi1>
        %parallel_loop3A_698 = arith.mulf %parallel_loop3A_693, %parallel_loop3A_679 : vector<16xf32>
        %parallel_loop3A_699 = arith.addf %parallel_loop3A_676, %parallel_loop3A_698 : vector<16xf32>
        %parallel_loop3A_700 = arith.mulf %parallel_loop3A_693, %parallel_loop3A_680 : vector<16xf32>
        %parallel_loop3A_701 = arith.addf %parallel_loop3A_677, %parallel_loop3A_700 : vector<16xf32>
        %parallel_loop3A_702 = arith.mulf %parallel_loop3A_693, %parallel_loop3A_681 : vector<16xf32>
        %parallel_loop3A_703 = arith.addf %parallel_loop3A_678, %parallel_loop3A_702 : vector<16xf32>
        %parallel_loop3A_704 = vector.broadcast %squeeze3A_25 : f32 to vector<16xf32>
        %parallel_loop3A_705 = arith.mulf %parallel_loop3A_704, %parallel_loop3A_699 : vector<16xf32>
        %parallel_loop3A_706 = vector.broadcast %squeeze3A_25 : f32 to vector<16xf32>
        %parallel_loop3A_707 = arith.mulf %parallel_loop3A_706, %parallel_loop3A_701 : vector<16xf32>
        %parallel_loop3A_708 = arith.mulf %parallel_loop3A_705, %parallel_loop3A_705 : vector<16xf32>
        %parallel_loop3A_709 = arith.mulf %parallel_loop3A_707, %parallel_loop3A_707 : vector<16xf32>
        %parallel_loop3A_710 = arith.addf %parallel_loop3A_708, %parallel_loop3A_709 : vector<16xf32>
        %parallel_loop3A_711 = arith.constant 1.000000e+00 : f32
        %parallel_loop3A_712 = vector.broadcast %parallel_loop3A_711 : f32 to vector<16xf32>
        %parallel_loop3A_713 = arith.addf %parallel_loop3A_710, %parallel_loop3A_712 : vector<16xf32>
        %parallel_loop3A_714 = tpu.bitcast %parallel_loop3A_713 : vector<16xf32> -> vector<16xi32>
        %parallel_loop3A_715 = arith.constant 1 : i32
        %parallel_loop3A_716 = vector.broadcast %parallel_loop3A_715 : i32 to vector<16xi32>
        %parallel_loop3A_717 = arith.shrui %parallel_loop3A_714, %parallel_loop3A_716 : vector<16xi32>
        %parallel_loop3A_718 = arith.constant 1597463007 : i32
        %parallel_loop3A_719 = vector.broadcast %parallel_loop3A_718 : i32 to vector<16xi32>
        %parallel_loop3A_720 = arith.subi %parallel_loop3A_719, %parallel_loop3A_717 : vector<16xi32>
        %parallel_loop3A_721 = tpu.bitcast %parallel_loop3A_720 : vector<16xi32> -> vector<16xf32>
        %parallel_loop3A_722 = arith.constant 5.000000e-01 : f32
        %parallel_loop3A_723 = vector.broadcast %parallel_loop3A_722 : f32 to vector<16xf32>
        %parallel_loop3A_724 = arith.mulf %parallel_loop3A_723, %parallel_loop3A_713 : vector<16xf32>
        %parallel_loop3A_725 = arith.mulf %parallel_loop3A_724, %parallel_loop3A_721 : vector<16xf32>
        %parallel_loop3A_726 = arith.mulf %parallel_loop3A_725, %parallel_loop3A_721 : vector<16xf32>
        %parallel_loop3A_727 = arith.constant 1.500000e+00 : f32
        %parallel_loop3A_728 = vector.broadcast %parallel_loop3A_727 : f32 to vector<16xf32>
        %parallel_loop3A_729 = arith.subf %parallel_loop3A_728, %parallel_loop3A_726 : vector<16xf32>
        %parallel_loop3A_730 = arith.mulf %parallel_loop3A_721, %parallel_loop3A_729 : vector<16xf32>
        %parallel_loop3A_731 = arith.constant 5.000000e-01 : f32
        %parallel_loop3A_732 = vector.broadcast %parallel_loop3A_731 : f32 to vector<16xf32>
        %parallel_loop3A_733 = arith.mulf %parallel_loop3A_732, %parallel_loop3A_713 : vector<16xf32>
        %parallel_loop3A_734 = arith.mulf %parallel_loop3A_733, %parallel_loop3A_730 : vector<16xf32>
        %parallel_loop3A_735 = arith.mulf %parallel_loop3A_734, %parallel_loop3A_730 : vector<16xf32>
        %parallel_loop3A_736 = arith.constant 1.500000e+00 : f32
        %parallel_loop3A_737 = vector.broadcast %parallel_loop3A_736 : f32 to vector<16xf32>
        %parallel_loop3A_738 = arith.subf %parallel_loop3A_737, %parallel_loop3A_735 : vector<16xf32>
        %parallel_loop3A_739 = arith.mulf %parallel_loop3A_730, %parallel_loop3A_738 : vector<16xf32>
        %parallel_loop3A_740 = arith.mulf %parallel_loop3A_679, %parallel_loop3A_705 : vector<16xf32>
        %parallel_loop3A_741 = arith.mulf %parallel_loop3A_680, %parallel_loop3A_707 : vector<16xf32>
        %parallel_loop3A_742 = arith.addf %parallel_loop3A_740, %parallel_loop3A_741 : vector<16xf32>
        %parallel_loop3A_743 = arith.addf %parallel_loop3A_742, %parallel_loop3A_681 : vector<16xf32>
        %parallel_loop3A_744 = arith.mulf %parallel_loop3A_743, %parallel_loop3A_739 : vector<16xf32>
        %parallel_loop3A_745 = arith.constant -1.000000e+00 : f32
        %parallel_loop3A_746 = arith.constant 1.000000e+00 : f32
        %parallel_loop3A_747 = vector.broadcast %parallel_loop3A_745 : f32 to vector<16xf32>
        %parallel_loop3A_748 = arith.maximumf %parallel_loop3A_747, %parallel_loop3A_744 : vector<16xf32>
        %parallel_loop3A_749 = vector.broadcast %parallel_loop3A_746 : f32 to vector<16xf32>
        %parallel_loop3A_750 = arith.minimumf %parallel_loop3A_749, %parallel_loop3A_748 : vector<16xf32>
        %parallel_loop3A_751 = arith.mulf %parallel_loop3A_750, %parallel_loop3A_750 : vector<16xf32>
        %parallel_loop3A_752 = arith.constant 1.000000e+00 : f32
        %parallel_loop3A_753 = vector.broadcast %parallel_loop3A_752 : f32 to vector<16xf32>
        %parallel_loop3A_754 = arith.subf %parallel_loop3A_753, %parallel_loop3A_751 : vector<16xf32>
        %parallel_loop3A_755 = arith.constant 0.000000e+00 : f32
        %parallel_loop3A_756 = vector.broadcast %parallel_loop3A_755 : f32 to vector<16xf32>
        %parallel_loop3A_757 = arith.maximumf %parallel_loop3A_756, %parallel_loop3A_754 : vector<16xf32>
        %parallel_loop3A_758 = vector.broadcast %parallel_loop3A_683 : f32 to vector<16xf32>
        %parallel_loop3A_759 = arith.mulf %parallel_loop3A_758, %parallel_loop3A_757 : vector<16xf32>
        %parallel_loop3A_760 = arith.constant 1.000000e+00 : f32
        %parallel_loop3A_761 = vector.broadcast %parallel_loop3A_760 : f32 to vector<16xf32>
        %parallel_loop3A_762 = arith.subf %parallel_loop3A_761, %parallel_loop3A_759 : vector<16xf32>
        %parallel_loop3A_763 = arith.constant 9.99999993E-9 : f32
        %parallel_loop3A_764 = vector.broadcast %parallel_loop3A_763 : f32 to vector<16xf32>
        %parallel_loop3A_765 = arith.maximumf %parallel_loop3A_764, %parallel_loop3A_762 : vector<16xf32>
        %parallel_loop3A_766 = tpu.bitcast %parallel_loop3A_765 : vector<16xf32> -> vector<16xi32>
        %parallel_loop3A_767 = arith.constant 1 : i32
        %parallel_loop3A_768 = vector.broadcast %parallel_loop3A_767 : i32 to vector<16xi32>
        %parallel_loop3A_769 = arith.shrui %parallel_loop3A_766, %parallel_loop3A_768 : vector<16xi32>
        %parallel_loop3A_770 = arith.constant 1597463007 : i32
        %parallel_loop3A_771 = vector.broadcast %parallel_loop3A_770 : i32 to vector<16xi32>
        %parallel_loop3A_772 = arith.subi %parallel_loop3A_771, %parallel_loop3A_769 : vector<16xi32>
        %parallel_loop3A_773 = tpu.bitcast %parallel_loop3A_772 : vector<16xi32> -> vector<16xf32>
        %parallel_loop3A_774 = arith.constant 5.000000e-01 : f32
        %parallel_loop3A_775 = vector.broadcast %parallel_loop3A_774 : f32 to vector<16xf32>
        %parallel_loop3A_776 = arith.mulf %parallel_loop3A_775, %parallel_loop3A_765 : vector<16xf32>
        %parallel_loop3A_777 = arith.mulf %parallel_loop3A_776, %parallel_loop3A_773 : vector<16xf32>
        %parallel_loop3A_778 = arith.mulf %parallel_loop3A_777, %parallel_loop3A_773 : vector<16xf32>
        %parallel_loop3A_779 = arith.constant 1.500000e+00 : f32
        %parallel_loop3A_780 = vector.broadcast %parallel_loop3A_779 : f32 to vector<16xf32>
        %parallel_loop3A_781 = arith.subf %parallel_loop3A_780, %parallel_loop3A_778 : vector<16xf32>
        %parallel_loop3A_782 = arith.mulf %parallel_loop3A_773, %parallel_loop3A_781 : vector<16xf32>
        %parallel_loop3A_783 = arith.constant 5.000000e-01 : f32
        %parallel_loop3A_784 = vector.broadcast %parallel_loop3A_783 : f32 to vector<16xf32>
        %parallel_loop3A_785 = arith.mulf %parallel_loop3A_784, %parallel_loop3A_765 : vector<16xf32>
        %parallel_loop3A_786 = arith.mulf %parallel_loop3A_785, %parallel_loop3A_782 : vector<16xf32>
        %parallel_loop3A_787 = arith.mulf %parallel_loop3A_786, %parallel_loop3A_782 : vector<16xf32>
        %parallel_loop3A_788 = arith.constant 1.500000e+00 : f32
        %parallel_loop3A_789 = vector.broadcast %parallel_loop3A_788 : f32 to vector<16xf32>
        %parallel_loop3A_790 = arith.subf %parallel_loop3A_789, %parallel_loop3A_787 : vector<16xf32>
        %parallel_loop3A_791 = arith.mulf %parallel_loop3A_782, %parallel_loop3A_790 : vector<16xf32>
        %parallel_loop3A_792 = arith.mulf %parallel_loop3A_765, %parallel_loop3A_791 : vector<16xf32>
        %parallel_loop3A_793 = vector.broadcast %squeeze3A_27 : f32 to vector<16xf32>
        %parallel_loop3A_794 = arith.mulf %parallel_loop3A_793, %parallel_loop3A_750 : vector<16xf32>
        %parallel_loop3A_795 = arith.subf %parallel_loop3A_794, %parallel_loop3A_792 : vector<16xf32>
        %parallel_loop3A_796 = arith.mulf %parallel_loop3A_795, %parallel_loop3A_739 : vector<16xf32>
        %parallel_loop3A_797 = vector.broadcast %squeeze3A_27 : f32 to vector<16xf32>
        %parallel_loop3A_798 = arith.mulf %parallel_loop3A_797, %parallel_loop3A_679 : vector<16xf32>
        %parallel_loop3A_799 = arith.mulf %parallel_loop3A_796, %parallel_loop3A_705 : vector<16xf32>
        %parallel_loop3A_800 = arith.subf %parallel_loop3A_798, %parallel_loop3A_799 : vector<16xf32>
        %parallel_loop3A_801 = vector.broadcast %squeeze3A_27 : f32 to vector<16xf32>
        %parallel_loop3A_802 = arith.mulf %parallel_loop3A_801, %parallel_loop3A_680 : vector<16xf32>
        %parallel_loop3A_803 = arith.mulf %parallel_loop3A_796, %parallel_loop3A_707 : vector<16xf32>
        %parallel_loop3A_804 = arith.subf %parallel_loop3A_802, %parallel_loop3A_803 : vector<16xf32>
        %parallel_loop3A_805 = vector.broadcast %squeeze3A_27 : f32 to vector<16xf32>
        %parallel_loop3A_806 = arith.mulf %parallel_loop3A_805, %parallel_loop3A_681 : vector<16xf32>
        %parallel_loop3A_807 = arith.subf %parallel_loop3A_806, %parallel_loop3A_796 : vector<16xf32>
        %parallel_loop3A_808 = vector.broadcast %squeeze3A_27 : f32 to vector<16xf32>
        %parallel_loop3A_809 = arith.mulf %parallel_loop3A_808, %parallel_loop3A_750 : vector<16xf32>
        %parallel_loop3A_810 = vector.broadcast %squeeze3A_27 : f32 to vector<16xf32>
        %parallel_loop3A_811 = arith.mulf %parallel_loop3A_810, %parallel_loop3A_750 : vector<16xf32>
        %parallel_loop3A_812 = arith.mulf %parallel_loop3A_809, %parallel_loop3A_811 : vector<16xf32>
        %parallel_loop3A_813 = vector.broadcast %parallel_loop3A_683 : f32 to vector<16xf32>
        %parallel_loop3A_814 = arith.subf %parallel_loop3A_813, %parallel_loop3A_812 : vector<16xf32>
        %parallel_loop3A_815 = arith.addf %parallel_loop3A_814, %parallel_loop3A_765 : vector<16xf32>
        %parallel_loop3A_816 = tpu.bitcast %parallel_loop3A_815 : vector<16xf32> -> vector<16xi32>
        %parallel_loop3A_817 = arith.constant 1 : i32
        %parallel_loop3A_818 = vector.broadcast %parallel_loop3A_817 : i32 to vector<16xi32>
        %parallel_loop3A_819 = arith.shrui %parallel_loop3A_816, %parallel_loop3A_818 : vector<16xi32>
        %parallel_loop3A_820 = arith.constant 1597463007 : i32
        %parallel_loop3A_821 = vector.broadcast %parallel_loop3A_820 : i32 to vector<16xi32>
        %parallel_loop3A_822 = arith.subi %parallel_loop3A_821, %parallel_loop3A_819 : vector<16xi32>
        %parallel_loop3A_823 = tpu.bitcast %parallel_loop3A_822 : vector<16xi32> -> vector<16xf32>
        %parallel_loop3A_824 = arith.constant 5.000000e-01 : f32
        %parallel_loop3A_825 = vector.broadcast %parallel_loop3A_824 : f32 to vector<16xf32>
        %parallel_loop3A_826 = arith.mulf %parallel_loop3A_825, %parallel_loop3A_815 : vector<16xf32>
        %parallel_loop3A_827 = arith.mulf %parallel_loop3A_826, %parallel_loop3A_823 : vector<16xf32>
        %parallel_loop3A_828 = arith.mulf %parallel_loop3A_827, %parallel_loop3A_823 : vector<16xf32>
        %parallel_loop3A_829 = arith.constant 1.500000e+00 : f32
        %parallel_loop3A_830 = vector.broadcast %parallel_loop3A_829 : f32 to vector<16xf32>
        %parallel_loop3A_831 = arith.subf %parallel_loop3A_830, %parallel_loop3A_828 : vector<16xf32>
        %parallel_loop3A_832 = arith.mulf %parallel_loop3A_823, %parallel_loop3A_831 : vector<16xf32>
        %parallel_loop3A_833 = arith.constant 5.000000e-01 : f32
        %parallel_loop3A_834 = vector.broadcast %parallel_loop3A_833 : f32 to vector<16xf32>
        %parallel_loop3A_835 = arith.mulf %parallel_loop3A_834, %parallel_loop3A_815 : vector<16xf32>
        %parallel_loop3A_836 = arith.mulf %parallel_loop3A_835, %parallel_loop3A_832 : vector<16xf32>
        %parallel_loop3A_837 = arith.mulf %parallel_loop3A_836, %parallel_loop3A_832 : vector<16xf32>
        %parallel_loop3A_838 = arith.constant 1.500000e+00 : f32
        %parallel_loop3A_839 = vector.broadcast %parallel_loop3A_838 : f32 to vector<16xf32>
        %parallel_loop3A_840 = arith.subf %parallel_loop3A_839, %parallel_loop3A_837 : vector<16xf32>
        %parallel_loop3A_841 = arith.mulf %parallel_loop3A_832, %parallel_loop3A_840 : vector<16xf32>
        %parallel_loop3A_842 = arith.mulf %parallel_loop3A_800, %parallel_loop3A_841 : vector<16xf32>
        %parallel_loop3A_843 = arith.mulf %parallel_loop3A_804, %parallel_loop3A_841 : vector<16xf32>
        %parallel_loop3A_844 = arith.mulf %parallel_loop3A_807, %parallel_loop3A_841 : vector<16xf32>
        %parallel_loop3A_845 = arith.constant 1.000000e+00 : f32
        %parallel_loop3A_846 = vector.broadcast %parallel_loop3A_845 : f32 to vector<16xf32>
        %parallel_loop3A_847 = arith.subf %parallel_loop3A_846, %parallel_loop3A_750 : vector<16xf32>
        %parallel_loop3A_848 = arith.constant 4.000000e-02 : f32
        %parallel_loop3A_849 = vector.broadcast %parallel_loop3A_848 : f32 to vector<16xf32>
        %parallel_loop3A_850 = arith.mulf %parallel_loop3A_849, %parallel_loop3A_847 : vector<16xf32>
        %parallel_loop3A_851 = arith.mulf %parallel_loop3A_850, %parallel_loop3A_847 : vector<16xf32>
        %parallel_loop3A_852 = arith.constant 1.000000e+00 : f32
        %parallel_loop3A_853 = vector.broadcast %parallel_loop3A_852 : f32 to vector<16xf32>
        %parallel_loop3A_854 = arith.subf %parallel_loop3A_853, %parallel_loop3A_851 : vector<16xf32>
        %parallel_loop3A_855 = arith.constant 0.000000e+00 : f32
        %parallel_loop3A_856 = arith.constant 1.000000e+00 : f32
        %parallel_loop3A_857 = vector.broadcast %parallel_loop3A_855 : f32 to vector<16xf32>
        %parallel_loop3A_858 = arith.maximumf %parallel_loop3A_857, %parallel_loop3A_854 : vector<16xf32>
        %parallel_loop3A_859 = vector.broadcast %parallel_loop3A_856 : f32 to vector<16xf32>
        %parallel_loop3A_860 = arith.minimumf %parallel_loop3A_859, %parallel_loop3A_858 : vector<16xf32>
        %parallel_loop3A_861 = arith.mulf %parallel_loop3A_682, %parallel_loop3A_860 : vector<16xf32>
        %parallel_loop3A_862 = arith.select %parallel_loop3A_697, %parallel_loop3A_699, %parallel_loop3A_676 : vector<16xi1>, vector<16xf32>
        %parallel_loop3A_863 = arith.select %parallel_loop3A_697, %parallel_loop3A_701, %parallel_loop3A_677 : vector<16xi1>, vector<16xf32>
        %parallel_loop3A_864 = arith.select %parallel_loop3A_697, %parallel_loop3A_703, %parallel_loop3A_678 : vector<16xi1>, vector<16xf32>
        %parallel_loop3A_865 = arith.select %parallel_loop3A_697, %parallel_loop3A_842, %parallel_loop3A_679 : vector<16xi1>, vector<16xf32>
        %parallel_loop3A_866 = arith.select %parallel_loop3A_697, %parallel_loop3A_843, %parallel_loop3A_680 : vector<16xi1>, vector<16xf32>
        %parallel_loop3A_867 = arith.select %parallel_loop3A_697, %parallel_loop3A_844, %parallel_loop3A_681 : vector<16xi1>, vector<16xf32>
        %parallel_loop3A_868 = arith.select %parallel_loop3A_697, %parallel_loop3A_861, %parallel_loop3A_682 : vector<16xi1>, vector<16xf32>
        %parallel_loop3A_869 = arith.mulf %squeeze3A_33, %squeeze3A_33 : f32
        %parallel_loop3A_870 = math.absf %parallel_loop3A_867 : vector<16xf32>
        %parallel_loop3A_871 = arith.constant 9.99999997E-7 : f32
        %parallel_loop3A_872 = vector.broadcast %parallel_loop3A_871 : f32 to vector<16xf32>
        %parallel_loop3A_873 = arith.cmpf ogt, %parallel_loop3A_870, %parallel_loop3A_872 : vector<16xf32>
        %parallel_loop3A_874 = arith.constant 1.000000e+00 : f32
        %parallel_loop3A_875 = vector.broadcast %parallel_loop3A_874 : f32 to vector<16xf32>
        %parallel_loop3A_876 = arith.select %parallel_loop3A_873, %parallel_loop3A_867, %parallel_loop3A_875 : vector<16xi1>, vector<16xf32>
        %parallel_loop3A_877 = vector.broadcast %squeeze3A_29 : f32 to vector<16xf32>
        %parallel_loop3A_878 = arith.subf %parallel_loop3A_877, %parallel_loop3A_864 : vector<16xf32>
        %parallel_loop3A_879 = arith.divf %parallel_loop3A_878, %parallel_loop3A_876 : vector<16xf32>
        %parallel_loop3A_880 = arith.constant 9.99999997E-7 : f32
        %parallel_loop3A_881 = vector.broadcast %parallel_loop3A_880 : f32 to vector<16xf32>
        %parallel_loop3A_882 = arith.cmpf ogt, %parallel_loop3A_879, %parallel_loop3A_881 : vector<16xf32>
        %parallel_loop3A_883 = arith.andi %parallel_loop3A_873, %parallel_loop3A_882 : vector<16xi1>
        %parallel_loop3A_884 = arith.mulf %parallel_loop3A_879, %parallel_loop3A_865 : vector<16xf32>
        %parallel_loop3A_885 = arith.addf %parallel_loop3A_862, %parallel_loop3A_884 : vector<16xf32>
        %parallel_loop3A_886 = arith.mulf %parallel_loop3A_879, %parallel_loop3A_866 : vector<16xf32>
        %parallel_loop3A_887 = arith.addf %parallel_loop3A_863, %parallel_loop3A_886 : vector<16xf32>
        %parallel_loop3A_888 = arith.mulf %parallel_loop3A_879, %parallel_loop3A_867 : vector<16xf32>
        %parallel_loop3A_889 = arith.addf %parallel_loop3A_864, %parallel_loop3A_888 : vector<16xf32>
        %parallel_loop3A_890 = vector.broadcast %squeeze3A_31 : f32 to vector<16xf32>
        %parallel_loop3A_891 = arith.mulf %parallel_loop3A_890, %parallel_loop3A_885 : vector<16xf32>
        %parallel_loop3A_892 = vector.broadcast %squeeze3A_31 : f32 to vector<16xf32>
        %parallel_loop3A_893 = arith.mulf %parallel_loop3A_892, %parallel_loop3A_887 : vector<16xf32>
        %parallel_loop3A_894 = arith.mulf %parallel_loop3A_891, %parallel_loop3A_891 : vector<16xf32>
        %parallel_loop3A_895 = arith.mulf %parallel_loop3A_893, %parallel_loop3A_893 : vector<16xf32>
        %parallel_loop3A_896 = arith.addf %parallel_loop3A_894, %parallel_loop3A_895 : vector<16xf32>
        %parallel_loop3A_897 = arith.constant 1.000000e+00 : f32
        %parallel_loop3A_898 = vector.broadcast %parallel_loop3A_897 : f32 to vector<16xf32>
        %parallel_loop3A_899 = arith.addf %parallel_loop3A_896, %parallel_loop3A_898 : vector<16xf32>
        %parallel_loop3A_900 = tpu.bitcast %parallel_loop3A_899 : vector<16xf32> -> vector<16xi32>
        %parallel_loop3A_901 = arith.constant 1 : i32
        %parallel_loop3A_902 = vector.broadcast %parallel_loop3A_901 : i32 to vector<16xi32>
        %parallel_loop3A_903 = arith.shrui %parallel_loop3A_900, %parallel_loop3A_902 : vector<16xi32>
        %parallel_loop3A_904 = arith.constant 1597463007 : i32
        %parallel_loop3A_905 = vector.broadcast %parallel_loop3A_904 : i32 to vector<16xi32>
        %parallel_loop3A_906 = arith.subi %parallel_loop3A_905, %parallel_loop3A_903 : vector<16xi32>
        %parallel_loop3A_907 = tpu.bitcast %parallel_loop3A_906 : vector<16xi32> -> vector<16xf32>
        %parallel_loop3A_908 = arith.constant 5.000000e-01 : f32
        %parallel_loop3A_909 = vector.broadcast %parallel_loop3A_908 : f32 to vector<16xf32>
        %parallel_loop3A_910 = arith.mulf %parallel_loop3A_909, %parallel_loop3A_899 : vector<16xf32>
        %parallel_loop3A_911 = arith.mulf %parallel_loop3A_910, %parallel_loop3A_907 : vector<16xf32>
        %parallel_loop3A_912 = arith.mulf %parallel_loop3A_911, %parallel_loop3A_907 : vector<16xf32>
        %parallel_loop3A_913 = arith.constant 1.500000e+00 : f32
        %parallel_loop3A_914 = vector.broadcast %parallel_loop3A_913 : f32 to vector<16xf32>
        %parallel_loop3A_915 = arith.subf %parallel_loop3A_914, %parallel_loop3A_912 : vector<16xf32>
        %parallel_loop3A_916 = arith.mulf %parallel_loop3A_907, %parallel_loop3A_915 : vector<16xf32>
        %parallel_loop3A_917 = arith.constant 5.000000e-01 : f32
        %parallel_loop3A_918 = vector.broadcast %parallel_loop3A_917 : f32 to vector<16xf32>
        %parallel_loop3A_919 = arith.mulf %parallel_loop3A_918, %parallel_loop3A_899 : vector<16xf32>
        %parallel_loop3A_920 = arith.mulf %parallel_loop3A_919, %parallel_loop3A_916 : vector<16xf32>
        %parallel_loop3A_921 = arith.mulf %parallel_loop3A_920, %parallel_loop3A_916 : vector<16xf32>
        %parallel_loop3A_922 = arith.constant 1.500000e+00 : f32
        %parallel_loop3A_923 = vector.broadcast %parallel_loop3A_922 : f32 to vector<16xf32>
        %parallel_loop3A_924 = arith.subf %parallel_loop3A_923, %parallel_loop3A_921 : vector<16xf32>
        %parallel_loop3A_925 = arith.mulf %parallel_loop3A_916, %parallel_loop3A_924 : vector<16xf32>
        %parallel_loop3A_926 = arith.mulf %parallel_loop3A_865, %parallel_loop3A_891 : vector<16xf32>
        %parallel_loop3A_927 = arith.mulf %parallel_loop3A_866, %parallel_loop3A_893 : vector<16xf32>
        %parallel_loop3A_928 = arith.addf %parallel_loop3A_926, %parallel_loop3A_927 : vector<16xf32>
        %parallel_loop3A_929 = arith.addf %parallel_loop3A_928, %parallel_loop3A_867 : vector<16xf32>
        %parallel_loop3A_930 = arith.mulf %parallel_loop3A_929, %parallel_loop3A_925 : vector<16xf32>
        %parallel_loop3A_931 = arith.constant -1.000000e+00 : f32
        %parallel_loop3A_932 = arith.constant 1.000000e+00 : f32
        %parallel_loop3A_933 = vector.broadcast %parallel_loop3A_931 : f32 to vector<16xf32>
        %parallel_loop3A_934 = arith.maximumf %parallel_loop3A_933, %parallel_loop3A_930 : vector<16xf32>
        %parallel_loop3A_935 = vector.broadcast %parallel_loop3A_932 : f32 to vector<16xf32>
        %parallel_loop3A_936 = arith.minimumf %parallel_loop3A_935, %parallel_loop3A_934 : vector<16xf32>
        %parallel_loop3A_937 = arith.mulf %parallel_loop3A_936, %parallel_loop3A_936 : vector<16xf32>
        %parallel_loop3A_938 = arith.constant 1.000000e+00 : f32
        %parallel_loop3A_939 = vector.broadcast %parallel_loop3A_938 : f32 to vector<16xf32>
        %parallel_loop3A_940 = arith.subf %parallel_loop3A_939, %parallel_loop3A_937 : vector<16xf32>
        %parallel_loop3A_941 = arith.constant 0.000000e+00 : f32
        %parallel_loop3A_942 = vector.broadcast %parallel_loop3A_941 : f32 to vector<16xf32>
        %parallel_loop3A_943 = arith.maximumf %parallel_loop3A_942, %parallel_loop3A_940 : vector<16xf32>
        %parallel_loop3A_944 = vector.broadcast %parallel_loop3A_869 : f32 to vector<16xf32>
        %parallel_loop3A_945 = arith.mulf %parallel_loop3A_944, %parallel_loop3A_943 : vector<16xf32>
        %parallel_loop3A_946 = arith.constant 1.000000e+00 : f32
        %parallel_loop3A_947 = vector.broadcast %parallel_loop3A_946 : f32 to vector<16xf32>
        %parallel_loop3A_948 = arith.subf %parallel_loop3A_947, %parallel_loop3A_945 : vector<16xf32>
        %parallel_loop3A_949 = arith.constant 9.99999993E-9 : f32
        %parallel_loop3A_950 = vector.broadcast %parallel_loop3A_949 : f32 to vector<16xf32>
        %parallel_loop3A_951 = arith.maximumf %parallel_loop3A_950, %parallel_loop3A_948 : vector<16xf32>
        %parallel_loop3A_952 = tpu.bitcast %parallel_loop3A_951 : vector<16xf32> -> vector<16xi32>
        %parallel_loop3A_953 = arith.constant 1 : i32
        %parallel_loop3A_954 = vector.broadcast %parallel_loop3A_953 : i32 to vector<16xi32>
        %parallel_loop3A_955 = arith.shrui %parallel_loop3A_952, %parallel_loop3A_954 : vector<16xi32>
        %parallel_loop3A_956 = arith.constant 1597463007 : i32
        %parallel_loop3A_957 = vector.broadcast %parallel_loop3A_956 : i32 to vector<16xi32>
        %parallel_loop3A_958 = arith.subi %parallel_loop3A_957, %parallel_loop3A_955 : vector<16xi32>
        %parallel_loop3A_959 = tpu.bitcast %parallel_loop3A_958 : vector<16xi32> -> vector<16xf32>
        %parallel_loop3A_960 = arith.constant 5.000000e-01 : f32
        %parallel_loop3A_961 = vector.broadcast %parallel_loop3A_960 : f32 to vector<16xf32>
        %parallel_loop3A_962 = arith.mulf %parallel_loop3A_961, %parallel_loop3A_951 : vector<16xf32>
        %parallel_loop3A_963 = arith.mulf %parallel_loop3A_962, %parallel_loop3A_959 : vector<16xf32>
        %parallel_loop3A_964 = arith.mulf %parallel_loop3A_963, %parallel_loop3A_959 : vector<16xf32>
        %parallel_loop3A_965 = arith.constant 1.500000e+00 : f32
        %parallel_loop3A_966 = vector.broadcast %parallel_loop3A_965 : f32 to vector<16xf32>
        %parallel_loop3A_967 = arith.subf %parallel_loop3A_966, %parallel_loop3A_964 : vector<16xf32>
        %parallel_loop3A_968 = arith.mulf %parallel_loop3A_959, %parallel_loop3A_967 : vector<16xf32>
        %parallel_loop3A_969 = arith.constant 5.000000e-01 : f32
        %parallel_loop3A_970 = vector.broadcast %parallel_loop3A_969 : f32 to vector<16xf32>
        %parallel_loop3A_971 = arith.mulf %parallel_loop3A_970, %parallel_loop3A_951 : vector<16xf32>
        %parallel_loop3A_972 = arith.mulf %parallel_loop3A_971, %parallel_loop3A_968 : vector<16xf32>
        %parallel_loop3A_973 = arith.mulf %parallel_loop3A_972, %parallel_loop3A_968 : vector<16xf32>
        %parallel_loop3A_974 = arith.constant 1.500000e+00 : f32
        %parallel_loop3A_975 = vector.broadcast %parallel_loop3A_974 : f32 to vector<16xf32>
        %parallel_loop3A_976 = arith.subf %parallel_loop3A_975, %parallel_loop3A_973 : vector<16xf32>
        %parallel_loop3A_977 = arith.mulf %parallel_loop3A_968, %parallel_loop3A_976 : vector<16xf32>
        %parallel_loop3A_978 = arith.mulf %parallel_loop3A_951, %parallel_loop3A_977 : vector<16xf32>
        %parallel_loop3A_979 = vector.broadcast %squeeze3A_33 : f32 to vector<16xf32>
        %parallel_loop3A_980 = arith.mulf %parallel_loop3A_979, %parallel_loop3A_936 : vector<16xf32>
        %parallel_loop3A_981 = arith.subf %parallel_loop3A_980, %parallel_loop3A_978 : vector<16xf32>
        %parallel_loop3A_982 = arith.mulf %parallel_loop3A_981, %parallel_loop3A_925 : vector<16xf32>
        %parallel_loop3A_983 = vector.broadcast %squeeze3A_33 : f32 to vector<16xf32>
        %parallel_loop3A_984 = arith.mulf %parallel_loop3A_983, %parallel_loop3A_865 : vector<16xf32>
        %parallel_loop3A_985 = arith.mulf %parallel_loop3A_982, %parallel_loop3A_891 : vector<16xf32>
        %parallel_loop3A_986 = arith.subf %parallel_loop3A_984, %parallel_loop3A_985 : vector<16xf32>
        %parallel_loop3A_987 = vector.broadcast %squeeze3A_33 : f32 to vector<16xf32>
        %parallel_loop3A_988 = arith.mulf %parallel_loop3A_987, %parallel_loop3A_866 : vector<16xf32>
        %parallel_loop3A_989 = arith.mulf %parallel_loop3A_982, %parallel_loop3A_893 : vector<16xf32>
        %parallel_loop3A_990 = arith.subf %parallel_loop3A_988, %parallel_loop3A_989 : vector<16xf32>
        %parallel_loop3A_991 = vector.broadcast %squeeze3A_33 : f32 to vector<16xf32>
        %parallel_loop3A_992 = arith.mulf %parallel_loop3A_991, %parallel_loop3A_867 : vector<16xf32>
        %parallel_loop3A_993 = arith.subf %parallel_loop3A_992, %parallel_loop3A_982 : vector<16xf32>
        %parallel_loop3A_994 = vector.broadcast %squeeze3A_33 : f32 to vector<16xf32>
        %parallel_loop3A_995 = arith.mulf %parallel_loop3A_994, %parallel_loop3A_936 : vector<16xf32>
        %parallel_loop3A_996 = vector.broadcast %squeeze3A_33 : f32 to vector<16xf32>
        %parallel_loop3A_997 = arith.mulf %parallel_loop3A_996, %parallel_loop3A_936 : vector<16xf32>
        %parallel_loop3A_998 = arith.mulf %parallel_loop3A_995, %parallel_loop3A_997 : vector<16xf32>
        %parallel_loop3A_999 = vector.broadcast %parallel_loop3A_869 : f32 to vector<16xf32>
        %parallel_loop3A_1000 = arith.subf %parallel_loop3A_999, %parallel_loop3A_998 : vector<16xf32>
        %parallel_loop3A_1001 = arith.addf %parallel_loop3A_1000, %parallel_loop3A_951 : vector<16xf32>
        %parallel_loop3A_1002 = tpu.bitcast %parallel_loop3A_1001 : vector<16xf32> -> vector<16xi32>
        %parallel_loop3A_1003 = arith.constant 1 : i32
        %parallel_loop3A_1004 = vector.broadcast %parallel_loop3A_1003 : i32 to vector<16xi32>
        %parallel_loop3A_1005 = arith.shrui %parallel_loop3A_1002, %parallel_loop3A_1004 : vector<16xi32>
        %parallel_loop3A_1006 = arith.constant 1597463007 : i32
        %parallel_loop3A_1007 = vector.broadcast %parallel_loop3A_1006 : i32 to vector<16xi32>
        %parallel_loop3A_1008 = arith.subi %parallel_loop3A_1007, %parallel_loop3A_1005 : vector<16xi32>
        %parallel_loop3A_1009 = tpu.bitcast %parallel_loop3A_1008 : vector<16xi32> -> vector<16xf32>
        %parallel_loop3A_1010 = arith.constant 5.000000e-01 : f32
        %parallel_loop3A_1011 = vector.broadcast %parallel_loop3A_1010 : f32 to vector<16xf32>
        %parallel_loop3A_1012 = arith.mulf %parallel_loop3A_1011, %parallel_loop3A_1001 : vector<16xf32>
        %parallel_loop3A_1013 = arith.mulf %parallel_loop3A_1012, %parallel_loop3A_1009 : vector<16xf32>
        %parallel_loop3A_1014 = arith.mulf %parallel_loop3A_1013, %parallel_loop3A_1009 : vector<16xf32>
        %parallel_loop3A_1015 = arith.constant 1.500000e+00 : f32
        %parallel_loop3A_1016 = vector.broadcast %parallel_loop3A_1015 : f32 to vector<16xf32>
        %parallel_loop3A_1017 = arith.subf %parallel_loop3A_1016, %parallel_loop3A_1014 : vector<16xf32>
        %parallel_loop3A_1018 = arith.mulf %parallel_loop3A_1009, %parallel_loop3A_1017 : vector<16xf32>
        %parallel_loop3A_1019 = arith.constant 5.000000e-01 : f32
        %parallel_loop3A_1020 = vector.broadcast %parallel_loop3A_1019 : f32 to vector<16xf32>
        %parallel_loop3A_1021 = arith.mulf %parallel_loop3A_1020, %parallel_loop3A_1001 : vector<16xf32>
        %parallel_loop3A_1022 = arith.mulf %parallel_loop3A_1021, %parallel_loop3A_1018 : vector<16xf32>
        %parallel_loop3A_1023 = arith.mulf %parallel_loop3A_1022, %parallel_loop3A_1018 : vector<16xf32>
        %parallel_loop3A_1024 = arith.constant 1.500000e+00 : f32
        %parallel_loop3A_1025 = vector.broadcast %parallel_loop3A_1024 : f32 to vector<16xf32>
        %parallel_loop3A_1026 = arith.subf %parallel_loop3A_1025, %parallel_loop3A_1023 : vector<16xf32>
        %parallel_loop3A_1027 = arith.mulf %parallel_loop3A_1018, %parallel_loop3A_1026 : vector<16xf32>
        %parallel_loop3A_1028 = arith.mulf %parallel_loop3A_986, %parallel_loop3A_1027 : vector<16xf32>
        %parallel_loop3A_1029 = arith.mulf %parallel_loop3A_990, %parallel_loop3A_1027 : vector<16xf32>
        %parallel_loop3A_1030 = arith.mulf %parallel_loop3A_993, %parallel_loop3A_1027 : vector<16xf32>
        %parallel_loop3A_1031 = arith.constant 1.000000e+00 : f32
        %parallel_loop3A_1032 = vector.broadcast %parallel_loop3A_1031 : f32 to vector<16xf32>
        %parallel_loop3A_1033 = arith.subf %parallel_loop3A_1032, %parallel_loop3A_936 : vector<16xf32>
        %parallel_loop3A_1034 = arith.constant 4.000000e-02 : f32
        %parallel_loop3A_1035 = vector.broadcast %parallel_loop3A_1034 : f32 to vector<16xf32>
        %parallel_loop3A_1036 = arith.mulf %parallel_loop3A_1035, %parallel_loop3A_1033 : vector<16xf32>
        %parallel_loop3A_1037 = arith.mulf %parallel_loop3A_1036, %parallel_loop3A_1033 : vector<16xf32>
        %parallel_loop3A_1038 = arith.constant 1.000000e+00 : f32
        %parallel_loop3A_1039 = vector.broadcast %parallel_loop3A_1038 : f32 to vector<16xf32>
        %parallel_loop3A_1040 = arith.subf %parallel_loop3A_1039, %parallel_loop3A_1037 : vector<16xf32>
        %parallel_loop3A_1041 = arith.constant 0.000000e+00 : f32
        %parallel_loop3A_1042 = arith.constant 1.000000e+00 : f32
        %parallel_loop3A_1043 = vector.broadcast %parallel_loop3A_1041 : f32 to vector<16xf32>
        %parallel_loop3A_1044 = arith.maximumf %parallel_loop3A_1043, %parallel_loop3A_1040 : vector<16xf32>
        %parallel_loop3A_1045 = vector.broadcast %parallel_loop3A_1042 : f32 to vector<16xf32>
        %parallel_loop3A_1046 = arith.minimumf %parallel_loop3A_1045, %parallel_loop3A_1044 : vector<16xf32>
        %parallel_loop3A_1047 = arith.mulf %parallel_loop3A_868, %parallel_loop3A_1046 : vector<16xf32>
        %parallel_loop3A_1048 = arith.select %parallel_loop3A_883, %parallel_loop3A_885, %parallel_loop3A_862 : vector<16xi1>, vector<16xf32>
        %parallel_loop3A_1049 = arith.select %parallel_loop3A_883, %parallel_loop3A_887, %parallel_loop3A_863 : vector<16xi1>, vector<16xf32>
        %parallel_loop3A_1050 = arith.select %parallel_loop3A_883, %parallel_loop3A_889, %parallel_loop3A_864 : vector<16xi1>, vector<16xf32>
        %parallel_loop3A_1051 = arith.select %parallel_loop3A_883, %parallel_loop3A_1028, %parallel_loop3A_865 : vector<16xi1>, vector<16xf32>
        %parallel_loop3A_1052 = arith.select %parallel_loop3A_883, %parallel_loop3A_1029, %parallel_loop3A_866 : vector<16xi1>, vector<16xf32>
        %parallel_loop3A_1053 = arith.select %parallel_loop3A_883, %parallel_loop3A_1030, %parallel_loop3A_867 : vector<16xi1>, vector<16xf32>
        %parallel_loop3A_1054 = arith.select %parallel_loop3A_883, %parallel_loop3A_1047, %parallel_loop3A_868 : vector<16xi1>, vector<16xf32>
        %parallel_loop3A_1055 = arith.mulf %squeeze3A_39, %squeeze3A_39 : f32
        %parallel_loop3A_1056 = math.absf %parallel_loop3A_1053 : vector<16xf32>
        %parallel_loop3A_1057 = arith.constant 9.99999997E-7 : f32
        %parallel_loop3A_1058 = vector.broadcast %parallel_loop3A_1057 : f32 to vector<16xf32>
        %parallel_loop3A_1059 = arith.cmpf ogt, %parallel_loop3A_1056, %parallel_loop3A_1058 : vector<16xf32>
        %parallel_loop3A_1060 = arith.constant 1.000000e+00 : f32
        %parallel_loop3A_1061 = vector.broadcast %parallel_loop3A_1060 : f32 to vector<16xf32>
        %parallel_loop3A_1062 = arith.select %parallel_loop3A_1059, %parallel_loop3A_1053, %parallel_loop3A_1061 : vector<16xi1>, vector<16xf32>
        %parallel_loop3A_1063 = vector.broadcast %squeeze3A_35 : f32 to vector<16xf32>
        %parallel_loop3A_1064 = arith.subf %parallel_loop3A_1063, %parallel_loop3A_1050 : vector<16xf32>
        %parallel_loop3A_1065 = arith.divf %parallel_loop3A_1064, %parallel_loop3A_1062 : vector<16xf32>
        %parallel_loop3A_1066 = arith.constant 9.99999997E-7 : f32
        %parallel_loop3A_1067 = vector.broadcast %parallel_loop3A_1066 : f32 to vector<16xf32>
        %parallel_loop3A_1068 = arith.cmpf ogt, %parallel_loop3A_1065, %parallel_loop3A_1067 : vector<16xf32>
        %parallel_loop3A_1069 = arith.andi %parallel_loop3A_1059, %parallel_loop3A_1068 : vector<16xi1>
        %parallel_loop3A_1070 = arith.mulf %parallel_loop3A_1065, %parallel_loop3A_1051 : vector<16xf32>
        %parallel_loop3A_1071 = arith.addf %parallel_loop3A_1048, %parallel_loop3A_1070 : vector<16xf32>
        %parallel_loop3A_1072 = arith.mulf %parallel_loop3A_1065, %parallel_loop3A_1052 : vector<16xf32>
        %parallel_loop3A_1073 = arith.addf %parallel_loop3A_1049, %parallel_loop3A_1072 : vector<16xf32>
        %parallel_loop3A_1074 = arith.mulf %parallel_loop3A_1065, %parallel_loop3A_1053 : vector<16xf32>
        %parallel_loop3A_1075 = arith.addf %parallel_loop3A_1050, %parallel_loop3A_1074 : vector<16xf32>
        %parallel_loop3A_1076 = vector.broadcast %squeeze3A_37 : f32 to vector<16xf32>
        %parallel_loop3A_1077 = arith.mulf %parallel_loop3A_1076, %parallel_loop3A_1071 : vector<16xf32>
        %parallel_loop3A_1078 = vector.broadcast %squeeze3A_37 : f32 to vector<16xf32>
        %parallel_loop3A_1079 = arith.mulf %parallel_loop3A_1078, %parallel_loop3A_1073 : vector<16xf32>
        %parallel_loop3A_1080 = arith.mulf %parallel_loop3A_1077, %parallel_loop3A_1077 : vector<16xf32>
        %parallel_loop3A_1081 = arith.mulf %parallel_loop3A_1079, %parallel_loop3A_1079 : vector<16xf32>
        %parallel_loop3A_1082 = arith.addf %parallel_loop3A_1080, %parallel_loop3A_1081 : vector<16xf32>
        %parallel_loop3A_1083 = arith.constant 1.000000e+00 : f32
        %parallel_loop3A_1084 = vector.broadcast %parallel_loop3A_1083 : f32 to vector<16xf32>
        %parallel_loop3A_1085 = arith.addf %parallel_loop3A_1082, %parallel_loop3A_1084 : vector<16xf32>
        %parallel_loop3A_1086 = tpu.bitcast %parallel_loop3A_1085 : vector<16xf32> -> vector<16xi32>
        %parallel_loop3A_1087 = arith.constant 1 : i32
        %parallel_loop3A_1088 = vector.broadcast %parallel_loop3A_1087 : i32 to vector<16xi32>
        %parallel_loop3A_1089 = arith.shrui %parallel_loop3A_1086, %parallel_loop3A_1088 : vector<16xi32>
        %parallel_loop3A_1090 = arith.constant 1597463007 : i32
        %parallel_loop3A_1091 = vector.broadcast %parallel_loop3A_1090 : i32 to vector<16xi32>
        %parallel_loop3A_1092 = arith.subi %parallel_loop3A_1091, %parallel_loop3A_1089 : vector<16xi32>
        %parallel_loop3A_1093 = tpu.bitcast %parallel_loop3A_1092 : vector<16xi32> -> vector<16xf32>
        %parallel_loop3A_1094 = arith.constant 5.000000e-01 : f32
        %parallel_loop3A_1095 = vector.broadcast %parallel_loop3A_1094 : f32 to vector<16xf32>
        %parallel_loop3A_1096 = arith.mulf %parallel_loop3A_1095, %parallel_loop3A_1085 : vector<16xf32>
        %parallel_loop3A_1097 = arith.mulf %parallel_loop3A_1096, %parallel_loop3A_1093 : vector<16xf32>
        %parallel_loop3A_1098 = arith.mulf %parallel_loop3A_1097, %parallel_loop3A_1093 : vector<16xf32>
        %parallel_loop3A_1099 = arith.constant 1.500000e+00 : f32
        %parallel_loop3A_1100 = vector.broadcast %parallel_loop3A_1099 : f32 to vector<16xf32>
        %parallel_loop3A_1101 = arith.subf %parallel_loop3A_1100, %parallel_loop3A_1098 : vector<16xf32>
        %parallel_loop3A_1102 = arith.mulf %parallel_loop3A_1093, %parallel_loop3A_1101 : vector<16xf32>
        %parallel_loop3A_1103 = arith.constant 5.000000e-01 : f32
        %parallel_loop3A_1104 = vector.broadcast %parallel_loop3A_1103 : f32 to vector<16xf32>
        %parallel_loop3A_1105 = arith.mulf %parallel_loop3A_1104, %parallel_loop3A_1085 : vector<16xf32>
        %parallel_loop3A_1106 = arith.mulf %parallel_loop3A_1105, %parallel_loop3A_1102 : vector<16xf32>
        %parallel_loop3A_1107 = arith.mulf %parallel_loop3A_1106, %parallel_loop3A_1102 : vector<16xf32>
        %parallel_loop3A_1108 = arith.constant 1.500000e+00 : f32
        %parallel_loop3A_1109 = vector.broadcast %parallel_loop3A_1108 : f32 to vector<16xf32>
        %parallel_loop3A_1110 = arith.subf %parallel_loop3A_1109, %parallel_loop3A_1107 : vector<16xf32>
        %parallel_loop3A_1111 = arith.mulf %parallel_loop3A_1102, %parallel_loop3A_1110 : vector<16xf32>
        %parallel_loop3A_1112 = arith.mulf %parallel_loop3A_1051, %parallel_loop3A_1077 : vector<16xf32>
        %parallel_loop3A_1113 = arith.mulf %parallel_loop3A_1052, %parallel_loop3A_1079 : vector<16xf32>
        %parallel_loop3A_1114 = arith.addf %parallel_loop3A_1112, %parallel_loop3A_1113 : vector<16xf32>
        %parallel_loop3A_1115 = arith.addf %parallel_loop3A_1114, %parallel_loop3A_1053 : vector<16xf32>
        %parallel_loop3A_1116 = arith.mulf %parallel_loop3A_1115, %parallel_loop3A_1111 : vector<16xf32>
        %parallel_loop3A_1117 = arith.constant -1.000000e+00 : f32
        %parallel_loop3A_1118 = arith.constant 1.000000e+00 : f32
        %parallel_loop3A_1119 = vector.broadcast %parallel_loop3A_1117 : f32 to vector<16xf32>
        %parallel_loop3A_1120 = arith.maximumf %parallel_loop3A_1119, %parallel_loop3A_1116 : vector<16xf32>
        %parallel_loop3A_1121 = vector.broadcast %parallel_loop3A_1118 : f32 to vector<16xf32>
        %parallel_loop3A_1122 = arith.minimumf %parallel_loop3A_1121, %parallel_loop3A_1120 : vector<16xf32>
        %parallel_loop3A_1123 = arith.mulf %parallel_loop3A_1122, %parallel_loop3A_1122 : vector<16xf32>
        %parallel_loop3A_1124 = arith.constant 1.000000e+00 : f32
        %parallel_loop3A_1125 = vector.broadcast %parallel_loop3A_1124 : f32 to vector<16xf32>
        %parallel_loop3A_1126 = arith.subf %parallel_loop3A_1125, %parallel_loop3A_1123 : vector<16xf32>
        %parallel_loop3A_1127 = arith.constant 0.000000e+00 : f32
        %parallel_loop3A_1128 = vector.broadcast %parallel_loop3A_1127 : f32 to vector<16xf32>
        %parallel_loop3A_1129 = arith.maximumf %parallel_loop3A_1128, %parallel_loop3A_1126 : vector<16xf32>
        %parallel_loop3A_1130 = vector.broadcast %parallel_loop3A_1055 : f32 to vector<16xf32>
        %parallel_loop3A_1131 = arith.mulf %parallel_loop3A_1130, %parallel_loop3A_1129 : vector<16xf32>
        %parallel_loop3A_1132 = arith.constant 1.000000e+00 : f32
        %parallel_loop3A_1133 = vector.broadcast %parallel_loop3A_1132 : f32 to vector<16xf32>
        %parallel_loop3A_1134 = arith.subf %parallel_loop3A_1133, %parallel_loop3A_1131 : vector<16xf32>
        %parallel_loop3A_1135 = arith.constant 9.99999993E-9 : f32
        %parallel_loop3A_1136 = vector.broadcast %parallel_loop3A_1135 : f32 to vector<16xf32>
        %parallel_loop3A_1137 = arith.maximumf %parallel_loop3A_1136, %parallel_loop3A_1134 : vector<16xf32>
        %parallel_loop3A_1138 = tpu.bitcast %parallel_loop3A_1137 : vector<16xf32> -> vector<16xi32>
        %parallel_loop3A_1139 = arith.constant 1 : i32
        %parallel_loop3A_1140 = vector.broadcast %parallel_loop3A_1139 : i32 to vector<16xi32>
        %parallel_loop3A_1141 = arith.shrui %parallel_loop3A_1138, %parallel_loop3A_1140 : vector<16xi32>
        %parallel_loop3A_1142 = arith.constant 1597463007 : i32
        %parallel_loop3A_1143 = vector.broadcast %parallel_loop3A_1142 : i32 to vector<16xi32>
        %parallel_loop3A_1144 = arith.subi %parallel_loop3A_1143, %parallel_loop3A_1141 : vector<16xi32>
        %parallel_loop3A_1145 = tpu.bitcast %parallel_loop3A_1144 : vector<16xi32> -> vector<16xf32>
        %parallel_loop3A_1146 = arith.constant 5.000000e-01 : f32
        %parallel_loop3A_1147 = vector.broadcast %parallel_loop3A_1146 : f32 to vector<16xf32>
        %parallel_loop3A_1148 = arith.mulf %parallel_loop3A_1147, %parallel_loop3A_1137 : vector<16xf32>
        %parallel_loop3A_1149 = arith.mulf %parallel_loop3A_1148, %parallel_loop3A_1145 : vector<16xf32>
        %parallel_loop3A_1150 = arith.mulf %parallel_loop3A_1149, %parallel_loop3A_1145 : vector<16xf32>
        %parallel_loop3A_1151 = arith.constant 1.500000e+00 : f32
        %parallel_loop3A_1152 = vector.broadcast %parallel_loop3A_1151 : f32 to vector<16xf32>
        %parallel_loop3A_1153 = arith.subf %parallel_loop3A_1152, %parallel_loop3A_1150 : vector<16xf32>
        %parallel_loop3A_1154 = arith.mulf %parallel_loop3A_1145, %parallel_loop3A_1153 : vector<16xf32>
        %parallel_loop3A_1155 = arith.constant 5.000000e-01 : f32
        %parallel_loop3A_1156 = vector.broadcast %parallel_loop3A_1155 : f32 to vector<16xf32>
        %parallel_loop3A_1157 = arith.mulf %parallel_loop3A_1156, %parallel_loop3A_1137 : vector<16xf32>
        %parallel_loop3A_1158 = arith.mulf %parallel_loop3A_1157, %parallel_loop3A_1154 : vector<16xf32>
        %parallel_loop3A_1159 = arith.mulf %parallel_loop3A_1158, %parallel_loop3A_1154 : vector<16xf32>
        %parallel_loop3A_1160 = arith.constant 1.500000e+00 : f32
        %parallel_loop3A_1161 = vector.broadcast %parallel_loop3A_1160 : f32 to vector<16xf32>
        %parallel_loop3A_1162 = arith.subf %parallel_loop3A_1161, %parallel_loop3A_1159 : vector<16xf32>
        %parallel_loop3A_1163 = arith.mulf %parallel_loop3A_1154, %parallel_loop3A_1162 : vector<16xf32>
        %parallel_loop3A_1164 = arith.mulf %parallel_loop3A_1137, %parallel_loop3A_1163 : vector<16xf32>
        %parallel_loop3A_1165 = vector.broadcast %squeeze3A_39 : f32 to vector<16xf32>
        %parallel_loop3A_1166 = arith.mulf %parallel_loop3A_1165, %parallel_loop3A_1122 : vector<16xf32>
        %parallel_loop3A_1167 = arith.subf %parallel_loop3A_1166, %parallel_loop3A_1164 : vector<16xf32>
        %parallel_loop3A_1168 = arith.mulf %parallel_loop3A_1167, %parallel_loop3A_1111 : vector<16xf32>
        %parallel_loop3A_1169 = vector.broadcast %squeeze3A_39 : f32 to vector<16xf32>
        %parallel_loop3A_1170 = arith.mulf %parallel_loop3A_1169, %parallel_loop3A_1051 : vector<16xf32>
        %parallel_loop3A_1171 = arith.mulf %parallel_loop3A_1168, %parallel_loop3A_1077 : vector<16xf32>
        %parallel_loop3A_1172 = arith.subf %parallel_loop3A_1170, %parallel_loop3A_1171 : vector<16xf32>
        %parallel_loop3A_1173 = vector.broadcast %squeeze3A_39 : f32 to vector<16xf32>
        %parallel_loop3A_1174 = arith.mulf %parallel_loop3A_1173, %parallel_loop3A_1052 : vector<16xf32>
        %parallel_loop3A_1175 = arith.mulf %parallel_loop3A_1168, %parallel_loop3A_1079 : vector<16xf32>
        %parallel_loop3A_1176 = arith.subf %parallel_loop3A_1174, %parallel_loop3A_1175 : vector<16xf32>
        %parallel_loop3A_1177 = vector.broadcast %squeeze3A_39 : f32 to vector<16xf32>
        %parallel_loop3A_1178 = arith.mulf %parallel_loop3A_1177, %parallel_loop3A_1053 : vector<16xf32>
        %parallel_loop3A_1179 = arith.subf %parallel_loop3A_1178, %parallel_loop3A_1168 : vector<16xf32>
        %parallel_loop3A_1180 = vector.broadcast %squeeze3A_39 : f32 to vector<16xf32>
        %parallel_loop3A_1181 = arith.mulf %parallel_loop3A_1180, %parallel_loop3A_1122 : vector<16xf32>
        %parallel_loop3A_1182 = vector.broadcast %squeeze3A_39 : f32 to vector<16xf32>
        %parallel_loop3A_1183 = arith.mulf %parallel_loop3A_1182, %parallel_loop3A_1122 : vector<16xf32>
        %parallel_loop3A_1184 = arith.mulf %parallel_loop3A_1181, %parallel_loop3A_1183 : vector<16xf32>
        %parallel_loop3A_1185 = vector.broadcast %parallel_loop3A_1055 : f32 to vector<16xf32>
        %parallel_loop3A_1186 = arith.subf %parallel_loop3A_1185, %parallel_loop3A_1184 : vector<16xf32>
        %parallel_loop3A_1187 = arith.addf %parallel_loop3A_1186, %parallel_loop3A_1137 : vector<16xf32>
        %parallel_loop3A_1188 = tpu.bitcast %parallel_loop3A_1187 : vector<16xf32> -> vector<16xi32>
        %parallel_loop3A_1189 = arith.constant 1 : i32
        %parallel_loop3A_1190 = vector.broadcast %parallel_loop3A_1189 : i32 to vector<16xi32>
        %parallel_loop3A_1191 = arith.shrui %parallel_loop3A_1188, %parallel_loop3A_1190 : vector<16xi32>
        %parallel_loop3A_1192 = arith.constant 1597463007 : i32
        %parallel_loop3A_1193 = vector.broadcast %parallel_loop3A_1192 : i32 to vector<16xi32>
        %parallel_loop3A_1194 = arith.subi %parallel_loop3A_1193, %parallel_loop3A_1191 : vector<16xi32>
        %parallel_loop3A_1195 = tpu.bitcast %parallel_loop3A_1194 : vector<16xi32> -> vector<16xf32>
        %parallel_loop3A_1196 = arith.constant 5.000000e-01 : f32
        %parallel_loop3A_1197 = vector.broadcast %parallel_loop3A_1196 : f32 to vector<16xf32>
        %parallel_loop3A_1198 = arith.mulf %parallel_loop3A_1197, %parallel_loop3A_1187 : vector<16xf32>
        %parallel_loop3A_1199 = arith.mulf %parallel_loop3A_1198, %parallel_loop3A_1195 : vector<16xf32>
        %parallel_loop3A_1200 = arith.mulf %parallel_loop3A_1199, %parallel_loop3A_1195 : vector<16xf32>
        %parallel_loop3A_1201 = arith.constant 1.500000e+00 : f32
        %parallel_loop3A_1202 = vector.broadcast %parallel_loop3A_1201 : f32 to vector<16xf32>
        %parallel_loop3A_1203 = arith.subf %parallel_loop3A_1202, %parallel_loop3A_1200 : vector<16xf32>
        %parallel_loop3A_1204 = arith.mulf %parallel_loop3A_1195, %parallel_loop3A_1203 : vector<16xf32>
        %parallel_loop3A_1205 = arith.constant 5.000000e-01 : f32
        %parallel_loop3A_1206 = vector.broadcast %parallel_loop3A_1205 : f32 to vector<16xf32>
        %parallel_loop3A_1207 = arith.mulf %parallel_loop3A_1206, %parallel_loop3A_1187 : vector<16xf32>
        %parallel_loop3A_1208 = arith.mulf %parallel_loop3A_1207, %parallel_loop3A_1204 : vector<16xf32>
        %parallel_loop3A_1209 = arith.mulf %parallel_loop3A_1208, %parallel_loop3A_1204 : vector<16xf32>
        %parallel_loop3A_1210 = arith.constant 1.500000e+00 : f32
        %parallel_loop3A_1211 = vector.broadcast %parallel_loop3A_1210 : f32 to vector<16xf32>
        %parallel_loop3A_1212 = arith.subf %parallel_loop3A_1211, %parallel_loop3A_1209 : vector<16xf32>
        %parallel_loop3A_1213 = arith.mulf %parallel_loop3A_1204, %parallel_loop3A_1212 : vector<16xf32>
        %parallel_loop3A_1214 = arith.mulf %parallel_loop3A_1172, %parallel_loop3A_1213 : vector<16xf32>
        %parallel_loop3A_1215 = arith.mulf %parallel_loop3A_1176, %parallel_loop3A_1213 : vector<16xf32>
        %parallel_loop3A_1216 = arith.mulf %parallel_loop3A_1179, %parallel_loop3A_1213 : vector<16xf32>
        %parallel_loop3A_1217 = arith.constant 1.000000e+00 : f32
        %parallel_loop3A_1218 = vector.broadcast %parallel_loop3A_1217 : f32 to vector<16xf32>
        %parallel_loop3A_1219 = arith.subf %parallel_loop3A_1218, %parallel_loop3A_1122 : vector<16xf32>
        %parallel_loop3A_1220 = arith.constant 4.000000e-02 : f32
        %parallel_loop3A_1221 = vector.broadcast %parallel_loop3A_1220 : f32 to vector<16xf32>
        %parallel_loop3A_1222 = arith.mulf %parallel_loop3A_1221, %parallel_loop3A_1219 : vector<16xf32>
        %parallel_loop3A_1223 = arith.mulf %parallel_loop3A_1222, %parallel_loop3A_1219 : vector<16xf32>
        %parallel_loop3A_1224 = arith.constant 1.000000e+00 : f32
        %parallel_loop3A_1225 = vector.broadcast %parallel_loop3A_1224 : f32 to vector<16xf32>
        %parallel_loop3A_1226 = arith.subf %parallel_loop3A_1225, %parallel_loop3A_1223 : vector<16xf32>
        %parallel_loop3A_1227 = arith.constant 0.000000e+00 : f32
        %parallel_loop3A_1228 = arith.constant 1.000000e+00 : f32
        %parallel_loop3A_1229 = vector.broadcast %parallel_loop3A_1227 : f32 to vector<16xf32>
        %parallel_loop3A_1230 = arith.maximumf %parallel_loop3A_1229, %parallel_loop3A_1226 : vector<16xf32>
        %parallel_loop3A_1231 = vector.broadcast %parallel_loop3A_1228 : f32 to vector<16xf32>
        %parallel_loop3A_1232 = arith.minimumf %parallel_loop3A_1231, %parallel_loop3A_1230 : vector<16xf32>
        %parallel_loop3A_1233 = arith.mulf %parallel_loop3A_1054, %parallel_loop3A_1232 : vector<16xf32>
        %parallel_loop3A_1234 = arith.select %parallel_loop3A_1069, %parallel_loop3A_1071, %parallel_loop3A_1048 : vector<16xi1>, vector<16xf32>
        %parallel_loop3A_1235 = arith.select %parallel_loop3A_1069, %parallel_loop3A_1073, %parallel_loop3A_1049 : vector<16xi1>, vector<16xf32>
        %parallel_loop3A_1236 = arith.select %parallel_loop3A_1069, %parallel_loop3A_1075, %parallel_loop3A_1050 : vector<16xi1>, vector<16xf32>
        %parallel_loop3A_1237 = arith.select %parallel_loop3A_1069, %parallel_loop3A_1214, %parallel_loop3A_1051 : vector<16xi1>, vector<16xf32>
        %parallel_loop3A_1238 = arith.select %parallel_loop3A_1069, %parallel_loop3A_1215, %parallel_loop3A_1052 : vector<16xi1>, vector<16xf32>
        %parallel_loop3A_1239 = arith.select %parallel_loop3A_1069, %parallel_loop3A_1216, %parallel_loop3A_1053 : vector<16xi1>, vector<16xf32>
        %parallel_loop3A_1240 = arith.select %parallel_loop3A_1069, %parallel_loop3A_1233, %parallel_loop3A_1054 : vector<16xi1>, vector<16xf32>
        %parallel_loop3A_1241 = arith.mulf %squeeze3A_45, %squeeze3A_45 : f32
        %parallel_loop3A_1242 = math.absf %parallel_loop3A_1239 : vector<16xf32>
        %parallel_loop3A_1243 = arith.constant 9.99999997E-7 : f32
        %parallel_loop3A_1244 = vector.broadcast %parallel_loop3A_1243 : f32 to vector<16xf32>
        %parallel_loop3A_1245 = arith.cmpf ogt, %parallel_loop3A_1242, %parallel_loop3A_1244 : vector<16xf32>
        %parallel_loop3A_1246 = arith.constant 1.000000e+00 : f32
        %parallel_loop3A_1247 = vector.broadcast %parallel_loop3A_1246 : f32 to vector<16xf32>
        %parallel_loop3A_1248 = arith.select %parallel_loop3A_1245, %parallel_loop3A_1239, %parallel_loop3A_1247 : vector<16xi1>, vector<16xf32>
        %parallel_loop3A_1249 = vector.broadcast %squeeze3A_41 : f32 to vector<16xf32>
        %parallel_loop3A_1250 = arith.subf %parallel_loop3A_1249, %parallel_loop3A_1236 : vector<16xf32>
        %parallel_loop3A_1251 = arith.divf %parallel_loop3A_1250, %parallel_loop3A_1248 : vector<16xf32>
        %parallel_loop3A_1252 = arith.constant 9.99999997E-7 : f32
        %parallel_loop3A_1253 = vector.broadcast %parallel_loop3A_1252 : f32 to vector<16xf32>
        %parallel_loop3A_1254 = arith.cmpf ogt, %parallel_loop3A_1251, %parallel_loop3A_1253 : vector<16xf32>
        %parallel_loop3A_1255 = arith.andi %parallel_loop3A_1245, %parallel_loop3A_1254 : vector<16xi1>
        %parallel_loop3A_1256 = arith.mulf %parallel_loop3A_1251, %parallel_loop3A_1237 : vector<16xf32>
        %parallel_loop3A_1257 = arith.addf %parallel_loop3A_1234, %parallel_loop3A_1256 : vector<16xf32>
        %parallel_loop3A_1258 = arith.mulf %parallel_loop3A_1251, %parallel_loop3A_1238 : vector<16xf32>
        %parallel_loop3A_1259 = arith.addf %parallel_loop3A_1235, %parallel_loop3A_1258 : vector<16xf32>
        %parallel_loop3A_1260 = arith.mulf %parallel_loop3A_1251, %parallel_loop3A_1239 : vector<16xf32>
        %parallel_loop3A_1261 = arith.addf %parallel_loop3A_1236, %parallel_loop3A_1260 : vector<16xf32>
        %parallel_loop3A_1262 = vector.broadcast %squeeze3A_43 : f32 to vector<16xf32>
        %parallel_loop3A_1263 = arith.mulf %parallel_loop3A_1262, %parallel_loop3A_1257 : vector<16xf32>
        %parallel_loop3A_1264 = vector.broadcast %squeeze3A_43 : f32 to vector<16xf32>
        %parallel_loop3A_1265 = arith.mulf %parallel_loop3A_1264, %parallel_loop3A_1259 : vector<16xf32>
        %parallel_loop3A_1266 = arith.mulf %parallel_loop3A_1263, %parallel_loop3A_1263 : vector<16xf32>
        %parallel_loop3A_1267 = arith.mulf %parallel_loop3A_1265, %parallel_loop3A_1265 : vector<16xf32>
        %parallel_loop3A_1268 = arith.addf %parallel_loop3A_1266, %parallel_loop3A_1267 : vector<16xf32>
        %parallel_loop3A_1269 = arith.constant 1.000000e+00 : f32
        %parallel_loop3A_1270 = vector.broadcast %parallel_loop3A_1269 : f32 to vector<16xf32>
        %parallel_loop3A_1271 = arith.addf %parallel_loop3A_1268, %parallel_loop3A_1270 : vector<16xf32>
        %parallel_loop3A_1272 = tpu.bitcast %parallel_loop3A_1271 : vector<16xf32> -> vector<16xi32>
        %parallel_loop3A_1273 = arith.constant 1 : i32
        %parallel_loop3A_1274 = vector.broadcast %parallel_loop3A_1273 : i32 to vector<16xi32>
        %parallel_loop3A_1275 = arith.shrui %parallel_loop3A_1272, %parallel_loop3A_1274 : vector<16xi32>
        %parallel_loop3A_1276 = arith.constant 1597463007 : i32
        %parallel_loop3A_1277 = vector.broadcast %parallel_loop3A_1276 : i32 to vector<16xi32>
        %parallel_loop3A_1278 = arith.subi %parallel_loop3A_1277, %parallel_loop3A_1275 : vector<16xi32>
        %parallel_loop3A_1279 = tpu.bitcast %parallel_loop3A_1278 : vector<16xi32> -> vector<16xf32>
        %parallel_loop3A_1280 = arith.constant 5.000000e-01 : f32
        %parallel_loop3A_1281 = vector.broadcast %parallel_loop3A_1280 : f32 to vector<16xf32>
        %parallel_loop3A_1282 = arith.mulf %parallel_loop3A_1281, %parallel_loop3A_1271 : vector<16xf32>
        %parallel_loop3A_1283 = arith.mulf %parallel_loop3A_1282, %parallel_loop3A_1279 : vector<16xf32>
        %parallel_loop3A_1284 = arith.mulf %parallel_loop3A_1283, %parallel_loop3A_1279 : vector<16xf32>
        %parallel_loop3A_1285 = arith.constant 1.500000e+00 : f32
        %parallel_loop3A_1286 = vector.broadcast %parallel_loop3A_1285 : f32 to vector<16xf32>
        %parallel_loop3A_1287 = arith.subf %parallel_loop3A_1286, %parallel_loop3A_1284 : vector<16xf32>
        %parallel_loop3A_1288 = arith.mulf %parallel_loop3A_1279, %parallel_loop3A_1287 : vector<16xf32>
        %parallel_loop3A_1289 = arith.constant 5.000000e-01 : f32
        %parallel_loop3A_1290 = vector.broadcast %parallel_loop3A_1289 : f32 to vector<16xf32>
        %parallel_loop3A_1291 = arith.mulf %parallel_loop3A_1290, %parallel_loop3A_1271 : vector<16xf32>
        %parallel_loop3A_1292 = arith.mulf %parallel_loop3A_1291, %parallel_loop3A_1288 : vector<16xf32>
        %parallel_loop3A_1293 = arith.mulf %parallel_loop3A_1292, %parallel_loop3A_1288 : vector<16xf32>
        %parallel_loop3A_1294 = arith.constant 1.500000e+00 : f32
        %parallel_loop3A_1295 = vector.broadcast %parallel_loop3A_1294 : f32 to vector<16xf32>
        %parallel_loop3A_1296 = arith.subf %parallel_loop3A_1295, %parallel_loop3A_1293 : vector<16xf32>
        %parallel_loop3A_1297 = arith.mulf %parallel_loop3A_1288, %parallel_loop3A_1296 : vector<16xf32>
        %parallel_loop3A_1298 = arith.mulf %parallel_loop3A_1237, %parallel_loop3A_1263 : vector<16xf32>
        %parallel_loop3A_1299 = arith.mulf %parallel_loop3A_1238, %parallel_loop3A_1265 : vector<16xf32>
        %parallel_loop3A_1300 = arith.addf %parallel_loop3A_1298, %parallel_loop3A_1299 : vector<16xf32>
        %parallel_loop3A_1301 = arith.addf %parallel_loop3A_1300, %parallel_loop3A_1239 : vector<16xf32>
        %parallel_loop3A_1302 = arith.mulf %parallel_loop3A_1301, %parallel_loop3A_1297 : vector<16xf32>
        %parallel_loop3A_1303 = arith.constant -1.000000e+00 : f32
        %parallel_loop3A_1304 = arith.constant 1.000000e+00 : f32
        %parallel_loop3A_1305 = vector.broadcast %parallel_loop3A_1303 : f32 to vector<16xf32>
        %parallel_loop3A_1306 = arith.maximumf %parallel_loop3A_1305, %parallel_loop3A_1302 : vector<16xf32>
        %parallel_loop3A_1307 = vector.broadcast %parallel_loop3A_1304 : f32 to vector<16xf32>
        %parallel_loop3A_1308 = arith.minimumf %parallel_loop3A_1307, %parallel_loop3A_1306 : vector<16xf32>
        %parallel_loop3A_1309 = arith.mulf %parallel_loop3A_1308, %parallel_loop3A_1308 : vector<16xf32>
        %parallel_loop3A_1310 = arith.constant 1.000000e+00 : f32
        %parallel_loop3A_1311 = vector.broadcast %parallel_loop3A_1310 : f32 to vector<16xf32>
        %parallel_loop3A_1312 = arith.subf %parallel_loop3A_1311, %parallel_loop3A_1309 : vector<16xf32>
        %parallel_loop3A_1313 = arith.constant 0.000000e+00 : f32
        %parallel_loop3A_1314 = vector.broadcast %parallel_loop3A_1313 : f32 to vector<16xf32>
        %parallel_loop3A_1315 = arith.maximumf %parallel_loop3A_1314, %parallel_loop3A_1312 : vector<16xf32>
        %parallel_loop3A_1316 = vector.broadcast %parallel_loop3A_1241 : f32 to vector<16xf32>
        %parallel_loop3A_1317 = arith.mulf %parallel_loop3A_1316, %parallel_loop3A_1315 : vector<16xf32>
        %parallel_loop3A_1318 = arith.constant 1.000000e+00 : f32
        %parallel_loop3A_1319 = vector.broadcast %parallel_loop3A_1318 : f32 to vector<16xf32>
        %parallel_loop3A_1320 = arith.subf %parallel_loop3A_1319, %parallel_loop3A_1317 : vector<16xf32>
        %parallel_loop3A_1321 = arith.constant 9.99999993E-9 : f32
        %parallel_loop3A_1322 = vector.broadcast %parallel_loop3A_1321 : f32 to vector<16xf32>
        %parallel_loop3A_1323 = arith.maximumf %parallel_loop3A_1322, %parallel_loop3A_1320 : vector<16xf32>
        %parallel_loop3A_1324 = tpu.bitcast %parallel_loop3A_1323 : vector<16xf32> -> vector<16xi32>
        %parallel_loop3A_1325 = arith.constant 1 : i32
        %parallel_loop3A_1326 = vector.broadcast %parallel_loop3A_1325 : i32 to vector<16xi32>
        %parallel_loop3A_1327 = arith.shrui %parallel_loop3A_1324, %parallel_loop3A_1326 : vector<16xi32>
        %parallel_loop3A_1328 = arith.constant 1597463007 : i32
        %parallel_loop3A_1329 = vector.broadcast %parallel_loop3A_1328 : i32 to vector<16xi32>
        %parallel_loop3A_1330 = arith.subi %parallel_loop3A_1329, %parallel_loop3A_1327 : vector<16xi32>
        %parallel_loop3A_1331 = tpu.bitcast %parallel_loop3A_1330 : vector<16xi32> -> vector<16xf32>
        %parallel_loop3A_1332 = arith.constant 5.000000e-01 : f32
        %parallel_loop3A_1333 = vector.broadcast %parallel_loop3A_1332 : f32 to vector<16xf32>
        %parallel_loop3A_1334 = arith.mulf %parallel_loop3A_1333, %parallel_loop3A_1323 : vector<16xf32>
        %parallel_loop3A_1335 = arith.mulf %parallel_loop3A_1334, %parallel_loop3A_1331 : vector<16xf32>
        %parallel_loop3A_1336 = arith.mulf %parallel_loop3A_1335, %parallel_loop3A_1331 : vector<16xf32>
        %parallel_loop3A_1337 = arith.constant 1.500000e+00 : f32
        %parallel_loop3A_1338 = vector.broadcast %parallel_loop3A_1337 : f32 to vector<16xf32>
        %parallel_loop3A_1339 = arith.subf %parallel_loop3A_1338, %parallel_loop3A_1336 : vector<16xf32>
        %parallel_loop3A_1340 = arith.mulf %parallel_loop3A_1331, %parallel_loop3A_1339 : vector<16xf32>
        %parallel_loop3A_1341 = arith.constant 5.000000e-01 : f32
        %parallel_loop3A_1342 = vector.broadcast %parallel_loop3A_1341 : f32 to vector<16xf32>
        %parallel_loop3A_1343 = arith.mulf %parallel_loop3A_1342, %parallel_loop3A_1323 : vector<16xf32>
        %parallel_loop3A_1344 = arith.mulf %parallel_loop3A_1343, %parallel_loop3A_1340 : vector<16xf32>
        %parallel_loop3A_1345 = arith.mulf %parallel_loop3A_1344, %parallel_loop3A_1340 : vector<16xf32>
        %parallel_loop3A_1346 = arith.constant 1.500000e+00 : f32
        %parallel_loop3A_1347 = vector.broadcast %parallel_loop3A_1346 : f32 to vector<16xf32>
        %parallel_loop3A_1348 = arith.subf %parallel_loop3A_1347, %parallel_loop3A_1345 : vector<16xf32>
        %parallel_loop3A_1349 = arith.mulf %parallel_loop3A_1340, %parallel_loop3A_1348 : vector<16xf32>
        %parallel_loop3A_1350 = arith.mulf %parallel_loop3A_1323, %parallel_loop3A_1349 : vector<16xf32>
        %parallel_loop3A_1351 = vector.broadcast %squeeze3A_45 : f32 to vector<16xf32>
        %parallel_loop3A_1352 = arith.mulf %parallel_loop3A_1351, %parallel_loop3A_1308 : vector<16xf32>
        %parallel_loop3A_1353 = arith.subf %parallel_loop3A_1352, %parallel_loop3A_1350 : vector<16xf32>
        %parallel_loop3A_1354 = arith.mulf %parallel_loop3A_1353, %parallel_loop3A_1297 : vector<16xf32>
        %parallel_loop3A_1355 = vector.broadcast %squeeze3A_45 : f32 to vector<16xf32>
        %parallel_loop3A_1356 = arith.mulf %parallel_loop3A_1355, %parallel_loop3A_1237 : vector<16xf32>
        %parallel_loop3A_1357 = arith.mulf %parallel_loop3A_1354, %parallel_loop3A_1263 : vector<16xf32>
        %parallel_loop3A_1358 = arith.subf %parallel_loop3A_1356, %parallel_loop3A_1357 : vector<16xf32>
        %parallel_loop3A_1359 = vector.broadcast %squeeze3A_45 : f32 to vector<16xf32>
        %parallel_loop3A_1360 = arith.mulf %parallel_loop3A_1359, %parallel_loop3A_1238 : vector<16xf32>
        %parallel_loop3A_1361 = arith.mulf %parallel_loop3A_1354, %parallel_loop3A_1265 : vector<16xf32>
        %parallel_loop3A_1362 = arith.subf %parallel_loop3A_1360, %parallel_loop3A_1361 : vector<16xf32>
        %parallel_loop3A_1363 = vector.broadcast %squeeze3A_45 : f32 to vector<16xf32>
        %parallel_loop3A_1364 = arith.mulf %parallel_loop3A_1363, %parallel_loop3A_1239 : vector<16xf32>
        %parallel_loop3A_1365 = arith.subf %parallel_loop3A_1364, %parallel_loop3A_1354 : vector<16xf32>
        %parallel_loop3A_1366 = vector.broadcast %squeeze3A_45 : f32 to vector<16xf32>
        %parallel_loop3A_1367 = arith.mulf %parallel_loop3A_1366, %parallel_loop3A_1308 : vector<16xf32>
        %parallel_loop3A_1368 = vector.broadcast %squeeze3A_45 : f32 to vector<16xf32>
        %parallel_loop3A_1369 = arith.mulf %parallel_loop3A_1368, %parallel_loop3A_1308 : vector<16xf32>
        %parallel_loop3A_1370 = arith.mulf %parallel_loop3A_1367, %parallel_loop3A_1369 : vector<16xf32>
        %parallel_loop3A_1371 = vector.broadcast %parallel_loop3A_1241 : f32 to vector<16xf32>
        %parallel_loop3A_1372 = arith.subf %parallel_loop3A_1371, %parallel_loop3A_1370 : vector<16xf32>
        %parallel_loop3A_1373 = arith.addf %parallel_loop3A_1372, %parallel_loop3A_1323 : vector<16xf32>
        %parallel_loop3A_1374 = tpu.bitcast %parallel_loop3A_1373 : vector<16xf32> -> vector<16xi32>
        %parallel_loop3A_1375 = arith.constant 1 : i32
        %parallel_loop3A_1376 = vector.broadcast %parallel_loop3A_1375 : i32 to vector<16xi32>
        %parallel_loop3A_1377 = arith.shrui %parallel_loop3A_1374, %parallel_loop3A_1376 : vector<16xi32>
        %parallel_loop3A_1378 = arith.constant 1597463007 : i32
        %parallel_loop3A_1379 = vector.broadcast %parallel_loop3A_1378 : i32 to vector<16xi32>
        %parallel_loop3A_1380 = arith.subi %parallel_loop3A_1379, %parallel_loop3A_1377 : vector<16xi32>
        %parallel_loop3A_1381 = tpu.bitcast %parallel_loop3A_1380 : vector<16xi32> -> vector<16xf32>
        %parallel_loop3A_1382 = arith.constant 5.000000e-01 : f32
        %parallel_loop3A_1383 = vector.broadcast %parallel_loop3A_1382 : f32 to vector<16xf32>
        %parallel_loop3A_1384 = arith.mulf %parallel_loop3A_1383, %parallel_loop3A_1373 : vector<16xf32>
        %parallel_loop3A_1385 = arith.mulf %parallel_loop3A_1384, %parallel_loop3A_1381 : vector<16xf32>
        %parallel_loop3A_1386 = arith.mulf %parallel_loop3A_1385, %parallel_loop3A_1381 : vector<16xf32>
        %parallel_loop3A_1387 = arith.constant 1.500000e+00 : f32
        %parallel_loop3A_1388 = vector.broadcast %parallel_loop3A_1387 : f32 to vector<16xf32>
        %parallel_loop3A_1389 = arith.subf %parallel_loop3A_1388, %parallel_loop3A_1386 : vector<16xf32>
        %parallel_loop3A_1390 = arith.mulf %parallel_loop3A_1381, %parallel_loop3A_1389 : vector<16xf32>
        %parallel_loop3A_1391 = arith.constant 5.000000e-01 : f32
        %parallel_loop3A_1392 = vector.broadcast %parallel_loop3A_1391 : f32 to vector<16xf32>
        %parallel_loop3A_1393 = arith.mulf %parallel_loop3A_1392, %parallel_loop3A_1373 : vector<16xf32>
        %parallel_loop3A_1394 = arith.mulf %parallel_loop3A_1393, %parallel_loop3A_1390 : vector<16xf32>
        %parallel_loop3A_1395 = arith.mulf %parallel_loop3A_1394, %parallel_loop3A_1390 : vector<16xf32>
        %parallel_loop3A_1396 = arith.constant 1.500000e+00 : f32
        %parallel_loop3A_1397 = vector.broadcast %parallel_loop3A_1396 : f32 to vector<16xf32>
        %parallel_loop3A_1398 = arith.subf %parallel_loop3A_1397, %parallel_loop3A_1395 : vector<16xf32>
        %parallel_loop3A_1399 = arith.mulf %parallel_loop3A_1390, %parallel_loop3A_1398 : vector<16xf32>
        %parallel_loop3A_1400 = arith.mulf %parallel_loop3A_1358, %parallel_loop3A_1399 : vector<16xf32>
        %parallel_loop3A_1401 = arith.mulf %parallel_loop3A_1362, %parallel_loop3A_1399 : vector<16xf32>
        %parallel_loop3A_1402 = arith.mulf %parallel_loop3A_1365, %parallel_loop3A_1399 : vector<16xf32>
        %parallel_loop3A_1403 = arith.constant 1.000000e+00 : f32
        %parallel_loop3A_1404 = vector.broadcast %parallel_loop3A_1403 : f32 to vector<16xf32>
        %parallel_loop3A_1405 = arith.subf %parallel_loop3A_1404, %parallel_loop3A_1308 : vector<16xf32>
        %parallel_loop3A_1406 = arith.constant 4.000000e-02 : f32
        %parallel_loop3A_1407 = vector.broadcast %parallel_loop3A_1406 : f32 to vector<16xf32>
        %parallel_loop3A_1408 = arith.mulf %parallel_loop3A_1407, %parallel_loop3A_1405 : vector<16xf32>
        %parallel_loop3A_1409 = arith.mulf %parallel_loop3A_1408, %parallel_loop3A_1405 : vector<16xf32>
        %parallel_loop3A_1410 = arith.constant 1.000000e+00 : f32
        %parallel_loop3A_1411 = vector.broadcast %parallel_loop3A_1410 : f32 to vector<16xf32>
        %parallel_loop3A_1412 = arith.subf %parallel_loop3A_1411, %parallel_loop3A_1409 : vector<16xf32>
        %parallel_loop3A_1413 = arith.constant 0.000000e+00 : f32
        %parallel_loop3A_1414 = arith.constant 1.000000e+00 : f32
        %parallel_loop3A_1415 = vector.broadcast %parallel_loop3A_1413 : f32 to vector<16xf32>
        %parallel_loop3A_1416 = arith.maximumf %parallel_loop3A_1415, %parallel_loop3A_1412 : vector<16xf32>
        %parallel_loop3A_1417 = vector.broadcast %parallel_loop3A_1414 : f32 to vector<16xf32>
        %parallel_loop3A_1418 = arith.minimumf %parallel_loop3A_1417, %parallel_loop3A_1416 : vector<16xf32>
        %parallel_loop3A_1419 = arith.mulf %parallel_loop3A_1240, %parallel_loop3A_1418 : vector<16xf32>
        %parallel_loop3A_1420 = arith.select %parallel_loop3A_1255, %parallel_loop3A_1257, %parallel_loop3A_1234 : vector<16xi1>, vector<16xf32>
        %parallel_loop3A_1421 = arith.select %parallel_loop3A_1255, %parallel_loop3A_1259, %parallel_loop3A_1235 : vector<16xi1>, vector<16xf32>
        %parallel_loop3A_1422 = arith.select %parallel_loop3A_1255, %parallel_loop3A_1261, %parallel_loop3A_1236 : vector<16xi1>, vector<16xf32>
        %parallel_loop3A_1423 = arith.select %parallel_loop3A_1255, %parallel_loop3A_1400, %parallel_loop3A_1237 : vector<16xi1>, vector<16xf32>
        %parallel_loop3A_1424 = arith.select %parallel_loop3A_1255, %parallel_loop3A_1401, %parallel_loop3A_1238 : vector<16xi1>, vector<16xf32>
        %parallel_loop3A_1425 = arith.select %parallel_loop3A_1255, %parallel_loop3A_1402, %parallel_loop3A_1239 : vector<16xi1>, vector<16xf32>
        %parallel_loop3A_1426 = arith.select %parallel_loop3A_1255, %parallel_loop3A_1419, %parallel_loop3A_1240 : vector<16xi1>, vector<16xf32>
        %parallel_loop3A_1427 = arith.mulf %squeeze3A_51, %squeeze3A_51 : f32
        %parallel_loop3A_1428 = math.absf %parallel_loop3A_1425 : vector<16xf32>
        %parallel_loop3A_1429 = arith.constant 9.99999997E-7 : f32
        %parallel_loop3A_1430 = vector.broadcast %parallel_loop3A_1429 : f32 to vector<16xf32>
        %parallel_loop3A_1431 = arith.cmpf ogt, %parallel_loop3A_1428, %parallel_loop3A_1430 : vector<16xf32>
        %parallel_loop3A_1432 = arith.constant 1.000000e+00 : f32
        %parallel_loop3A_1433 = vector.broadcast %parallel_loop3A_1432 : f32 to vector<16xf32>
        %parallel_loop3A_1434 = arith.select %parallel_loop3A_1431, %parallel_loop3A_1425, %parallel_loop3A_1433 : vector<16xi1>, vector<16xf32>
        %parallel_loop3A_1435 = vector.broadcast %squeeze3A_47 : f32 to vector<16xf32>
        %parallel_loop3A_1436 = arith.subf %parallel_loop3A_1435, %parallel_loop3A_1422 : vector<16xf32>
        %parallel_loop3A_1437 = arith.divf %parallel_loop3A_1436, %parallel_loop3A_1434 : vector<16xf32>
        %parallel_loop3A_1438 = arith.constant 9.99999997E-7 : f32
        %parallel_loop3A_1439 = vector.broadcast %parallel_loop3A_1438 : f32 to vector<16xf32>
        %parallel_loop3A_1440 = arith.cmpf ogt, %parallel_loop3A_1437, %parallel_loop3A_1439 : vector<16xf32>
        %parallel_loop3A_1441 = arith.andi %parallel_loop3A_1431, %parallel_loop3A_1440 : vector<16xi1>
        %parallel_loop3A_1442 = arith.mulf %parallel_loop3A_1437, %parallel_loop3A_1423 : vector<16xf32>
        %parallel_loop3A_1443 = arith.addf %parallel_loop3A_1420, %parallel_loop3A_1442 : vector<16xf32>
        %parallel_loop3A_1444 = arith.mulf %parallel_loop3A_1437, %parallel_loop3A_1424 : vector<16xf32>
        %parallel_loop3A_1445 = arith.addf %parallel_loop3A_1421, %parallel_loop3A_1444 : vector<16xf32>
        %parallel_loop3A_1446 = arith.mulf %parallel_loop3A_1437, %parallel_loop3A_1425 : vector<16xf32>
        %parallel_loop3A_1447 = arith.addf %parallel_loop3A_1422, %parallel_loop3A_1446 : vector<16xf32>
        %parallel_loop3A_1448 = vector.broadcast %squeeze3A_49 : f32 to vector<16xf32>
        %parallel_loop3A_1449 = arith.mulf %parallel_loop3A_1448, %parallel_loop3A_1443 : vector<16xf32>
        %parallel_loop3A_1450 = vector.broadcast %squeeze3A_49 : f32 to vector<16xf32>
        %parallel_loop3A_1451 = arith.mulf %parallel_loop3A_1450, %parallel_loop3A_1445 : vector<16xf32>
        %parallel_loop3A_1452 = arith.mulf %parallel_loop3A_1449, %parallel_loop3A_1449 : vector<16xf32>
        %parallel_loop3A_1453 = arith.mulf %parallel_loop3A_1451, %parallel_loop3A_1451 : vector<16xf32>
        %parallel_loop3A_1454 = arith.addf %parallel_loop3A_1452, %parallel_loop3A_1453 : vector<16xf32>
        %parallel_loop3A_1455 = arith.constant 1.000000e+00 : f32
        %parallel_loop3A_1456 = vector.broadcast %parallel_loop3A_1455 : f32 to vector<16xf32>
        %parallel_loop3A_1457 = arith.addf %parallel_loop3A_1454, %parallel_loop3A_1456 : vector<16xf32>
        %parallel_loop3A_1458 = tpu.bitcast %parallel_loop3A_1457 : vector<16xf32> -> vector<16xi32>
        %parallel_loop3A_1459 = arith.constant 1 : i32
        %parallel_loop3A_1460 = vector.broadcast %parallel_loop3A_1459 : i32 to vector<16xi32>
        %parallel_loop3A_1461 = arith.shrui %parallel_loop3A_1458, %parallel_loop3A_1460 : vector<16xi32>
        %parallel_loop3A_1462 = arith.constant 1597463007 : i32
        %parallel_loop3A_1463 = vector.broadcast %parallel_loop3A_1462 : i32 to vector<16xi32>
        %parallel_loop3A_1464 = arith.subi %parallel_loop3A_1463, %parallel_loop3A_1461 : vector<16xi32>
        %parallel_loop3A_1465 = tpu.bitcast %parallel_loop3A_1464 : vector<16xi32> -> vector<16xf32>
        %parallel_loop3A_1466 = arith.constant 5.000000e-01 : f32
        %parallel_loop3A_1467 = vector.broadcast %parallel_loop3A_1466 : f32 to vector<16xf32>
        %parallel_loop3A_1468 = arith.mulf %parallel_loop3A_1467, %parallel_loop3A_1457 : vector<16xf32>
        %parallel_loop3A_1469 = arith.mulf %parallel_loop3A_1468, %parallel_loop3A_1465 : vector<16xf32>
        %parallel_loop3A_1470 = arith.mulf %parallel_loop3A_1469, %parallel_loop3A_1465 : vector<16xf32>
        %parallel_loop3A_1471 = arith.constant 1.500000e+00 : f32
        %parallel_loop3A_1472 = vector.broadcast %parallel_loop3A_1471 : f32 to vector<16xf32>
        %parallel_loop3A_1473 = arith.subf %parallel_loop3A_1472, %parallel_loop3A_1470 : vector<16xf32>
        %parallel_loop3A_1474 = arith.mulf %parallel_loop3A_1465, %parallel_loop3A_1473 : vector<16xf32>
        %parallel_loop3A_1475 = arith.constant 5.000000e-01 : f32
        %parallel_loop3A_1476 = vector.broadcast %parallel_loop3A_1475 : f32 to vector<16xf32>
        %parallel_loop3A_1477 = arith.mulf %parallel_loop3A_1476, %parallel_loop3A_1457 : vector<16xf32>
        %parallel_loop3A_1478 = arith.mulf %parallel_loop3A_1477, %parallel_loop3A_1474 : vector<16xf32>
        %parallel_loop3A_1479 = arith.mulf %parallel_loop3A_1478, %parallel_loop3A_1474 : vector<16xf32>
        %parallel_loop3A_1480 = arith.constant 1.500000e+00 : f32
        %parallel_loop3A_1481 = vector.broadcast %parallel_loop3A_1480 : f32 to vector<16xf32>
        %parallel_loop3A_1482 = arith.subf %parallel_loop3A_1481, %parallel_loop3A_1479 : vector<16xf32>
        %parallel_loop3A_1483 = arith.mulf %parallel_loop3A_1474, %parallel_loop3A_1482 : vector<16xf32>
        %parallel_loop3A_1484 = arith.mulf %parallel_loop3A_1423, %parallel_loop3A_1449 : vector<16xf32>
        %parallel_loop3A_1485 = arith.mulf %parallel_loop3A_1424, %parallel_loop3A_1451 : vector<16xf32>
        %parallel_loop3A_1486 = arith.addf %parallel_loop3A_1484, %parallel_loop3A_1485 : vector<16xf32>
        %parallel_loop3A_1487 = arith.addf %parallel_loop3A_1486, %parallel_loop3A_1425 : vector<16xf32>
        %parallel_loop3A_1488 = arith.mulf %parallel_loop3A_1487, %parallel_loop3A_1483 : vector<16xf32>
        %parallel_loop3A_1489 = arith.constant -1.000000e+00 : f32
        %parallel_loop3A_1490 = arith.constant 1.000000e+00 : f32
        %parallel_loop3A_1491 = vector.broadcast %parallel_loop3A_1489 : f32 to vector<16xf32>
        %parallel_loop3A_1492 = arith.maximumf %parallel_loop3A_1491, %parallel_loop3A_1488 : vector<16xf32>
        %parallel_loop3A_1493 = vector.broadcast %parallel_loop3A_1490 : f32 to vector<16xf32>
        %parallel_loop3A_1494 = arith.minimumf %parallel_loop3A_1493, %parallel_loop3A_1492 : vector<16xf32>
        %parallel_loop3A_1495 = arith.mulf %parallel_loop3A_1494, %parallel_loop3A_1494 : vector<16xf32>
        %parallel_loop3A_1496 = arith.constant 1.000000e+00 : f32
        %parallel_loop3A_1497 = vector.broadcast %parallel_loop3A_1496 : f32 to vector<16xf32>
        %parallel_loop3A_1498 = arith.subf %parallel_loop3A_1497, %parallel_loop3A_1495 : vector<16xf32>
        %parallel_loop3A_1499 = arith.constant 0.000000e+00 : f32
        %parallel_loop3A_1500 = vector.broadcast %parallel_loop3A_1499 : f32 to vector<16xf32>
        %parallel_loop3A_1501 = arith.maximumf %parallel_loop3A_1500, %parallel_loop3A_1498 : vector<16xf32>
        %parallel_loop3A_1502 = vector.broadcast %parallel_loop3A_1427 : f32 to vector<16xf32>
        %parallel_loop3A_1503 = arith.mulf %parallel_loop3A_1502, %parallel_loop3A_1501 : vector<16xf32>
        %parallel_loop3A_1504 = arith.constant 1.000000e+00 : f32
        %parallel_loop3A_1505 = vector.broadcast %parallel_loop3A_1504 : f32 to vector<16xf32>
        %parallel_loop3A_1506 = arith.subf %parallel_loop3A_1505, %parallel_loop3A_1503 : vector<16xf32>
        %parallel_loop3A_1507 = arith.constant 9.99999993E-9 : f32
        %parallel_loop3A_1508 = vector.broadcast %parallel_loop3A_1507 : f32 to vector<16xf32>
        %parallel_loop3A_1509 = arith.maximumf %parallel_loop3A_1508, %parallel_loop3A_1506 : vector<16xf32>
        %parallel_loop3A_1510 = tpu.bitcast %parallel_loop3A_1509 : vector<16xf32> -> vector<16xi32>
        %parallel_loop3A_1511 = arith.constant 1 : i32
        %parallel_loop3A_1512 = vector.broadcast %parallel_loop3A_1511 : i32 to vector<16xi32>
        %parallel_loop3A_1513 = arith.shrui %parallel_loop3A_1510, %parallel_loop3A_1512 : vector<16xi32>
        %parallel_loop3A_1514 = arith.constant 1597463007 : i32
        %parallel_loop3A_1515 = vector.broadcast %parallel_loop3A_1514 : i32 to vector<16xi32>
        %parallel_loop3A_1516 = arith.subi %parallel_loop3A_1515, %parallel_loop3A_1513 : vector<16xi32>
        %parallel_loop3A_1517 = tpu.bitcast %parallel_loop3A_1516 : vector<16xi32> -> vector<16xf32>
        %parallel_loop3A_1518 = arith.constant 5.000000e-01 : f32
        %parallel_loop3A_1519 = vector.broadcast %parallel_loop3A_1518 : f32 to vector<16xf32>
        %parallel_loop3A_1520 = arith.mulf %parallel_loop3A_1519, %parallel_loop3A_1509 : vector<16xf32>
        %parallel_loop3A_1521 = arith.mulf %parallel_loop3A_1520, %parallel_loop3A_1517 : vector<16xf32>
        %parallel_loop3A_1522 = arith.mulf %parallel_loop3A_1521, %parallel_loop3A_1517 : vector<16xf32>
        %parallel_loop3A_1523 = arith.constant 1.500000e+00 : f32
        %parallel_loop3A_1524 = vector.broadcast %parallel_loop3A_1523 : f32 to vector<16xf32>
        %parallel_loop3A_1525 = arith.subf %parallel_loop3A_1524, %parallel_loop3A_1522 : vector<16xf32>
        %parallel_loop3A_1526 = arith.mulf %parallel_loop3A_1517, %parallel_loop3A_1525 : vector<16xf32>
        %parallel_loop3A_1527 = arith.constant 5.000000e-01 : f32
        %parallel_loop3A_1528 = vector.broadcast %parallel_loop3A_1527 : f32 to vector<16xf32>
        %parallel_loop3A_1529 = arith.mulf %parallel_loop3A_1528, %parallel_loop3A_1509 : vector<16xf32>
        %parallel_loop3A_1530 = arith.mulf %parallel_loop3A_1529, %parallel_loop3A_1526 : vector<16xf32>
        %parallel_loop3A_1531 = arith.mulf %parallel_loop3A_1530, %parallel_loop3A_1526 : vector<16xf32>
        %parallel_loop3A_1532 = arith.constant 1.500000e+00 : f32
        %parallel_loop3A_1533 = vector.broadcast %parallel_loop3A_1532 : f32 to vector<16xf32>
        %parallel_loop3A_1534 = arith.subf %parallel_loop3A_1533, %parallel_loop3A_1531 : vector<16xf32>
        %parallel_loop3A_1535 = arith.mulf %parallel_loop3A_1526, %parallel_loop3A_1534 : vector<16xf32>
        %parallel_loop3A_1536 = arith.mulf %parallel_loop3A_1509, %parallel_loop3A_1535 : vector<16xf32>
        %parallel_loop3A_1537 = vector.broadcast %squeeze3A_51 : f32 to vector<16xf32>
        %parallel_loop3A_1538 = arith.mulf %parallel_loop3A_1537, %parallel_loop3A_1494 : vector<16xf32>
        %parallel_loop3A_1539 = arith.subf %parallel_loop3A_1538, %parallel_loop3A_1536 : vector<16xf32>
        %parallel_loop3A_1540 = arith.mulf %parallel_loop3A_1539, %parallel_loop3A_1483 : vector<16xf32>
        %parallel_loop3A_1541 = vector.broadcast %squeeze3A_51 : f32 to vector<16xf32>
        %parallel_loop3A_1542 = arith.mulf %parallel_loop3A_1541, %parallel_loop3A_1423 : vector<16xf32>
        %parallel_loop3A_1543 = arith.mulf %parallel_loop3A_1540, %parallel_loop3A_1449 : vector<16xf32>
        %parallel_loop3A_1544 = arith.subf %parallel_loop3A_1542, %parallel_loop3A_1543 : vector<16xf32>
        %parallel_loop3A_1545 = vector.broadcast %squeeze3A_51 : f32 to vector<16xf32>
        %parallel_loop3A_1546 = arith.mulf %parallel_loop3A_1545, %parallel_loop3A_1424 : vector<16xf32>
        %parallel_loop3A_1547 = arith.mulf %parallel_loop3A_1540, %parallel_loop3A_1451 : vector<16xf32>
        %parallel_loop3A_1548 = arith.subf %parallel_loop3A_1546, %parallel_loop3A_1547 : vector<16xf32>
        %parallel_loop3A_1549 = vector.broadcast %squeeze3A_51 : f32 to vector<16xf32>
        %parallel_loop3A_1550 = arith.mulf %parallel_loop3A_1549, %parallel_loop3A_1425 : vector<16xf32>
        %parallel_loop3A_1551 = arith.subf %parallel_loop3A_1550, %parallel_loop3A_1540 : vector<16xf32>
        %parallel_loop3A_1552 = vector.broadcast %squeeze3A_51 : f32 to vector<16xf32>
        %parallel_loop3A_1553 = arith.mulf %parallel_loop3A_1552, %parallel_loop3A_1494 : vector<16xf32>
        %parallel_loop3A_1554 = vector.broadcast %squeeze3A_51 : f32 to vector<16xf32>
        %parallel_loop3A_1555 = arith.mulf %parallel_loop3A_1554, %parallel_loop3A_1494 : vector<16xf32>
        %parallel_loop3A_1556 = arith.mulf %parallel_loop3A_1553, %parallel_loop3A_1555 : vector<16xf32>
        %parallel_loop3A_1557 = vector.broadcast %parallel_loop3A_1427 : f32 to vector<16xf32>
        %parallel_loop3A_1558 = arith.subf %parallel_loop3A_1557, %parallel_loop3A_1556 : vector<16xf32>
        %parallel_loop3A_1559 = arith.addf %parallel_loop3A_1558, %parallel_loop3A_1509 : vector<16xf32>
        %parallel_loop3A_1560 = tpu.bitcast %parallel_loop3A_1559 : vector<16xf32> -> vector<16xi32>
        %parallel_loop3A_1561 = arith.constant 1 : i32
        %parallel_loop3A_1562 = vector.broadcast %parallel_loop3A_1561 : i32 to vector<16xi32>
        %parallel_loop3A_1563 = arith.shrui %parallel_loop3A_1560, %parallel_loop3A_1562 : vector<16xi32>
        %parallel_loop3A_1564 = arith.constant 1597463007 : i32
        %parallel_loop3A_1565 = vector.broadcast %parallel_loop3A_1564 : i32 to vector<16xi32>
        %parallel_loop3A_1566 = arith.subi %parallel_loop3A_1565, %parallel_loop3A_1563 : vector<16xi32>
        %parallel_loop3A_1567 = tpu.bitcast %parallel_loop3A_1566 : vector<16xi32> -> vector<16xf32>
        %parallel_loop3A_1568 = arith.constant 5.000000e-01 : f32
        %parallel_loop3A_1569 = vector.broadcast %parallel_loop3A_1568 : f32 to vector<16xf32>
        %parallel_loop3A_1570 = arith.mulf %parallel_loop3A_1569, %parallel_loop3A_1559 : vector<16xf32>
        %parallel_loop3A_1571 = arith.mulf %parallel_loop3A_1570, %parallel_loop3A_1567 : vector<16xf32>
        %parallel_loop3A_1572 = arith.mulf %parallel_loop3A_1571, %parallel_loop3A_1567 : vector<16xf32>
        %parallel_loop3A_1573 = arith.constant 1.500000e+00 : f32
        %parallel_loop3A_1574 = vector.broadcast %parallel_loop3A_1573 : f32 to vector<16xf32>
        %parallel_loop3A_1575 = arith.subf %parallel_loop3A_1574, %parallel_loop3A_1572 : vector<16xf32>
        %parallel_loop3A_1576 = arith.mulf %parallel_loop3A_1567, %parallel_loop3A_1575 : vector<16xf32>
        %parallel_loop3A_1577 = arith.constant 5.000000e-01 : f32
        %parallel_loop3A_1578 = vector.broadcast %parallel_loop3A_1577 : f32 to vector<16xf32>
        %parallel_loop3A_1579 = arith.mulf %parallel_loop3A_1578, %parallel_loop3A_1559 : vector<16xf32>
        %parallel_loop3A_1580 = arith.mulf %parallel_loop3A_1579, %parallel_loop3A_1576 : vector<16xf32>
        %parallel_loop3A_1581 = arith.mulf %parallel_loop3A_1580, %parallel_loop3A_1576 : vector<16xf32>
        %parallel_loop3A_1582 = arith.constant 1.500000e+00 : f32
        %parallel_loop3A_1583 = vector.broadcast %parallel_loop3A_1582 : f32 to vector<16xf32>
        %parallel_loop3A_1584 = arith.subf %parallel_loop3A_1583, %parallel_loop3A_1581 : vector<16xf32>
        %parallel_loop3A_1585 = arith.mulf %parallel_loop3A_1576, %parallel_loop3A_1584 : vector<16xf32>
        %parallel_loop3A_1586 = arith.mulf %parallel_loop3A_1544, %parallel_loop3A_1585 : vector<16xf32>
        %parallel_loop3A_1587 = arith.mulf %parallel_loop3A_1548, %parallel_loop3A_1585 : vector<16xf32>
        %parallel_loop3A_1588 = arith.mulf %parallel_loop3A_1551, %parallel_loop3A_1585 : vector<16xf32>
        %parallel_loop3A_1589 = arith.constant 1.000000e+00 : f32
        %parallel_loop3A_1590 = vector.broadcast %parallel_loop3A_1589 : f32 to vector<16xf32>
        %parallel_loop3A_1591 = arith.subf %parallel_loop3A_1590, %parallel_loop3A_1494 : vector<16xf32>
        %parallel_loop3A_1592 = arith.constant 4.000000e-02 : f32
        %parallel_loop3A_1593 = vector.broadcast %parallel_loop3A_1592 : f32 to vector<16xf32>
        %parallel_loop3A_1594 = arith.mulf %parallel_loop3A_1593, %parallel_loop3A_1591 : vector<16xf32>
        %parallel_loop3A_1595 = arith.mulf %parallel_loop3A_1594, %parallel_loop3A_1591 : vector<16xf32>
        %parallel_loop3A_1596 = arith.constant 1.000000e+00 : f32
        %parallel_loop3A_1597 = vector.broadcast %parallel_loop3A_1596 : f32 to vector<16xf32>
        %parallel_loop3A_1598 = arith.subf %parallel_loop3A_1597, %parallel_loop3A_1595 : vector<16xf32>
        %parallel_loop3A_1599 = arith.constant 0.000000e+00 : f32
        %parallel_loop3A_1600 = arith.constant 1.000000e+00 : f32
        %parallel_loop3A_1601 = vector.broadcast %parallel_loop3A_1599 : f32 to vector<16xf32>
        %parallel_loop3A_1602 = arith.maximumf %parallel_loop3A_1601, %parallel_loop3A_1598 : vector<16xf32>
        %parallel_loop3A_1603 = vector.broadcast %parallel_loop3A_1600 : f32 to vector<16xf32>
        %parallel_loop3A_1604 = arith.minimumf %parallel_loop3A_1603, %parallel_loop3A_1602 : vector<16xf32>
        %parallel_loop3A_1605 = arith.mulf %parallel_loop3A_1426, %parallel_loop3A_1604 : vector<16xf32>
        %parallel_loop3A_1606 = arith.select %parallel_loop3A_1441, %parallel_loop3A_1443, %parallel_loop3A_1420 : vector<16xi1>, vector<16xf32>
        %parallel_loop3A_1607 = arith.select %parallel_loop3A_1441, %parallel_loop3A_1445, %parallel_loop3A_1421 : vector<16xi1>, vector<16xf32>
        %parallel_loop3A_1608 = arith.select %parallel_loop3A_1441, %parallel_loop3A_1447, %parallel_loop3A_1422 : vector<16xi1>, vector<16xf32>
        %parallel_loop3A_1609 = arith.select %parallel_loop3A_1441, %parallel_loop3A_1586, %parallel_loop3A_1423 : vector<16xi1>, vector<16xf32>
        %parallel_loop3A_1610 = arith.select %parallel_loop3A_1441, %parallel_loop3A_1587, %parallel_loop3A_1424 : vector<16xi1>, vector<16xf32>
        %parallel_loop3A_1611 = arith.select %parallel_loop3A_1441, %parallel_loop3A_1588, %parallel_loop3A_1425 : vector<16xi1>, vector<16xf32>
        %parallel_loop3A_1612 = arith.select %parallel_loop3A_1441, %parallel_loop3A_1605, %parallel_loop3A_1426 : vector<16xi1>, vector<16xf32>
        %parallel_loop3A_1613 = arith.constant 7 : i32
        %parallel_loop3A_1614 = vector.broadcast %parallel_loop3A_1613 : i32 to vector<16xi32>
        %parallel_loop3A_1615 = arith.muli %parallel_loop3A_74, %parallel_loop3A_1614 : vector<16xi32>
        %parallel_loop3A_1616 = arith.constant 112 : i32
        %parallel_loop3A_1617 = arith.muli %parallel_loop3A_73, %parallel_loop3A_1616 : i32
        %parallel_loop3A_1618 = vector.broadcast %parallel_loop3A_1617 : i32 to vector<16xi32>
        %parallel_loop3A_1619 = arith.addi %parallel_loop3A_1615, %parallel_loop3A_1618 : vector<16xi32>
        tpu.vector_store_idx %arg14[%parallel_loop3A_1619], %parallel_loop3A_1606 : memref<14336xf32, #tpu.memory_space<vmem>>[vector<16xi32>], vector<16xf32>,
        %parallel_loop3A_1620 = arith.constant 1 : i32
        %parallel_loop3A_1621 = vector.broadcast %parallel_loop3A_1620 : i32 to vector<16xi32>
        %parallel_loop3A_1622 = arith.addi %parallel_loop3A_1619, %parallel_loop3A_1621 : vector<16xi32>
        tpu.vector_store_idx %arg14[%parallel_loop3A_1622], %parallel_loop3A_1607 : memref<14336xf32, #tpu.memory_space<vmem>>[vector<16xi32>], vector<16xf32>,
        %parallel_loop3A_1623 = arith.constant 2 : i32
        %parallel_loop3A_1624 = vector.broadcast %parallel_loop3A_1623 : i32 to vector<16xi32>
        %parallel_loop3A_1625 = arith.addi %parallel_loop3A_1619, %parallel_loop3A_1624 : vector<16xi32>
        tpu.vector_store_idx %arg14[%parallel_loop3A_1625], %parallel_loop3A_1608 : memref<14336xf32, #tpu.memory_space<vmem>>[vector<16xi32>], vector<16xf32>,
        %parallel_loop3A_1626 = arith.constant 3 : i32
        %parallel_loop3A_1627 = vector.broadcast %parallel_loop3A_1626 : i32 to vector<16xi32>
        %parallel_loop3A_1628 = arith.addi %parallel_loop3A_1619, %parallel_loop3A_1627 : vector<16xi32>
        tpu.vector_store_idx %arg14[%parallel_loop3A_1628], %parallel_loop3A_1609 : memref<14336xf32, #tpu.memory_space<vmem>>[vector<16xi32>], vector<16xf32>,
        %parallel_loop3A_1629 = arith.constant 4 : i32
        %parallel_loop3A_1630 = vector.broadcast %parallel_loop3A_1629 : i32 to vector<16xi32>
        %parallel_loop3A_1631 = arith.addi %parallel_loop3A_1619, %parallel_loop3A_1630 : vector<16xi32>
        tpu.vector_store_idx %arg14[%parallel_loop3A_1631], %parallel_loop3A_1610 : memref<14336xf32, #tpu.memory_space<vmem>>[vector<16xi32>], vector<16xf32>,
        %parallel_loop3A_1632 = arith.constant 5 : i32
        %parallel_loop3A_1633 = vector.broadcast %parallel_loop3A_1632 : i32 to vector<16xi32>
        %parallel_loop3A_1634 = arith.addi %parallel_loop3A_1619, %parallel_loop3A_1633 : vector<16xi32>
        tpu.vector_store_idx %arg14[%parallel_loop3A_1634], %parallel_loop3A_1611 : memref<14336xf32, #tpu.memory_space<vmem>>[vector<16xi32>], vector<16xf32>,
        %parallel_loop3A_1635 = arith.constant 6 : i32
        %parallel_loop3A_1636 = vector.broadcast %parallel_loop3A_1635 : i32 to vector<16xi32>
        %parallel_loop3A_1637 = arith.addi %parallel_loop3A_1619, %parallel_loop3A_1636 : vector<16xi32>
        tpu.vector_store_idx %arg14[%parallel_loop3A_1637], %parallel_loop3A_1612 : memref<14336xf32, #tpu.memory_space<vmem>>[vector<16xi32>], vector<16xf32>,
      } {sc.loop_unroll_factor = 2 : i64, sc.parallel_access}
      %mul3A_71 = arith.constant 7 : i32
      %mul3A_72 = arith.muli %add3A_60, %mul3A_71 : i32
      "tpu.region"() ({
        %run_scoped3A = tpu.sem_alloc : memref<!tpu.dma_semaphore, #tpu.memory_space<semaphore_mem>>
        %dma_start3A = tpu.memref_slice %arg6[%mul3A_72] : memref<14680064xf32, #tpu.memory_space<hbm>> -> memref<14336xf32, #tpu.memory_space<hbm>>
        %dma_start3A_73 = tpu.memref_slice %arg6[%mul3A_72] : memref<14680064xf32, #tpu.memory_space<hbm>> -> memref<14336xf32, #tpu.memory_space<hbm>>
        tpu.enqueue_dma source(%arg14 : memref<14336xf32, #tpu.memory_space<vmem>>) target(%dma_start3A_73 : memref<14336xf32, #tpu.memory_space<hbm>>) target_semaphore(%run_scoped3A : memref<!tpu.dma_semaphore, #tpu.memory_space<semaphore_mem>>)
        %dma_wait3A = tpu.memref_slice %arg6[%mul3A_72] : memref<14680064xf32, #tpu.memory_space<hbm>> -> memref<14336xf32, #tpu.memory_space<hbm>>
        %dma_wait3A_74 = tpu.memref_slice %arg6[%mul3A_72] : memref<14680064xf32, #tpu.memory_space<hbm>> -> memref<14336xf32, #tpu.memory_space<hbm>>
        tpu.wait_dma2 semaphore(%run_scoped3A : memref<!tpu.dma_semaphore, #tpu.memory_space<semaphore_mem>>) src(%arg14 : memref<14336xf32, #tpu.memory_space<vmem>>) dst(%dma_wait3A_74 : memref<14336xf32, #tpu.memory_space<hbm>>)
        tpu.yield
      }) : () -> ()
    }
    %scan3A_56 = arith.constant 32 : i32
    return
  }
}

</mosaic_0001>

<sc_bundles>
// kernel: kernel.3.cloned.1.call-start
scs
__scs_entry_jumppad:
0x0: {  	(pc) =	sbr.rel $0x88, $3  }
0x1: {  	(tag) =	ssettag $0x0;
	lr =	simm.s32 $0x1  }
0x2: {  	[smem:$0x3F9B] =	sst lr;
	_ =	strace $0xD0000000  }
0x3: {  	_ = 	snop  }
0x4: {  	_ = 	snop  }
0x5: {  	_ = 	snop  }
0x6: {  	_ = 	snop  }
0x7: {  	_ = 	snop  }
__scs_overlays_trampoline_lowered:
0x8: {  	[smem:$0x3FAA] =	sst s0  }
0x9: {  	[smem:$0x3FAB] =	sst s1  }
0xa: {  	[smem:$0x3FAC] =	sst s2  }
0xb: {  	[smem:$0x3FAD] =	sst s3  }
0xc: {  	[smem:$0x3FAE] =	sst s4  }
0xd: {  	[smem:$0x3FAF] =	sst s5  }
0xe: {  	[smem:$0x3FB0] =	sst s6  }
0xf: {  	[smem:$0x3FB1] =	sst s7  }
0x10: {  	[smem:$0x3FB2] =	sst s8  }
0x11: {  	[smem:$0x3FB3] =	sst s9;
	s0 =	simm.s32 @!p0 $0x0  }
0x12: {  	s1 =	sld [smem:$0x3F99];
	s0 =	simm.s32 @p0 $0x1  }
0x13: {  	[smem:$0x3FB4] =	sst s0;
	s0 =	simm.s32 @!p1 $0x0  }
0x14: {  	s2 =	sld [smem:$0x3F98];
	s0 =	simm.s32 @p1 $0x1  }
0x15: {  	[smem:$0x3FB5] =	sst s0;
	s0 =	simm.s32 @!p2 $0x0  }
0x16: {  	s3 =	sld [smem:$0x3FDB];
	s0 =	simm.s32 @p2 $0x1  }
0x17: {  	s4 =	simm.s32 $0x1BF5;
	[smem:$0x3FB7] =	sst s0  }
0x18: {  	s0 =	sld [smem:$0x3F9A];
	_ =	swait.ge [sflag:s4], $0x0  }
0x19: {  	s7 =	sld [smem:$0x3F9B]  }
0x1a: {  	s8 =	sadd.s32 $0xFFFFE003, lr  }
0x1b: {  	s9 =	sadd.s32 $0xFFFFFEF7, lr;
	s5 =	simm.s32 $0xFFFFFFFF;
	p2 =	slt.u32 s8, $0xFFFFF086  }
0x1c: {  	p1 =	slt.u32 s9, $0xF7A;
	s5 =	simm.s32 @!p2 $0x0  }
0x1d: {  	s5 =	simm.s32 @p1 $0x1;
	p0 =	seq.s32 s7, s2  }
0x1e: {  	s7 =	smul.u32 @!p0 $0xF7A, s2;
	p2 =	seq.s32 @!p0 s5, $0x0  }
0x1f: {  	s9 =	smul.u32 $0xF7A, s1;
	s8 =	simm.s32 @!p0 $0x1BF5;
	p2 =	por !p2, p0  }
0x20: {  	[sflag:s8] =	ssyncset.s32 @!p0 $0xFFFFF086;
	s6 =	sadd.s32 @!p0 s3, s7;
	s7 =	simm.s32 @!p0 $0x108  }
0x21: {  	s3 =	sadd.s32 s3, s9;
	s6 =	sadd.s32 @!p0 $0x88, s6;
	s7 =	simm.s32 @p2 $0x1082  }
0x22: {  	[simem:s7], [sflag:s8] =	dma.local @!p0 [hbm:s6], $0xF7A  }
0x23: {  	s9 =	sor.u32 $0xD0000000, s2;
	s6 =	simm.s32 $0x108;
	_ =	swait.ge @!p0 [sflag:s8], $0x0  }
0x24: {  	s3 =	sadd.s32 $0x88, s3;
	s6 =	simm.s32 @!p1 $0x1082;
	[sflag:s4] =	ssyncset.s32 $0xFFFFF086  }
0x25: {  	[simem:s6], [sflag:s4] =	dma.local [hbm:s3], $0xF7A  }
0x26: {  	[smem:$0x3F9B] =	sst s1;
	(tag) =	ssettag s2;
	_ =	strace s9  }
0x27: {  	s1 =	sld [smem:$0x3FAB]  }
0x28: {  	s2 =	sld [smem:$0x3FAC]  }
0x29: {  	s4 =	sld [smem:$0x3FAE]  }
0x2a: {  	p0 =	seq.s32 s5, $0x0;
	s5 =	sld [smem:$0x3FAF]  }
0x2b: {  	s6 =	sld [smem:$0x3FB0]  }
0x2c: {  	s7 =	sld [smem:$0x3FB1]  }
0x2d: {  	s3 =	simm.s32 $0x108;
	s8 =	sld [smem:$0x3FB2]  }
0x2e: {  	s3 =	simm.s32 @!p0 $0x1082;
	s9 =	sld [smem:$0x3FB3]  }
0x2f: {  	lr =	sadd.s32 s0, s3;
	s0 =	sld [smem:$0x3FAA]  }
0x30: {  	s3 =	sld [smem:$0x3FAD]  }
0x31: {  	[smem:$0x3FB6] =	sst s10  }
0x32: {  	s10 =	sld [smem:$0x3FB4];
	_ =	sdelay $0x3  }
0x33: {  	p0 =	seq.s32 s10, $0x1;
	s10 =	sld [smem:$0x3FB6];
	_ =	sdelay $0x3  }
0x34: {  	[smem:$0x3FB6] =	sst s10  }
0x35: {  	s10 =	sld [smem:$0x3FB5];
	_ =	sdelay $0x3  }
0x36: {  	p1 =	seq.s32 s10, $0x1;
	s10 =	sld [smem:$0x3FB6];
	_ =	sdelay $0x3  }
0x37: {  	[smem:$0x3FB6] =	sst s10  }
0x38: {  	s10 =	sld [smem:$0x3FB7]  }
0x39: {  	_ = 	snop;
	(pc) =	sbr.ind lr, $3  }
0x3a: {  	_ = 	snop  }
0x3b: {  	_ = 	snop  }
0x3c: {  	p2 =	seq.s32 s10, $0x1;
	s10 =	sld [smem:$0x3FB6]  }
0x3d: {  	_ =	shalt  }
0x3e: {  	_ =	shalt  }
0x3f: {  	_ =	shalt  }
0x40: {  	_ =	shalt  }
0x41: {  	_ =	shalt  }
0x42: {  	_ =	shalt  }
0x43: {  	_ =	shalt  }
0x44: {  	_ =	shalt  }
0x45: {  	_ =	shalt  }
0x46: {  	_ =	shalt  }
0x47: {  	_ =	shalt  }
0x48: {  	_ =	shalt  }
0x49: {  	_ =	shalt  }
0x4a: {  	_ =	shalt  }
0x4b: {  	_ =	shalt  }
0x4c: {  	_ =	shalt  }
0x4d: {  	_ =	shalt  }
0x4e: {  	_ =	shalt  }
0x4f: {  	_ =	shalt  }
0x50: {  	_ =	shalt  }
0x51: {  	_ =	shalt  }
0x52: {  	_ =	shalt  }
0x53: {  	_ =	shalt  }
0x54: {  	_ =	shalt  }
0x55: {  	_ =	shalt  }
0x56: {  	_ =	shalt  }
0x57: {  	_ =	shalt  }
0x58: {  	_ =	shalt  }
0x59: {  	_ =	shalt  }
0x5a: {  	_ =	shalt  }
0x5b: {  	_ =	shalt  }
0x5c: {  	_ =	shalt  }
0x5d: {  	_ =	shalt  }
0x5e: {  	_ =	shalt  }
0x5f: {  	_ =	shalt  }
0x60: {  	_ =	shalt  }
0x61: {  	_ =	shalt  }
0x62: {  	_ =	shalt  }
0x63: {  	_ =	shalt  }
0x64: {  	_ =	shalt  }
0x65: {  	_ =	shalt  }
0x66: {  	_ =	shalt  }
0x67: {  	_ =	shalt  }
0x68: {  	_ =	shalt  }
0x69: {  	_ =	shalt  }
0x6a: {  	_ =	shalt  }
0x6b: {  	_ =	shalt  }
0x6c: {  	_ =	shalt  }
0x6d: {  	_ =	shalt  }
0x6e: {  	_ =	shalt  }
0x6f: {  	_ =	shalt  }
0x70: {  	_ =	shalt  }
0x71: {  	_ =	shalt  }
0x72: {  	_ =	shalt  }
0x73: {  	_ =	shalt  }
0x74: {  	_ =	shalt  }
0x75: {  	_ =	shalt  }
0x76: {  	_ =	shalt  }
0x77: {  	_ =	shalt  }
0x78: {  	_ =	shalt  }
0x79: {  	_ =	shalt  }
0x7a: {  	_ =	shalt  }
0x7b: {  	_ =	shalt  }
0x7c: {  	_ =	shalt  }
0x7d: {  	_ =	shalt  }
0x7e: {  	_ =	shalt  }
0x7f: {  	_ =	shalt  }
0x80: {  	_ =	shalt  }
0x81: {  	_ =	shalt  }
0x82: {  	_ =	shalt  }
0x83: {  	_ =	shalt  }
0x84: {  	_ =	shalt  }
0x85: {  	_ =	shalt  }
0x86: {  	_ =	shalt  }
0x87: {  	_ =	shalt  }
.Lfunc_end0:
.L_simem_size_0:
called_computation.1_lowered:
.L_overlay_start_0:
0x88: {  	s2 =	sld [smem:$0x3FD9]  }
0x89: {  	s3 =	sld [smem:$0x3FFE];
	_ =	sdelay $0x1  }
0x8a: {  	s1 =	srdreg.scid  }
0x8b: {  	s0 =	sand.u32 $0x1, s1  }
0x8c: {  	s17 =	sshll.u32 s0, $0xA;
	s2 =	sadd.s32 s3, s2  }
0x8d: {  	s2 =	sadd.s32 s2, s17  }
0x8e: {  	[smem:$0x3FC2] =	sst s2  }
0x8f: {  	_ = 	snop  }
0x90: {  	s2 =	sld [smem:$0x3FC7]  }
0x91: {  	s18 =	sld [smem:$0x3FD0];
	(tm) =	ssettm $0x1  }
0x92: {  	s4 =	sld [smem:$0x3FFB];
	_ =	sdelay $0x3  }
0x93: {  	_ =	strace s4  }
0x94: {  	s4 =	sld [smem:$0x3FFC];
	_ =	sdelay $0x3  }
0x95: {  	_ =	strace s4  }
0x96: {  	s4 =	sld [smem:$0x3FFD];
	_ =	sdelay $0x3  }
0x97: {  	_ =	strace s4  }
0x98: {  	_ =	strace $0x8FFFFFFF  }
0x99: {  	s19 =	sld [smem:$0x3FDB];
	_ =	sdelay $0x1  }
0x9a: {  	s5 =	simm.s32 $_scs_section_size  }
0x9b: {  	s6 =	simm.s32 $_size__tile_overlayer_lowered;
	s7 =	simm.s32 $_tile_overlayer_lowered  }
0x9c: {  	s22 =	simm.s32 $0x1BFF;
	s21 =	sshll.u32 s7, $0x1;
	s4 =	sadd.s32 s5, s19  }
0x9d: {  	s8 =	simm.s32 $0x0;
	s20 =	sshll.u32 s6, $0x1;
	s6 =	sadd.s32 s21, s4  }
0x9e: {  	[timem:s8], [sflag:s22] =	dma.local [hbm:s6], s20  }
0x9f: {  	_ =	swait.ge [sflag:s22], s20  }
0xa0: {  	s5 =	ssub.s32 $0x0, s20;
	[sflag:s22] =	ssyncset.done $0x0  }
0xa1: {  	[sflag:s22] =	ssyncadd.s32 s5;
	_ =	sdelay $0x1  }
0xa2: {  	s23 =	simm.s32 $0x1B8B  }
0xa3: {  	_ =	swait.ge [sflag:s23], $0x1  }
0xa4: {  	[sflag:s23] =	ssyncset.done $0x0  }
0xa5: {  	s25 =	simm.s32 $0x1B8E;
	s24 =	sld [smem:$0x3FFE];
	[sflag:s23] =	ssyncadd.s32 $0xFFFFFFFF  }
0xa6: {  	s26 =	simm.s32 $execute0_lowered;
	[smem:$0x3FD2] =	sst s25  }
0xa7: {  	s6 =	sshll.u32 s26, $0x1;
	_ =	strace $0x80000046;
	[dreg:$0x1] =	wrdreg $0xFFFFFFFF  }
0xa8: {  	s28 =	simm.s32 $_size_execute0_lowered;
	s4 =	sadd.s32 s4, s6;
	[dreg:$0x0] =	wrdreg $0x0  }
0xa9: {  	s6 =	sshll.u32 s28, $0x1;
	[dreg:$0x2] =	wrdreg s4  }
0xaa: {  	[dreg:$0x3] =	wrdreg s6  }
0xab: {  	[dreg:$0x4] =	wrdreg $0xC0  }
0xac: {  	_ =	task [dreg:s8], $0x5FFFF  }
0xad: {  	[dreg:$0x1] =	wrdreg $0xFFFFFFFF  }
0xae: {  	[dreg:$0x0] =	wrdreg $0x60  }
0xaf: {  	[dreg:$0x2] =	wrdreg s24  }
0xb0: {  	[dreg:$0x3] =	wrdreg s2  }
0xb1: {  	[dreg:$0x4] =	wrdreg s18  }
0xb2: {  	[dreg:$0x5] =	wrdreg $0x9  }
0xb3: {  	_ =	task.clear_ibuf [dreg:s8], $0x6FFFF;
	_ =	strace $0x90000046  }
0xb4: {  	s29 =	simm.s32 $0x9;
	_ =	strace $0x80000048  }
0xb5: {  	_ =	swait.ge [sflag:s29], $0x1  }
0xb6: {  	[sflag:s29] =	ssyncadd.s32 $0xFFFFFFFF  }
0xb7: {  	_ =	strace $0x90000048  }
0xb8: {  	_ =	sfence  }
0xb9: {  	s30 =	sld [smem:$0x0];
	_ =	sdelay $0x2  }
0xba: {  	s31 =	sshll.u32 s1, $0xD;
	s1 =	sshrl.u32 s1, $0x2  }
0xbb: {  	s3 =	sand.u32 $0x4000, s31;
	s1 =	sadd.s32 s1, s30  }
0xbc: {  	s0 =	sor.u32 s3, s0;
	s1 =	sshll.u32 s1, $0x11  }
0xbd: {  	s0 =	sor.u32 s1, s0  }
0xbe: {  	s0 =	sadd.s32 $0x8F2B, s0  }
0xbf: {  	[sflag:s0] =	ssyncadd.remote.s32 $0x1  }
0xc0: {  	_ =	sfence.sel $0xFFFF  }
0xc1: {  	[dreg:$0x0] =	wrdreg $0xFFFFFFFF;
	(pc) =	sbr.abs _section_cstart, $3  }
0xc2: {  	[dreg:$0x1] =	wrdreg $0xFFFFFFFF  }
0xc3: {  	_ =	task.clear_ibuf [dreg:s8], $0x2FFFF;
	_ =	strace $0x9FFFFFFF  }
0xc4: {  	(tm) =	ssettm $0x7FFFFFFF  }
0xc5: {  	_ =	shalt  }
tec
execute0_lowered:
.L_overlay_start_1:
0x0: {  	(tag) =	ssettag $0x1  }
0x1: {  	s4 =	rddreg [dreg:$0x0]  }
0x2: {  	s1 =	rddreg [dreg:$0x1]  }
0x3: {  	s2 =	rddreg [dreg:$0x2];
	s3 =	simm.s32 $0x0;
	s5 =	srdreg.scid;
	v0 =	vlaneseq.u32  }
0x4: {  	s11 =	simm.s32 $0x1;
	s12 =	simm.s32 $0x800;
	s13 =	simm.s32 $0x1000;
	v31 =	vmul.u32 $0x7, v0  }
0x5: {  	s14 =	simm.s32 $0x1800;
	s15 =	simm.s32 $0x2000;
	[smem:$0x7FF] =	sst s3  }
0x6: {  	s16 =	simm.s32 $0x2800;
	s17 =	simm.s32 $0x3000;
	_ =	strace $0x80000047;
	v35 =	vadd.s32 $0x1, v31;
	[tilespmem:$0x1FFA0] =	vst v31  }
0x7: {  	s18 =	simm.s32 $0x3800;
	s19 =	simm.s32 $0x0;
	s8 =	sand.u32 $0x1, s5;
	v40 =	vadd.s32 $0x2, v31;
	[tilespmem:$0x1FFB0] =	vst v35  }
0x8: {  	s5 =	sadd.s32 $0xC0400, s4;
	s6 =	sadd.s32 $0x400, s4;
	s9 =	ssub.s32 $0x2, s8;
	v44 =	vadd.s32 $0x3, v31;
	[tilespmem:$0x1FFC0] =	vst v40  }
0x9: {  	s7 =	sadd.s32 $0x200, s4;
	s4 =	stileid.u32;
	s10 =	sshrl.u32 s9, $0x1;
	v46 =	vadd.s32 $0x4, v31;
	[tilespmem:$0x1FFD0] =	vst v44  }
0xa: {  	s31 =	sshll.u32 s4, $0x11;
	s8 =	sshll.u32 s8, $0x10;
	v45 =	vadd.s32 $0x5, v31;
	s9 =	ssub.s32 s9, s10;
	[tilespmem:$0x1FFE0] =	vst v46  }
0xb: {  	s8 =	sor.u32 s8, s31;
	v19 =	vadd.s32 $0x6, v31;
	s10 =	simm.s32 $0x7000;
	[tilespmem:$0x1FFF0] =	vst v45;
	s9 =	smax.u32 s9, $0x1  }
.LBB2_1:
0xc: {  	[tilespmem:s10], [sflag:$0x1] =	stream.linear.gather [hbm4b:s7+s3], $0x80, $0x38;
	[tilespmem:$0x7080] =	vst v63  }
0xd: {  	_ =	swait.ge [sflag:s11], $0x80  }
0xe: {  	[sflag:s11] =	ssyncset.done $0x0  }
0xf: {  	[sflag:s11] =	ssyncadd.s32 $0xFFFFFF80  }
0x10: {  	v0 =	vld [tilespmem:$0x7000];
	_ =	sdelay $0x4  }
0x11: {  	v1 =	vld [tilespmem:$0x7010];
	(v2sf) =	vpush v0, $0x2  }
0x12: {  	(v2sf) =	vpush v0, $0x5  }
0x13: {  	(v2sf) =	vpush v0, $0x8  }
0x14: {  	(v2sf) =	vpush v0, $0xB  }
0x15: {  	(v2sf) =	vpush v0, $0xE  }
0x16: {  	(v2sf) =	vpush v1, $0x1  }
0x17: {  	v61 =	vbroadcast v1, $0x5;
	(v2sf) =	vpush v1, $0x4  }
0x18: {  	v63 =	vbroadcast v1, $0x6;
	(v2sf) =	vpush v1, $0x7  }
0x19: {  	v8 =	vbroadcast v0, $0x0;
	[tilespmem:$0x1FE70] =	vst v61  }
0x1a: {  	v11 =	vbroadcast v0, $0x1;
	[tilespmem:$0x1FE80] =	vst v63  }
0x1b: {  	v14 =	vbroadcast v0, $0x3;
	[tilespmem:$0x1FE90] =	vst v8  }
0x1c: {  	v9 =	vbroadcast v0, $0x4;
	[tilespmem:$0x1FEA0] =	vst v11  }
0x1d: {  	v30 =	vbroadcast v0, $0xA;
	[tilespmem:$0x1FEC0] =	vst v14  }
0x1e: {  	v18 =	vbroadcast v0, $0x6;
	[tilespmem:$0x1FEE0] =	vst v9  }
0x1f: {  	v48 =	vbroadcast v1, $0x0;
	[tilespmem:$0x1FEF0] =	vst v30  }
0x20: {  	v50 =	vbroadcast v1, $0x2;
	[tilespmem:$0x1FF00] =	vst v18;
	s20 =	spop (v2sf)  }
0x21: {  	v15 =	vbroadcast v0, $0xF;
	[tilespmem:$0x1FF20] =	vst v48;
	s21 =	spop (v2sf)  }
0x22: {  	v63 =	vbroadcast v1, $0x7;
	[tilespmem:$0x1FF40] =	vst v50;
	s22 =	spop (v2sf);
	s21 =	smul.f32 s21, s21  }
0x23: {  	[tilespmem:$0x1FF90] =	vst v15;
	s23 =	spop (v2sf);
	s31 =	smul.f32 s22, s22  }
0x24: {  	[tilespmem:$0x1FF70] =	vst v63;
	s0 =	spop (v2sf);
	v27 =	vmov s21;
	s23 =	smul.f32 s23, s23  }
0x25: {  	s24 =	spop (v2sf);
	v28 =	vmov s31;
	s25 =	smul.f32 s0, s0;
	[tilespmem:$0x1FEB0] =	vst v27  }
0x26: {  	v32 =	vbroadcast v0, $0x2;
	v24 =	vbroadcast v0, $0x5;
	s26 =	spop (v2sf);
	v36 =	vmov s23;
	s28 =	smul.f32 s24, s24;
	[tilespmem:$0x1FED0] =	vst v28  }
0x27: {  	v21 =	vbroadcast v0, $0x7;
	v20 =	vbroadcast v0, $0x8;
	s29 =	spop (v2sf);
	v47 =	vmov s25;
	s30 =	smul.f32 s26, s26;
	[tilespmem:$0x1FF80] =	vst v36  }
0x28: {  	v62 =	vbroadcast v0, $0x9;
	v25 =	vbroadcast v0, $0xB;
	v49 =	vmov s28;
	s31 =	smul.f32 s29, s29;
	[tilespmem:$0x1FF10] =	vst v47  }
0x29: {  	v52 =	vbroadcast v0, $0xC;
	v33 =	vbroadcast v0, $0xD;
	s20 =	smul.f32 s20, s20;
	v58 =	vmov s30;
	[tilespmem:$0x1FF30] =	vst v49  }
0x2a: {  	v29 =	vbroadcast v0, $0xE;
	v34 =	vbroadcast v1, $0x1;
	v38 =	vmov s31;
	[tilespmem:$0x1FF50] =	vst v58  }
0x2b: {  	v37 =	vbroadcast v1, $0x3;
	v59 =	vbroadcast v1, $0x4;
	v23 =	vmov s20;
	s20 =	simm.s32 $0x0;
	[tilespmem:$0x1FF60] =	vst v38  }
.LBB2_2:
0x2c: {  	s21 =	sshll.u32 s20, $0xB  }
0x2d: {  	s21 =	sadd.s32 s8, s21  }
0x2e: {  	s22 =	sshrl.u32 s21, $0x3  }
0x2f: {  	s23 =	sadd.s32 s5, s22  }
0x30: {  	[tilespmem:s3], [sflag:$0x1] =	stream.linear.gather [hbm4b:s23+s3], $0x800, $0x38;
	[tilespmem:$0x7080] =	vst v63  }
0x31: {  	_ =	swait.ge [sflag:s11], $0x800  }
0x32: {  	s23 =	sor.u32 $0x40000, s22;
	[sflag:s11] =	ssyncset.done $0x0  }
0x33: {  	s24 =	sadd.s32 s5, s23;
	[sflag:s11] =	ssyncadd.s32 $0xFFFFF800  }
0x34: {  	[tilespmem:s12], [sflag:$0x1] =	stream.linear.gather [hbm4b:s24+s3], $0x800, $0x38;
	[tilespmem:$0x7080] =	vst v63  }
0x35: {  	_ =	swait.ge [sflag:s11], $0x800  }
0x36: {  	s26 =	sor.u32 $0x80000, s22;
	[sflag:s11] =	ssyncset.done $0x0  }
0x37: {  	s25 =	sadd.s32 s5, s26;
	[sflag:s11] =	ssyncadd.s32 $0xFFFFF800  }
0x38: {  	[tilespmem:s13], [sflag:$0x1] =	stream.linear.gather [hbm4b:s25+s3], $0x800, $0x38;
	[tilespmem:$0x7080] =	vst v63  }
0x39: {  	_ =	swait.ge [sflag:s11], $0x800  }
0x3a: {  	[sflag:s11] =	ssyncset.done $0x0  }
0x3b: {  	s0 =	sadd.s32 s6, s22;
	[sflag:s11] =	ssyncadd.s32 $0xFFFFF800  }
0x3c: {  	[tilespmem:s14], [sflag:$0x1] =	stream.linear.gather [hbm4b:s0+s3], $0x800, $0x38;
	[tilespmem:$0x7080] =	vst v63  }
0x3d: {  	_ =	swait.ge [sflag:s11], $0x800  }
0x3e: {  	[sflag:s11] =	ssyncset.done $0x0  }
0x3f: {  	s23 =	sadd.s32 s6, s23;
	[sflag:s11] =	ssyncadd.s32 $0xFFFFF800  }
0x40: {  	[tilespmem:s15], [sflag:$0x1] =	stream.linear.gather [hbm4b:s23+s3], $0x800, $0x38;
	[tilespmem:$0x7080] =	vst v63  }
0x41: {  	_ =	swait.ge [sflag:s11], $0x800  }
0x42: {  	[sflag:s11] =	ssyncset.done $0x0  }
0x43: {  	s26 =	sadd.s32 s6, s26;
	[sflag:s11] =	ssyncadd.s32 $0xFFFFF800  }
0x44: {  	[tilespmem:s16], [sflag:$0x1] =	stream.linear.gather [hbm4b:s26+s3], $0x800, $0x38;
	[tilespmem:$0x7080] =	vst v63  }
0x45: {  	_ =	swait.ge [sflag:s11], $0x800  }
0x46: {  	s28 =	simm.s32 $0x2010;
	s29 =	simm.s32 $0x2810;
	[sflag:s11] =	ssyncset.done $0x0  }
0x47: {  	s30 =	simm.s32 $0x3010;
	s22 =	sadd.s32 s1, s22;
	[sflag:s11] =	ssyncadd.s32 $0xFFFFF800  }
0x48: {  	[tilespmem:s17], [sflag:$0x1] =	stream.linear.gather [hbm4b:s22+s3], $0x800, $0x38;
	[tilespmem:$0x7080] =	vst v63  }
0x49: {  	s31 =	simm.s32 $0x70;
	s24 =	simm.s32 $0x810;
	_ =	swait.ge [sflag:s11], $0x800  }
0x4a: {  	s25 =	simm.s32 $0x1010;
	s23 =	simm.s32 $0x10;
	[sflag:s11] =	ssyncset.done $0x0  }
0x4b: {  	s26 =	simm.s32 $0x1810;
	s22 =	simm.s32 $0xFFFFFFFE;
	[sflag:s11] =	ssyncadd.s32 $0xFFFFF800  }
.LBB2_3:
0x4c: {  	v0 =	vld [tilespmem:s26+$0xFFFFFFF0]  }
0x4d: {  	v1 =	vld [tilespmem:s28+$0xFFFFFFF0];
	_ =	sdelay $0x1  }
0x4e: {  	v2 =	vld [tilespmem:s29+$0xFFFFFFF0];
	_ =	sdelay $0x2  }
0x4f: {  	v3 =	vmul.f32 v0, v0;
	v4 =	vmul.f32 v1, v1;
	_ =	sdelay $0x1  }
0x50: {  	v43 =	vmul.f32 v2, v2;
	v3 =	vadd.f32 v4, v3;
	_ =	sdelay $0x1  }
0x51: {  	v3 =	vadd.f32 v43, v3;
	_ =	sdelay $0x1  }
0x52: {  	v4 =	vshrl.u32 v3, $0x1;
	v3 =	vmul.f32 $5.000000000e-01, v3  }
0x53: {  	v4 =	vsub.s32 $0x5F3759DF, v4  }
0x54: {  	v5 =	vmul.f32 v4, v3;
	_ =	sdelay $0x1  }
0x55: {  	v5 =	vmul.f32 v4, v5;
	_ =	sdelay $0x1  }
0x56: {  	v5 =	vsub.f32 $1.500000000e+00, v5;
	_ =	sdelay $0x1  }
0x57: {  	v4 =	vmul.f32 v4, v5;
	_ =	sdelay $0x1  }
0x58: {  	v3 =	vmul.f32 v4, v3;
	_ =	sdelay $0x1  }
0x59: {  	v3 =	vmul.f32 v3, v4;
	_ =	sdelay $0x1  }
0x5a: {  	v3 =	vsub.f32 $1.500000000e+00, v3;
	_ =	sdelay $0x1  }
0x5b: {  	v3 =	vmul.f32 v3, v4;
	_ =	sdelay $0x1  }
0x5c: {  	v2 =	vmul.f32 v3, v2;
	_ =	sdelay $0x1  }
0x5d: {  	v44 =	vand.u32 $0x7FFFFFFF, v2  }
0x5e: {  	vm0 =	vgt.f32 v44, $9.999999970e-07  }
0x5f: {  	v4 =	vnsel vm0, $0x3F800000, v2  }
0x60: {  	(erf) = vrcp.f32 v4;
	_ =	sdelay $0x2  }
0x61: {  	v45 =	vld [tilespmem:s25+$0xFFFFFFF0];
	_ =	sdelay $0x4  }
0x62: {  	v46 =	vld [tilespmem:s23+$0xFFFFFFF0];
	v6 =	vsub.f32 v8, v45  }
0x63: {  	v7 =	vld [tilespmem:s24+$0xFFFFFFF0];
	v0 =	vmul.f32 v3, v0;
	v10 =	vpop (erf)  }
0x64: {  	v1 =	vmul.f32 v3, v1;
	v51 =	vmul.f32 v10, v6;
	_ =	sdelay $0x1  }
0x65: {  	v6 =	vmul.f32 v51, v0;
	v10 =	vmul.f32 v51, v1;
	_ =	sdelay $0x1  }
0x66: {  	v6 =	vadd.f32 v6, v46;
	v10 =	vadd.f32 v10, v7;
	_ =	sdelay $0x1  }
0x67: {  	v13 =	vmul.f32 v6, v11;
	v17 =	vmul.f32 v10, v11;
	_ =	sdelay $0x1  }
0x68: {  	v22 =	vmul.f32 v13, v13;
	v26 =	vmul.f32 v17, v17;
	_ =	sdelay $0x1  }
0x69: {  	v22 =	vadd.f32 v26, v22;
	_ =	sdelay $0x1  }
0x6a: {  	v22 =	vadd.f32 $1.000000000e+00, v22;
	_ =	sdelay $0x1  }
0x6b: {  	v26 =	vshrl.u32 v22, $0x1;
	v22 =	vmul.f32 $5.000000000e-01, v22  }
0x6c: {  	v26 =	vsub.s32 $0x5F3759DF, v26  }
0x6d: {  	v31 =	vmul.f32 v26, v22;
	_ =	sdelay $0x1  }
0x6e: {  	v31 =	vmul.f32 v26, v31;
	_ =	sdelay $0x1  }
0x6f: {  	v31 =	vsub.f32 $1.500000000e+00, v31;
	_ =	sdelay $0x1  }
0x70: {  	v26 =	vmul.f32 v26, v31;
	_ =	sdelay $0x1  }
0x71: {  	v22 =	vmul.f32 v26, v22  }
0x72: {  	v35 =	vmul.f32 v17, v1  }
0x73: {  	v31 =	vmul.f32 v13, v0;
	v22 =	vmul.f32 v22, v26;
	_ =	sdelay $0x1  }
0x74: {  	v31 =	vadd.f32 v35, v31;
	v22 =	vsub.f32 $1.500000000e+00, v22;
	_ =	sdelay $0x1  }
0x75: {  	v22 =	vmul.f32 v22, v26;
	v26 =	vadd.f32 v31, v2;
	_ =	sdelay $0x1  }
0x76: {  	v26 =	vmul.f32 v22, v26;
	_ =	sdelay $0x1  }
0x77: {  	v26 =	vmax.f32 v26, $-1.000000000e+00  }
0x78: {  	v39 =	vmin.f32 v26, $1.000000000e+00  }
0x79: {  	v26 =	vmul.f32 v39, v39;
	_ =	sdelay $0x1  }
0x7a: {  	v26 =	vsub.f32 $1.000000000e+00, v26;
	_ =	sdelay $0x1  }
0x7b: {  	v26 =	vmax.f32 v26, $0.0e+00  }
0x7c: {  	v26 =	vmul.f32 v26, v23;
	_ =	sdelay $0x1  }
0x7d: {  	v26 =	vsub.f32 $1.000000000e+00, v26;
	_ =	sdelay $0x1  }
0x7e: {  	v26 =	vmax.f32 v26, $9.999999930e-09  }
0x7f: {  	v40 =	vmul.f32 v39, v32;
	v31 =	vshrl.u32 v26, $0x1;
	v53 =	vmul.f32 $5.000000000e-01, v26  }
0x80: {  	v31 =	vsub.s32 $0x5F3759DF, v31  }
0x81: {  	v42 =	vmul.f32 v40, v40;
	v41 =	vmul.f32 v31, v53;
	_ =	sdelay $0x1  }
0x82: {  	v42 =	vsub.f32 v23, v42;
	v41 =	vmul.f32 v31, v41;
	_ =	sdelay $0x1  }
0x83: {  	v42 =	vadd.f32 v26, v42;
	v41 =	vsub.f32 $1.500000000e+00, v41;
	_ =	sdelay $0x1  }
0x84: {  	v54 =	vshrl.u32 v42, $0x1;
	v42 =	vmul.f32 $5.000000000e-01, v42;
	v31 =	vmul.f32 v31, v41  }
0x85: {  	v41 =	vsub.s32 $0x5F3759DF, v54  }
0x86: {  	v43 =	vmul.f32 v41, v42;
	v35 =	vmul.f32 v31, v53;
	_ =	sdelay $0x1  }
0x87: {  	v43 =	vmul.f32 v41, v43;
	v35 =	vmul.f32 v35, v31;
	_ =	sdelay $0x1  }
0x88: {  	v43 =	vsub.f32 $1.500000000e+00, v43;
	v35 =	vsub.f32 $1.500000000e+00, v35;
	_ =	sdelay $0x1  }
0x89: {  	v55 =	vmul.f32 v41, v43;
	v31 =	vmul.f32 v35, v31;
	_ =	sdelay $0x1  }
0x8a: {  	v26 =	vmul.f32 v31, v26;
	v31 =	vmul.f32 v55, v42;
	_ =	sdelay $0x1  }
0x8b: {  	v26 =	vsub.f32 v40, v26;
	v31 =	vmul.f32 v31, v55;
	_ =	sdelay $0x1  }
0x8c: {  	v22 =	vmul.f32 v26, v22;
	v26 =	vmul.f32 v2, v32;
	v31 =	vsub.f32 $1.500000000e+00, v31;
	_ =	sdelay $0x1  }
0x8d: {  	v26 =	vsub.f32 v26, v22;
	v31 =	vmul.f32 v31, v55;
	_ =	sdelay $0x1  }
0x8e: {  	vm1 =	vgt.f32 v51, $9.999999970e-07;
	v26 =	vmul.f32 v26, v31  }
0x8f: {  	vm0 =	vmand vm0, vm1  }
0x90: {  	v26 =	vsel vm0, v26, v2  }
0x91: {  	v56 =	vand.u32 $0x7FFFFFFF, v26  }
0x92: {  	vm7 =	vgt.f32 v56, $9.999999970e-07  }
0x93: {  	v35 =	vnsel vm7, $0x3F800000, v26  }
0x94: {  	(erf) = vrcp.f32 v35;
	_ =	sdelay $0x2  }
0x95: {  	v2 =	vmul.f32 v51, v2  }
0x96: {  	v57 =	vmul.f32 v0, v32;
	v60 =	vmul.f32 v1, v32  }
0x97: {  	v13 =	vmul.f32 v22, v13;
	v17 =	vmul.f32 v22, v17;
	v2 =	vadd.f32 v2, v45;
	_ =	sdelay $0x1  }
0x98: {  	v3 =	vsub.f32 v57, v13;
	v13 =	vsub.f32 v60, v17;
	v2 =	vsel vm0, v2, v45  }
0x99: {  	v4 =	vsub.f32 v14, v2  }
0x9a: {  	v3 =	vmul.f32 v3, v31;
	v13 =	vmul.f32 v13, v31;
	v17 =	vpop (erf)  }
0x9b: {  	v4 =	vmul.f32 v17, v4  }
0x9c: {  	v0 =	vsel vm0, v3, v0;
	v1 =	vsel vm0, v13, v1  }
0x9d: {  	v3 =	vmul.f32 v4, v0;
	v13 =	vmul.f32 v4, v1  }
0x9e: {  	v5 =	vsel vm0, v6, v46;
	v6 =	vsel vm0, v10, v7  }
0x9f: {  	v3 =	vadd.f32 v3, v5;
	v7 =	vadd.f32 v13, v6;
	_ =	sdelay $0x1  }
0xa0: {  	v10 =	vmul.f32 v3, v9;
	v13 =	vmul.f32 v7, v9;
	_ =	sdelay $0x1  }
0xa1: {  	v17 =	vmul.f32 v10, v10;
	v22 =	vmul.f32 v13, v13;
	_ =	sdelay $0x1  }
0xa2: {  	v17 =	vadd.f32 v22, v17;
	_ =	sdelay $0x1  }
0xa3: {  	v17 =	vadd.f32 $1.000000000e+00, v17;
	_ =	sdelay $0x1  }
0xa4: {  	v22 =	vshrl.u32 v17, $0x1;
	v17 =	vmul.f32 $5.000000000e-01, v17  }
0xa5: {  	v22 =	vsub.s32 $0x5F3759DF, v22  }
0xa6: {  	v31 =	vmul.f32 v22, v17;
	_ =	sdelay $0x1  }
0xa7: {  	v31 =	vmul.f32 v22, v31;
	_ =	sdelay $0x1  }
0xa8: {  	v31 =	vsub.f32 $1.500000000e+00, v31;
	_ =	sdelay $0x1  }
0xa9: {  	v22 =	vmul.f32 v22, v31;
	_ =	sdelay $0x1  }
0xaa: {  	v17 =	vmul.f32 v22, v17  }
0xab: {  	v61 =	vmul.f32 v13, v1  }
0xac: {  	v31 =	vmul.f32 v10, v0;
	v17 =	vmul.f32 v17, v22;
	_ =	sdelay $0x1  }
0xad: {  	v31 =	vadd.f32 v61, v31;
	v17 =	vsub.f32 $1.500000000e+00, v17;
	_ =	sdelay $0x1  }
0xae: {  	v17 =	vmul.f32 v17, v22;
	v22 =	vadd.f32 v31, v26;
	_ =	sdelay $0x1  }
0xaf: {  	v22 =	vmul.f32 v17, v22;
	_ =	sdelay $0x1  }
0xb0: {  	v22 =	vmax.f32 v22, $-1.000000000e+00  }
0xb1: {  	v40 =	vmin.f32 v22, $1.000000000e+00  }
0xb2: {  	v22 =	vmul.f32 v40, v40;
	_ =	sdelay $0x1  }
0xb3: {  	v22 =	vsub.f32 $1.000000000e+00, v22;
	_ =	sdelay $0x1  }
0xb4: {  	v22 =	vmax.f32 v22, $0.0e+00  }
0xb5: {  	v22 =	vmul.f32 v22, v27;
	_ =	sdelay $0x1  }
0xb6: {  	v22 =	vsub.f32 $1.000000000e+00, v22;
	_ =	sdelay $0x1  }
0xb7: {  	v22 =	vmax.f32 v22, $9.999999930e-09  }
0xb8: {  	v38 =	vmul.f32 v40, v24;
	v31 =	vshrl.u32 v22, $0x1;
	v63 =	vmul.f32 $5.000000000e-01, v22  }
0xb9: {  	v31 =	vsub.s32 $0x5F3759DF, v31  }
0xba: {  	v53 =	vmul.f32 v38, v38;
	v51 =	vmul.f32 v31, v63;
	_ =	sdelay $0x1  }
0xbb: {  	v43 =	vsub.f32 v27, v53;
	v42 =	vmul.f32 v31, v51;
	_ =	sdelay $0x1  }
0xbc: {  	v43 =	vadd.f32 v22, v43;
	v42 =	vsub.f32 $1.500000000e+00, v42;
	_ =	sdelay $0x1  }
0xbd: {  	v54 =	vshrl.u32 v43, $0x1;
	v43 =	vmul.f32 $5.000000000e-01, v43;
	v31 =	vmul.f32 v31, v42  }
0xbe: {  	v42 =	vsub.s32 $0x5F3759DF, v54  }
0xbf: {  	v44 =	vmul.f32 v42, v43;
	v35 =	vmul.f32 v31, v63;
	_ =	sdelay $0x1  }
0xc0: {  	v44 =	vmul.f32 v42, v44;
	v35 =	vmul.f32 v35, v31;
	_ =	sdelay $0x1  }
0xc1: {  	v44 =	vsub.f32 $1.500000000e+00, v44;
	v35 =	vsub.f32 $1.500000000e+00, v35;
	_ =	sdelay $0x1  }
0xc2: {  	v55 =	vmul.f32 v42, v44;
	v31 =	vmul.f32 v35, v31;
	_ =	sdelay $0x1  }
0xc3: {  	v22 =	vmul.f32 v31, v22;
	v31 =	vmul.f32 v55, v43;
	_ =	sdelay $0x1  }
0xc4: {  	v22 =	vsub.f32 v38, v22;
	v31 =	vmul.f32 v31, v55;
	_ =	sdelay $0x1  }
0xc5: {  	v17 =	vmul.f32 v22, v17;
	v22 =	vmul.f32 v26, v24;
	v31 =	vsub.f32 $1.500000000e+00, v31;
	_ =	sdelay $0x1  }
0xc6: {  	v22 =	vsub.f32 v22, v17;
	v31 =	vmul.f32 v31, v55;
	_ =	sdelay $0x1  }
0xc7: {  	vm2 =	vgt.f32 v4, $9.999999970e-07;
	v22 =	vmul.f32 v22, v31  }
0xc8: {  	vm1 =	vmand vm7, vm2  }
0xc9: {  	v22 =	vsel vm1, v22, v26  }
0xca: {  	v56 =	vand.u32 $0x7FFFFFFF, v22  }
0xcb: {  	vm8 =	vgt.f32 v56, $9.999999970e-07  }
0xcc: {  	v35 =	vnsel vm8, $0x3F800000, v22  }
0xcd: {  	(erf) = vrcp.f32 v35;
	_ =	sdelay $0x2  }
0xce: {  	v4 =	vmul.f32 v4, v26  }
0xcf: {  	v57 =	vmul.f32 v1, v24;
	v10 =	vmul.f32 v17, v10  }
0xd0: {  	v4 =	vadd.f32 v4, v2;
	v13 =	vmul.f32 v17, v13;
	v26 =	vmul.f32 v0, v24;
	_ =	sdelay $0x1  }
0xd1: {  	v2 =	vsel vm1, v4, v2;
	v13 =	vsub.f32 v57, v13;
	v10 =	vsub.f32 v26, v10  }
0xd2: {  	v4 =	vsub.f32 v18, v2  }
0xd3: {  	v13 =	vmul.f32 v13, v31;
	v10 =	vmul.f32 v10, v31;
	v17 =	vpop (erf)  }
0xd4: {  	v4 =	vmul.f32 v17, v4  }
0xd5: {  	v1 =	vsel vm1, v13, v1;
	v0 =	vsel vm1, v10, v0  }
0xd6: {  	v10 =	vmul.f32 v4, v0;
	v13 =	vmul.f32 v4, v1  }
0xd7: {  	v3 =	vsel vm1, v3, v5;
	v60 =	vsel vm1, v7, v6  }
0xd8: {  	v6 =	vadd.f32 v10, v3;
	v7 =	vadd.f32 v13, v60;
	_ =	sdelay $0x1  }
0xd9: {  	v10 =	vmul.f32 v6, v21;
	v13 =	vmul.f32 v7, v21;
	_ =	sdelay $0x1  }
0xda: {  	v17 =	vmul.f32 v10, v10;
	v26 =	vmul.f32 v13, v13;
	_ =	sdelay $0x1  }
0xdb: {  	v17 =	vadd.f32 v26, v17;
	_ =	sdelay $0x1  }
0xdc: {  	v17 =	vadd.f32 $1.000000000e+00, v17;
	_ =	sdelay $0x1  }
0xdd: {  	v26 =	vshrl.u32 v17, $0x1;
	v17 =	vmul.f32 $5.000000000e-01, v17  }
0xde: {  	v26 =	vsub.s32 $0x5F3759DF, v26  }
0xdf: {  	v31 =	vmul.f32 v26, v17;
	_ =	sdelay $0x1  }
0xe0: {  	v31 =	vmul.f32 v26, v31;
	_ =	sdelay $0x1  }
0xe1: {  	v31 =	vsub.f32 $1.500000000e+00, v31;
	_ =	sdelay $0x1  }
0xe2: {  	v26 =	vmul.f32 v26, v31;
	_ =	sdelay $0x1  }
0xe3: {  	v17 =	vmul.f32 v26, v17  }
0xe4: {  	v61 =	vmul.f32 v13, v1  }
0xe5: {  	v31 =	vmul.f32 v10, v0;
	v17 =	vmul.f32 v17, v26;
	_ =	sdelay $0x1  }
0xe6: {  	v31 =	vadd.f32 v61, v31;
	v17 =	vsub.f32 $1.500000000e+00, v17;
	_ =	sdelay $0x1  }
0xe7: {  	v17 =	vmul.f32 v17, v26;
	v26 =	vadd.f32 v31, v22;
	_ =	sdelay $0x1  }
0xe8: {  	v26 =	vmul.f32 v17, v26;
	_ =	sdelay $0x1  }
0xe9: {  	v26 =	vmax.f32 v26, $-1.000000000e+00  }
0xea: {  	v12 =	vmin.f32 v26, $1.000000000e+00  }
0xeb: {  	v26 =	vmul.f32 v12, v12;
	_ =	sdelay $0x1  }
0xec: {  	v26 =	vsub.f32 $1.000000000e+00, v26;
	_ =	sdelay $0x1  }
0xed: {  	v26 =	vmax.f32 v26, $0.0e+00  }
0xee: {  	v26 =	vmul.f32 v26, v28;
	_ =	sdelay $0x1  }
0xef: {  	v26 =	vsub.f32 $1.000000000e+00, v26;
	_ =	sdelay $0x1  }
0xf0: {  	v26 =	vmax.f32 v26, $9.999999930e-09  }
0xf1: {  	v38 =	vmul.f32 v12, v20;
	v31 =	vshrl.u32 v26, $0x1;
	v63 =	vmul.f32 $5.000000000e-01, v26  }
0xf2: {  	v31 =	vsub.s32 $0x5F3759DF, v31  }
0xf3: {  	v53 =	vmul.f32 v38, v38;
	v51 =	vmul.f32 v31, v63;
	_ =	sdelay $0x1  }
0xf4: {  	v44 =	vsub.f32 v28, v53;
	v43 =	vmul.f32 v31, v51;
	_ =	sdelay $0x1  }
0xf5: {  	v44 =	vadd.f32 v26, v44;
	v43 =	vsub.f32 $1.500000000e+00, v43;
	_ =	sdelay $0x1  }
0xf6: {  	v54 =	vshrl.u32 v44, $0x1;
	v44 =	vmul.f32 $5.000000000e-01, v44;
	v31 =	vmul.f32 v31, v43  }
0xf7: {  	v43 =	vsub.s32 $0x5F3759DF, v54  }
0xf8: {  	v45 =	vmul.f32 v43, v44;
	v35 =	vmul.f32 v31, v63;
	_ =	sdelay $0x1  }
0xf9: {  	v45 =	vmul.f32 v43, v45;
	v35 =	vmul.f32 v35, v31;
	_ =	sdelay $0x1  }
0xfa: {  	v45 =	vsub.f32 $1.500000000e+00, v45;
	v35 =	vsub.f32 $1.500000000e+00, v35;
	_ =	sdelay $0x1  }
0xfb: {  	v55 =	vmul.f32 v43, v45;
	v31 =	vmul.f32 v35, v31;
	_ =	sdelay $0x1  }
0xfc: {  	v26 =	vmul.f32 v31, v26;
	v31 =	vmul.f32 v55, v44;
	_ =	sdelay $0x1  }
0xfd: {  	v26 =	vsub.f32 v38, v26;
	v31 =	vmul.f32 v31, v55;
	_ =	sdelay $0x1  }
0xfe: {  	v17 =	vmul.f32 v26, v17;
	v26 =	vmul.f32 v22, v20;
	v31 =	vsub.f32 $1.500000000e+00, v31;
	_ =	sdelay $0x1  }
0xff: {  	v26 =	vsub.f32 v26, v17;
	v31 =	vmul.f32 v31, v55;
	_ =	sdelay $0x1  }
0x100: {  	vm3 =	vgt.f32 v4, $9.999999970e-07;
	v26 =	vmul.f32 v26, v31  }
0x101: {  	vm2 =	vmand vm8, vm3  }
0x102: {  	v26 =	vsel vm2, v26, v22  }
0x103: {  	v56 =	vand.u32 $0x7FFFFFFF, v26  }
0x104: {  	vm9 =	vgt.f32 v56, $9.999999970e-07  }
0x105: {  	v35 =	vnsel vm9, $0x3F800000, v26  }
0x106: {  	(erf) = vrcp.f32 v35;
	_ =	sdelay $0x2  }
0x107: {  	v4 =	vmul.f32 v4, v22  }
0x108: {  	v57 =	vmul.f32 v1, v20;
	v10 =	vmul.f32 v17, v10  }
0x109: {  	v4 =	vadd.f32 v4, v2;
	v13 =	vmul.f32 v17, v13;
	v22 =	vmul.f32 v0, v20;
	_ =	sdelay $0x1  }
0x10a: {  	v2 =	vsel vm2, v4, v2;
	v13 =	vsub.f32 v57, v13;
	v10 =	vsub.f32 v22, v10  }
0x10b: {  	v4 =	vsub.f32 v62, v2  }
0x10c: {  	v13 =	vmul.f32 v13, v31;
	v10 =	vmul.f32 v10, v31;
	v17 =	vpop (erf)  }
0x10d: {  	v4 =	vmul.f32 v17, v4  }
0x10e: {  	v1 =	vsel vm2, v13, v1;
	v0 =	vsel vm2, v10, v0  }
0x10f: {  	v10 =	vmul.f32 v4, v0;
	v13 =	vmul.f32 v4, v1  }
0x110: {  	v3 =	vsel vm2, v6, v3;
	v5 =	vsel vm2, v7, v60  }
0x111: {  	v6 =	vadd.f32 v10, v3;
	v7 =	vadd.f32 v13, v5;
	_ =	sdelay $0x1  }
0x112: {  	v10 =	vmul.f32 v6, v30;
	v13 =	vmul.f32 v7, v30;
	_ =	sdelay $0x1  }
0x113: {  	v17 =	vmul.f32 v10, v10;
	v22 =	vmul.f32 v13, v13;
	_ =	sdelay $0x1  }
0x114: {  	v17 =	vadd.f32 v22, v17;
	_ =	sdelay $0x1  }
0x115: {  	v17 =	vadd.f32 $1.000000000e+00, v17;
	_ =	sdelay $0x1  }
0x116: {  	v22 =	vshrl.u32 v17, $0x1;
	v17 =	vmul.f32 $5.000000000e-01, v17  }
0x117: {  	v22 =	vsub.s32 $0x5F3759DF, v22  }
0x118: {  	v31 =	vmul.f32 v22, v17;
	_ =	sdelay $0x1  }
0x119: {  	v31 =	vmul.f32 v22, v31;
	_ =	sdelay $0x1  }
0x11a: {  	v31 =	vsub.f32 $1.500000000e+00, v31;
	_ =	sdelay $0x1  }
0x11b: {  	v22 =	vmul.f32 v22, v31;
	_ =	sdelay $0x1  }
0x11c: {  	v17 =	vmul.f32 v22, v17  }
0x11d: {  	v60 =	vmul.f32 v13, v1  }
0x11e: {  	v31 =	vmul.f32 v10, v0;
	v17 =	vmul.f32 v17, v22;
	_ =	sdelay $0x1  }
0x11f: {  	v31 =	vadd.f32 v60, v31;
	v17 =	vsub.f32 $1.500000000e+00, v17;
	_ =	sdelay $0x1  }
0x120: {  	v17 =	vmul.f32 v17, v22;
	v22 =	vadd.f32 v31, v26;
	_ =	sdelay $0x1  }
0x121: {  	v22 =	vmul.f32 v17, v22;
	_ =	sdelay $0x1  }
0x122: {  	v22 =	vmax.f32 v22, $-1.000000000e+00  }
0x123: {  	v42 =	vmin.f32 v22, $1.000000000e+00  }
0x124: {  	v22 =	vmul.f32 v42, v42;
	_ =	sdelay $0x1  }
0x125: {  	v22 =	vsub.f32 $1.000000000e+00, v22;
	_ =	sdelay $0x1  }
0x126: {  	v22 =	vmax.f32 v22, $0.0e+00  }
0x127: {  	v22 =	vmul.f32 v22, v36;
	_ =	sdelay $0x1  }
0x128: {  	v22 =	vsub.f32 $1.000000000e+00, v22;
	_ =	sdelay $0x1  }
0x129: {  	v22 =	vmax.f32 v22, $9.999999930e-09  }
0x12a: {  	v63 =	vmul.f32 v42, v25;
	v31 =	vshrl.u32 v22, $0x1;
	v61 =	vmul.f32 $5.000000000e-01, v22  }
0x12b: {  	v31 =	vsub.s32 $0x5F3759DF, v31  }
0x12c: {  	v41 =	vmul.f32 v63, v63;
	v38 =	vmul.f32 v31, v61;
	_ =	sdelay $0x1  }
0x12d: {  	v45 =	vsub.f32 v36, v41;
	v44 =	vmul.f32 v31, v38;
	_ =	sdelay $0x1  }
0x12e: {  	v45 =	vadd.f32 v22, v45;
	v44 =	vsub.f32 $1.500000000e+00, v44;
	_ =	sdelay $0x1  }
0x12f: {  	v51 =	vshrl.u32 v45, $0x1;
	v45 =	vmul.f32 $5.000000000e-01, v45;
	v31 =	vmul.f32 v31, v44  }
0x130: {  	v44 =	vsub.s32 $0x5F3759DF, v51  }
0x131: {  	v46 =	vmul.f32 v44, v45;
	v35 =	vmul.f32 v31, v61;
	_ =	sdelay $0x1  }
0x132: {  	v46 =	vmul.f32 v44, v46;
	v35 =	vmul.f32 v35, v31;
	_ =	sdelay $0x1  }
0x133: {  	v46 =	vsub.f32 $1.500000000e+00, v46;
	v35 =	vsub.f32 $1.500000000e+00, v35;
	_ =	sdelay $0x1  }
0x134: {  	v53 =	vmul.f32 v44, v46;
	v31 =	vmul.f32 v35, v31;
	_ =	sdelay $0x1  }
0x135: {  	v22 =	vmul.f32 v31, v22;
	v31 =	vmul.f32 v53, v45;
	_ =	sdelay $0x1  }
0x136: {  	v22 =	vsub.f32 v63, v22;
	v31 =	vmul.f32 v31, v53;
	_ =	sdelay $0x1  }
0x137: {  	v17 =	vmul.f32 v22, v17;
	v22 =	vmul.f32 v26, v25;
	v31 =	vsub.f32 $1.500000000e+00, v31;
	_ =	sdelay $0x1  }
0x138: {  	v22 =	vsub.f32 v22, v17;
	v31 =	vmul.f32 v31, v53;
	_ =	sdelay $0x1  }
0x139: {  	vm4 =	vgt.f32 v4, $9.999999970e-07;
	v22 =	vmul.f32 v22, v31  }
0x13a: {  	vm3 =	vmand vm9, vm4  }
0x13b: {  	v22 =	vsel vm3, v22, v26  }
0x13c: {  	v54 =	vand.u32 $0x7FFFFFFF, v22  }
0x13d: {  	vm10 =	vgt.f32 v54, $9.999999970e-07  }
0x13e: {  	v35 =	vnsel vm10, $0x3F800000, v22  }
0x13f: {  	(erf) = vrcp.f32 v35;
	_ =	sdelay $0x2  }
0x140: {  	v4 =	vmul.f32 v4, v26  }
0x141: {  	v55 =	vmul.f32 v1, v25;
	v10 =	vmul.f32 v17, v10  }
0x142: {  	v4 =	vadd.f32 v4, v2;
	v13 =	vmul.f32 v17, v13;
	v26 =	vmul.f32 v0, v25;
	_ =	sdelay $0x1  }
0x143: {  	v2 =	vsel vm3, v4, v2;
	v13 =	vsub.f32 v55, v13;
	v10 =	vsub.f32 v26, v10  }
0x144: {  	v4 =	vsub.f32 v52, v2  }
0x145: {  	v13 =	vmul.f32 v13, v31;
	v10 =	vmul.f32 v10, v31;
	v17 =	vpop (erf)  }
0x146: {  	v4 =	vmul.f32 v17, v4  }
0x147: {  	v1 =	vsel vm3, v13, v1;
	v0 =	vsel vm3, v10, v0  }
0x148: {  	v10 =	vmul.f32 v4, v0;
	v13 =	vmul.f32 v4, v1  }
0x149: {  	v3 =	vsel vm3, v6, v3;
	v5 =	vsel vm3, v7, v5  }
0x14a: {  	v6 =	vadd.f32 v10, v3;
	v7 =	vadd.f32 v13, v5;
	_ =	sdelay $0x1  }
0x14b: {  	v10 =	vmul.f32 v6, v33;
	v13 =	vmul.f32 v7, v33;
	_ =	sdelay $0x1  }
0x14c: {  	v17 =	vmul.f32 v10, v10;
	v26 =	vmul.f32 v13, v13;
	_ =	sdelay $0x1  }
0x14d: {  	v17 =	vadd.f32 v26, v17;
	_ =	sdelay $0x1  }
0x14e: {  	v17 =	vadd.f32 $1.000000000e+00, v17;
	_ =	sdelay $0x1  }
0x14f: {  	v26 =	vshrl.u32 v17, $0x1;
	v17 =	vmul.f32 $5.000000000e-01, v17  }
0x150: {  	v26 =	vsub.s32 $0x5F3759DF, v26  }
0x151: {  	v31 =	vmul.f32 v26, v17;
	_ =	sdelay $0x1  }
0x152: {  	v31 =	vmul.f32 v26, v31;
	_ =	sdelay $0x1  }
0x153: {  	v31 =	vsub.f32 $1.500000000e+00, v31;
	_ =	sdelay $0x1  }
0x154: {  	v26 =	vmul.f32 v26, v31;
	_ =	sdelay $0x1  }
0x155: {  	v17 =	vmul.f32 v26, v17  }
0x156: {  	v56 =	vmul.f32 v13, v1  }
0x157: {  	v31 =	vmul.f32 v10, v0;
	v17 =	vmul.f32 v17, v26;
	_ =	sdelay $0x1  }
0x158: {  	v31 =	vadd.f32 v56, v31;
	v17 =	vsub.f32 $1.500000000e+00, v17;
	_ =	sdelay $0x1  }
0x159: {  	v17 =	vmul.f32 v17, v26;
	v26 =	vadd.f32 v31, v22;
	_ =	sdelay $0x1  }
0x15a: {  	v26 =	vmul.f32 v17, v26;
	_ =	sdelay $0x1  }
0x15b: {  	v26 =	vmax.f32 v26, $-1.000000000e+00  }
0x15c: {  	v43 =	vmin.f32 v26, $1.000000000e+00  }
0x15d: {  	v26 =	vmul.f32 v43, v43;
	_ =	sdelay $0x1  }
0x15e: {  	v26 =	vsub.f32 $1.000000000e+00, v26;
	_ =	sdelay $0x1  }
0x15f: {  	v26 =	vmax.f32 v26, $0.0e+00  }
0x160: {  	v26 =	vmul.f32 v26, v47;
	_ =	sdelay $0x1  }
0x161: {  	v26 =	vsub.f32 $1.000000000e+00, v26;
	_ =	sdelay $0x1  }
0x162: {  	v26 =	vmax.f32 v26, $9.999999930e-09  }
0x163: {  	v60 =	vmul.f32 v43, v29;
	v31 =	vshrl.u32 v26, $0x1;
	v57 =	vmul.f32 $5.000000000e-01, v26  }
0x164: {  	v31 =	vsub.s32 $0x5F3759DF, v31  }
0x165: {  	v63 =	vmul.f32 v60, v60;
	v61 =	vmul.f32 v31, v57;
	_ =	sdelay $0x1  }
0x166: {  	v46 =	vsub.f32 v47, v63;
	v45 =	vmul.f32 v31, v61;
	_ =	sdelay $0x1  }
0x167: {  	v46 =	vadd.f32 v26, v46;
	v45 =	vsub.f32 $1.500000000e+00, v45;
	_ =	sdelay $0x1  }
0x168: {  	v38 =	vshrl.u32 v46, $0x1;
	v46 =	vmul.f32 $5.000000000e-01, v46;
	v31 =	vmul.f32 v31, v45  }
0x169: {  	v45 =	vsub.s32 $0x5F3759DF, v38  }
0x16a: {  	v41 =	vmul.f32 v45, v46;
	v35 =	vmul.f32 v31, v57;
	_ =	sdelay $0x1  }
0x16b: {  	v47 =	vmul.f32 v45, v41;
	v35 =	vmul.f32 v35, v31;
	_ =	sdelay $0x1  }
0x16c: {  	v47 =	vsub.f32 $1.500000000e+00, v47;
	v35 =	vsub.f32 $1.500000000e+00, v35;
	_ =	sdelay $0x1  }
0x16d: {  	v45 =	vmul.f32 v45, v47;
	v31 =	vmul.f32 v35, v31;
	_ =	sdelay $0x1  }
0x16e: {  	v26 =	vmul.f32 v31, v26;
	v31 =	vmul.f32 v45, v46;
	_ =	sdelay $0x1  }
0x16f: {  	v26 =	vsub.f32 v60, v26;
	v31 =	vmul.f32 v31, v45;
	_ =	sdelay $0x1  }
0x170: {  	v17 =	vmul.f32 v26, v17;
	v26 =	vmul.f32 v22, v29;
	v31 =	vsub.f32 $1.500000000e+00, v31;
	_ =	sdelay $0x1  }
0x171: {  	v26 =	vsub.f32 v26, v17;
	v31 =	vmul.f32 v31, v45;
	_ =	sdelay $0x1  }
0x172: {  	vm5 =	vgt.f32 v4, $9.999999970e-07;
	v26 =	vmul.f32 v26, v31  }
0x173: {  	vm4 =	vmand vm10, vm5  }
0x174: {  	v26 =	vsel vm4, v26, v22  }
0x175: {  	v47 =	vand.u32 $0x7FFFFFFF, v26  }
0x176: {  	vm11 =	vgt.f32 v47, $9.999999970e-07  }
0x177: {  	v35 =	vnsel vm11, $0x3F800000, v26  }
0x178: {  	(erf) = vrcp.f32 v35;
	_ =	sdelay $0x2  }
0x179: {  	v4 =	vmul.f32 v4, v22  }
0x17a: {  	v51 =	vmul.f32 v1, v29;
	v10 =	vmul.f32 v17, v10  }
0x17b: {  	v4 =	vadd.f32 v4, v2;
	v13 =	vmul.f32 v17, v13;
	v22 =	vmul.f32 v0, v29;
	_ =	sdelay $0x1  }
0x17c: {  	v2 =	vsel vm4, v4, v2;
	v13 =	vsub.f32 v51, v13;
	v10 =	vsub.f32 v22, v10  }
0x17d: {  	v4 =	vsub.f32 v15, v2  }
0x17e: {  	v13 =	vmul.f32 v13, v31;
	v10 =	vmul.f32 v10, v31;
	v17 =	vpop (erf)  }
0x17f: {  	v4 =	vmul.f32 v17, v4  }
0x180: {  	v1 =	vsel vm4, v13, v1;
	v0 =	vsel vm4, v10, v0  }
0x181: {  	v10 =	vmul.f32 v4, v0;
	v13 =	vmul.f32 v4, v1  }
0x182: {  	v3 =	vsel vm4, v6, v3;
	v5 =	vsel vm4, v7, v5  }
0x183: {  	v6 =	vadd.f32 v10, v3;
	v7 =	vadd.f32 v13, v5;
	_ =	sdelay $0x1  }
0x184: {  	v10 =	vmul.f32 v6, v48;
	v13 =	vmul.f32 v7, v48;
	_ =	sdelay $0x1  }
0x185: {  	v17 =	vmul.f32 v10, v10;
	v22 =	vmul.f32 v13, v13;
	_ =	sdelay $0x1  }
0x186: {  	v17 =	vadd.f32 v22, v17;
	_ =	sdelay $0x1  }
0x187: {  	v17 =	vadd.f32 $1.000000000e+00, v17;
	_ =	sdelay $0x1  }
0x188: {  	v22 =	vshrl.u32 v17, $0x1;
	v17 =	vmul.f32 $5.000000000e-01, v17  }
0x189: {  	v22 =	vsub.s32 $0x5F3759DF, v22  }
0x18a: {  	v31 =	vmul.f32 v22, v17;
	_ =	sdelay $0x1  }
0x18b: {  	v31 =	vmul.f32 v22, v31;
	_ =	sdelay $0x1  }
0x18c: {  	v31 =	vsub.f32 $1.500000000e+00, v31;
	_ =	sdelay $0x1  }
0x18d: {  	v22 =	vmul.f32 v22, v31;
	_ =	sdelay $0x1  }
0x18e: {  	v17 =	vmul.f32 v22, v17  }
0x18f: {  	v53 =	vmul.f32 v13, v1  }
0x190: {  	v31 =	vmul.f32 v10, v0;
	v17 =	vmul.f32 v17, v22;
	_ =	sdelay $0x1  }
0x191: {  	v31 =	vadd.f32 v53, v31;
	v17 =	vsub.f32 $1.500000000e+00, v17;
	_ =	sdelay $0x1  }
0x192: {  	v17 =	vmul.f32 v17, v22;
	v22 =	vadd.f32 v31, v26;
	_ =	sdelay $0x1  }
0x193: {  	v22 =	vmul.f32 v17, v22;
	_ =	sdelay $0x1  }
0x194: {  	v22 =	vmax.f32 v22, $-1.000000000e+00  }
0x195: {  	v45 =	vmin.f32 v22, $1.000000000e+00  }
0x196: {  	v22 =	vmul.f32 v45, v45;
	_ =	sdelay $0x1  }
0x197: {  	v22 =	vsub.f32 $1.000000000e+00, v22;
	_ =	sdelay $0x1  }
0x198: {  	v22 =	vmax.f32 v22, $0.0e+00  }
0x199: {  	v22 =	vmul.f32 v22, v49;
	_ =	sdelay $0x1  }
0x19a: {  	v22 =	vsub.f32 $1.000000000e+00, v22;
	_ =	sdelay $0x1  }
0x19b: {  	v22 =	vmax.f32 v22, $9.999999930e-09  }
0x19c: {  	v55 =	vmul.f32 v45, v34;
	v31 =	vshrl.u32 v22, $0x1;
	v54 =	vmul.f32 $5.000000000e-01, v22  }
0x19d: {  	v31 =	vsub.s32 $0x5F3759DF, v31  }
0x19e: {  	v57 =	vmul.f32 v55, v55;
	v56 =	vmul.f32 v31, v54;
	_ =	sdelay $0x1  }
0x19f: {  	v47 =	vsub.f32 v49, v57;
	v46 =	vmul.f32 v31, v56;
	_ =	sdelay $0x1  }
0x1a0: {  	v47 =	vadd.f32 v22, v47;
	v46 =	vsub.f32 $1.500000000e+00, v46;
	_ =	sdelay $0x1  }
0x1a1: {  	v60 =	vshrl.u32 v47, $0x1;
	v47 =	vmul.f32 $5.000000000e-01, v47;
	v31 =	vmul.f32 v31, v46  }
0x1a2: {  	v46 =	vsub.s32 $0x5F3759DF, v60  }
0x1a3: {  	v61 =	vmul.f32 v46, v47;
	v35 =	vmul.f32 v31, v54;
	_ =	sdelay $0x1  }
0x1a4: {  	v48 =	vmul.f32 v46, v61;
	v35 =	vmul.f32 v35, v31;
	_ =	sdelay $0x1  }
0x1a5: {  	v48 =	vsub.f32 $1.500000000e+00, v48;
	v35 =	vsub.f32 $1.500000000e+00, v35;
	_ =	sdelay $0x1  }
0x1a6: {  	v63 =	vmul.f32 v46, v48;
	v31 =	vmul.f32 v35, v31;
	_ =	sdelay $0x1  }
0x1a7: {  	v22 =	vmul.f32 v31, v22;
	v31 =	vmul.f32 v63, v47;
	_ =	sdelay $0x1  }
0x1a8: {  	v22 =	vsub.f32 v55, v22;
	v31 =	vmul.f32 v31, v63;
	_ =	sdelay $0x1  }
0x1a9: {  	v17 =	vmul.f32 v22, v17;
	v22 =	vmul.f32 v26, v34;
	v31 =	vsub.f32 $1.500000000e+00, v31;
	_ =	sdelay $0x1  }
0x1aa: {  	v22 =	vsub.f32 v22, v17;
	v31 =	vmul.f32 v31, v63;
	_ =	sdelay $0x1  }
0x1ab: {  	vm6 =	vgt.f32 v4, $9.999999970e-07;
	v22 =	vmul.f32 v22, v31  }
0x1ac: {  	vm5 =	vmand vm11, vm6  }
0x1ad: {  	v53 =	vsel vm5, v22, v26  }
0x1ae: {  	v22 =	vand.u32 $0x7FFFFFFF, v53  }
0x1af: {  	vm12 =	vgt.f32 v22, $9.999999970e-07  }
0x1b0: {  	v22 =	vnsel vm12, $0x3F800000, v53  }
0x1b1: {  	(erf) = vrcp.f32 v22;
	_ =	sdelay $0x1  }
0x1b2: {  	v4 =	vmul.f32 v4, v26  }
0x1b3: {  	v13 =	vmul.f32 v17, v13;
	v26 =	vmul.f32 v1, v34  }
0x1b4: {  	v4 =	vadd.f32 v4, v2  }
0x1b5: {  	v10 =	vmul.f32 v17, v10;
	v13 =	vsub.f32 v26, v13;
	v22 =	vmul.f32 v0, v34;
	_ =	sdelay $0x1  }
0x1b6: {  	v54 =	vsel vm5, v4, v2;
	v10 =	vsub.f32 v22, v10  }
0x1b7: {  	v2 =	vsub.f32 v50, v54  }
0x1b8: {  	v35 =	vmul.f32 v10, v31;
	v10 =	vmul.f32 v13, v31;
	v13 =	vpop (erf)  }
0x1b9: {  	v55 =	vmul.f32 v13, v2  }
0x1ba: {  	v51 =	vsel vm5, v35, v0;
	v49 =	vsel vm5, v10, v1  }
0x1bb: {  	v0 =	vmul.f32 v55, v51;
	v1 =	vmul.f32 v55, v49  }
0x1bc: {  	v48 =	vsel vm5, v6, v3;
	v47 =	vsel vm5, v7, v5  }
0x1bd: {  	v41 =	vadd.f32 v0, v48;
	v50 =	vadd.f32 v1, v47;
	_ =	sdelay $0x1  }
0x1be: {  	v57 =	vmul.f32 v41, v37;
	v56 =	vmul.f32 v50, v37;
	_ =	sdelay $0x1  }
0x1bf: {  	v38 =	vmul.f32 v57, v57;
	v44 =	vmul.f32 v56, v56;
	_ =	sdelay $0x1  }
0x1c0: {  	v0 =	vadd.f32 v44, v38;
	_ =	sdelay $0x1  }
0x1c1: {  	v0 =	vadd.f32 $1.000000000e+00, v0;
	_ =	sdelay $0x1  }
0x1c2: {  	v46 =	vshrl.u32 v0, $0x1;
	v0 =	vmul.f32 $5.000000000e-01, v0  }
0x1c3: {  	v1 =	vsub.s32 $0x5F3759DF, v46  }
0x1c4: {  	v60 =	vmul.f32 v1, v0;
	_ =	sdelay $0x1  }
0x1c5: {  	v2 =	vmul.f32 v1, v60;
	_ =	sdelay $0x1  }
0x1c6: {  	v2 =	vsub.f32 $1.500000000e+00, v2;
	_ =	sdelay $0x1  }
0x1c7: {  	v1 =	vmul.f32 v1, v2;
	_ =	sdelay $0x1  }
0x1c8: {  	v0 =	vmul.f32 v1, v0  }
0x1c9: {  	v61 =	vmul.f32 v57, v51  }
0x1ca: {  	v63 =	vmul.f32 v56, v49;
	v0 =	vmul.f32 v0, v1;
	_ =	sdelay $0x1  }
0x1cb: {  	v2 =	vadd.f32 v63, v61;
	v0 =	vsub.f32 $1.500000000e+00, v0;
	_ =	sdelay $0x1  }
0x1cc: {  	v35 =	vadd.f32 v2, v53;
	v0 =	vmul.f32 v0, v1;
	_ =	sdelay $0x1  }
0x1cd: {  	v1 =	vmul.f32 v0, v35;
	_ =	sdelay $0x1  }
0x1ce: {  	v1 =	vmax.f32 v1, $-1.000000000e+00  }
0x1cf: {  	v46 =	vmin.f32 v1, $1.000000000e+00  }
0x1d0: {  	v1 =	vmul.f32 v46, v46;
	_ =	sdelay $0x1  }
0x1d1: {  	v1 =	vsub.f32 $1.000000000e+00, v1;
	_ =	sdelay $0x1  }
0x1d2: {  	v1 =	vmax.f32 v1, $0.0e+00  }
0x1d3: {  	v1 =	vmul.f32 v1, v58;
	_ =	sdelay $0x1  }
0x1d4: {  	v1 =	vsub.f32 $1.000000000e+00, v1;
	_ =	sdelay $0x1  }
0x1d5: {  	v5 =	vld [tilespmem:s28+$0x0];
	v1 =	vmax.f32 v1, $9.999999930e-09  }
0x1d6: {  	v2 =	vld [tilespmem:s26+$0x0];
	v38 =	vshrl.u32 v1, $0x1;
	v44 =	vmul.f32 $5.000000000e-01, v1  }
0x1d7: {  	v6 =	vmul.f32 v46, v59;
	v3 =	vsub.s32 $0x5F3759DF, v38  }
0x1d8: {  	v10 =	vld [tilespmem:s29+$0x0];
	v7 =	vmul.f32 v3, v44  }
0x1d9: {  	v13 =	vmul.f32 v6, v6  }
0x1da: {  	v7 =	vmul.f32 v3, v7  }
0x1db: {  	v22 =	vmul.f32 v5, v5;
	v17 =	vmul.f32 v2, v2;
	v13 =	vsub.f32 v58, v13  }
0x1dc: {  	v7 =	vsub.f32 $1.500000000e+00, v7  }
0x1dd: {  	v17 =	vadd.f32 v22, v17;
	v22 =	vmul.f32 v10, v10;
	v13 =	vadd.f32 v1, v13  }
0x1de: {  	v3 =	vmul.f32 v3, v7  }
0x1df: {  	v17 =	vadd.f32 v22, v17;
	v7 =	vshrl.u32 v13, $0x1;
	v13 =	vmul.f32 $5.000000000e-01, v13  }
0x1e0: {  	v7 =	vsub.s32 $0x5F3759DF, v7;
	v4 =	vmul.f32 v3, v44  }
0x1e1: {  	v26 =	vshrl.u32 v17, $0x1;
	v17 =	vmul.f32 $5.000000000e-01, v17;
	v22 =	vmul.f32 v7, v13  }
0x1e2: {  	v26 =	vsub.s32 $0x5F3759DF, v26;
	v4 =	vmul.f32 v4, v3  }
0x1e3: {  	v31 =	vmul.f32 v26, v17;
	v22 =	vmul.f32 v7, v22  }
0x1e4: {  	v4 =	vsub.f32 $1.500000000e+00, v4  }
0x1e5: {  	v31 =	vmul.f32 v26, v31;
	v22 =	vsub.f32 $1.500000000e+00, v22  }
0x1e6: {  	v3 =	vmul.f32 v4, v3  }
0x1e7: {  	v58 =	vmul.f32 v7, v22;
	v7 =	vsub.f32 $1.500000000e+00, v31  }
0x1e8: {  	v1 =	vmul.f32 v3, v1  }
0x1e9: {  	v63 =	vmul.f32 v58, v13;
	v7 =	vmul.f32 v26, v7;
	_ =	sdelay $0x1  }
0x1ea: {  	v1 =	vsub.f32 v6, v1;
	v3 =	vmul.f32 v63, v58;
	v6 =	vmul.f32 v7, v17  }
0x1eb: {  	v35 =	vmul.f32 v53, v59  }
0x1ec: {  	v61 =	vmul.f32 v1, v0;
	v38 =	vsub.f32 $1.500000000e+00, v3;
	v44 =	vmul.f32 v6, v7;
	_ =	sdelay $0x1  }
0x1ed: {  	v0 =	vsub.f32 v35, v61;
	v60 =	vmul.f32 v38, v58;
	v58 =	vsub.f32 $1.500000000e+00, v44;
	_ =	sdelay $0x1  }
0x1ee: {  	vm7 =	vgt.f32 v55, $9.999999970e-07;
	v0 =	vmul.f32 v0, v60;
	v1 =	vmul.f32 v58, v7  }
0x1ef: {  	vm7 =	vmand vm12, vm7  }
0x1f0: {  	v44 =	vsel vm7, v0, v53;
	v0 =	vmul.f32 v1, v10  }
0x1f1: {  	v63 =	vand.u32 $0x7FFFFFFF, v44  }
0x1f2: {  	vm6 =	vgt.f32 v63, $9.999999970e-07;
	v35 =	vand.u32 $0x7FFFFFFF, v0  }
0x1f3: {  	v38 =	vnsel vm6, $0x3F800000, v44;
	vm8 =	vgt.f32 v35, $9.999999970e-07  }
0x1f4: {  	(erf) = vrcp.f32 v38;
	v3 =	vnsel vm8, $0x3F800000, v0  }
0x1f5: {  	(erf) = vrcp.f32 v3;
	_ =	sdelay $0x2  }
0x1f6: {  	v3 =	vld [tilespmem:s25+$0x0];
	_ =	sdelay $0x4  }
0x1f7: {  	v7 =	vld [tilespmem:s24+$0x0];
	v6 =	vsub.f32 v8, v3;
	v4 =	vpop (erf)  }
0x1f8: {  	v2 =	vmul.f32 v1, v2;
	[tilespmem:$0x1FE50] =	vst v4;
	v4 =	vld [tilespmem:s23+$0x0];
	v10 =	vpop (erf)  }
0x1f9: {  	v1 =	vmul.f32 v1, v5;
	v5 =	vmul.f32 v10, v6;
	_ =	sdelay $0x1  }
0x1fa: {  	v6 =	vmul.f32 v5, v2;
	v10 =	vmul.f32 v5, v1;
	_ =	sdelay $0x1  }
0x1fb: {  	v6 =	vadd.f32 v6, v4;
	v10 =	vadd.f32 v10, v7;
	_ =	sdelay $0x1  }
0x1fc: {  	v13 =	vmul.f32 v6, v11;
	v17 =	vmul.f32 v10, v11;
	_ =	sdelay $0x1  }
0x1fd: {  	v22 =	vmul.f32 v13, v13;
	v26 =	vmul.f32 v17, v17;
	_ =	sdelay $0x1  }
0x1fe: {  	v22 =	vadd.f32 v26, v22;
	_ =	sdelay $0x1  }
0x1ff: {  	v22 =	vadd.f32 $1.000000000e+00, v22;
	_ =	sdelay $0x1  }
0x200: {  	v26 =	vshrl.u32 v22, $0x1;
	v22 =	vmul.f32 $5.000000000e-01, v22  }
0x201: {  	v26 =	vsub.s32 $0x5F3759DF, v26  }
0x202: {  	v31 =	vmul.f32 v26, v22;
	_ =	sdelay $0x1  }
0x203: {  	v31 =	vmul.f32 v26, v31;
	_ =	sdelay $0x1  }
0x204: {  	v31 =	vsub.f32 $1.500000000e+00, v31;
	_ =	sdelay $0x1  }
0x205: {  	v26 =	vmul.f32 v26, v31;
	_ =	sdelay $0x1  }
0x206: {  	v22 =	vmul.f32 v26, v22  }
0x207: {  	v58 =	vmul.f32 v17, v1  }
0x208: {  	v31 =	vmul.f32 v13, v2;
	v22 =	vmul.f32 v22, v26;
	_ =	sdelay $0x1  }
0x209: {  	v31 =	vadd.f32 v58, v31;
	v22 =	vsub.f32 $1.500000000e+00, v22;
	_ =	sdelay $0x1  }
0x20a: {  	v22 =	vmul.f32 v22, v26;
	v26 =	vadd.f32 v31, v0;
	_ =	sdelay $0x1  }
0x20b: {  	v26 =	vmul.f32 v22, v26;
	_ =	sdelay $0x1  }
0x20c: {  	v26 =	vmax.f32 v26, $-1.000000000e+00  }
0x20d: {  	v58 =	vmin.f32 v26, $1.000000000e+00  }
0x20e: {  	v26 =	vmul.f32 v58, v58;
	_ =	sdelay $0x1  }
0x20f: {  	v26 =	vsub.f32 $1.000000000e+00, v26;
	_ =	sdelay $0x1  }
0x210: {  	v26 =	vmax.f32 v26, $0.0e+00  }
0x211: {  	v26 =	vmul.f32 v26, v23;
	_ =	sdelay $0x1  }
0x212: {  	v26 =	vsub.f32 $1.000000000e+00, v26;
	_ =	sdelay $0x1  }
0x213: {  	v26 =	vmax.f32 v26, $9.999999930e-09  }
0x214: {  	v38 =	vmovc v59;
	v59 =	vmul.f32 v58, v32;
	v31 =	vshrl.u32 v26, $0x1;
	v35 =	vmul.f32 $5.000000000e-01, v26  }
0x215: {  	v31 =	vsub.s32 $0x5F3759DF, v31  }
0x216: {  	v8 =	vmul.f32 v59, v59;
	v63 =	vmul.f32 v31, v35;
	_ =	sdelay $0x1  }
0x217: {  	v8 =	vsub.f32 v23, v8;
	v63 =	vmul.f32 v31, v63;
	_ =	sdelay $0x1  }
0x218: {  	v8 =	vadd.f32 v26, v8;
	v63 =	vsub.f32 $1.500000000e+00, v63;
	_ =	sdelay $0x1  }
0x219: {  	v31 =	vmul.f32 v31, v63;
	v63 =	vshrl.u32 v8, $0x1;
	v8 =	vmul.f32 $5.000000000e-01, v8  }
0x21a: {  	v63 =	vsub.s32 $0x5F3759DF, v63  }
0x21b: {  	v35 =	vmul.f32 v31, v35;
	v11 =	vmul.f32 v63, v8;
	_ =	sdelay $0x1  }
0x21c: {  	v35 =	vmul.f32 v35, v31;
	v11 =	vmul.f32 v63, v11;
	_ =	sdelay $0x1  }
0x21d: {  	v35 =	vsub.f32 $1.500000000e+00, v35;
	v11 =	vsub.f32 $1.500000000e+00, v11;
	_ =	sdelay $0x1  }
0x21e: {  	v31 =	vmul.f32 v35, v31;
	v11 =	vmul.f32 v63, v11;
	_ =	sdelay $0x1  }
0x21f: {  	v26 =	vmul.f32 v31, v26;
	v8 =	vmul.f32 v11, v8;
	_ =	sdelay $0x1  }
0x220: {  	v26 =	vsub.f32 v59, v26;
	v8 =	vmul.f32 v8, v11;
	_ =	sdelay $0x1  }
0x221: {  	v22 =	vmul.f32 v26, v22;
	v26 =	vmul.f32 v0, v32;
	v8 =	vsub.f32 $1.500000000e+00, v8;
	_ =	sdelay $0x1  }
0x222: {  	v26 =	vsub.f32 v26, v22;
	v8 =	vmul.f32 v8, v11;
	_ =	sdelay $0x1  }
0x223: {  	vm9 =	vgt.f32 v5, $9.999999970e-07;
	v11 =	vmul.f32 v26, v8  }
0x224: {  	vm8 =	vmand vm8, vm9  }
0x225: {  	v11 =	vsel vm8, v11, v0  }
0x226: {  	v26 =	vand.u32 $0x7FFFFFFF, v11  }
0x227: {  	vm13 =	vgt.f32 v26, $9.999999970e-07  }
0x228: {  	v26 =	vnsel vm13, $0x3F800000, v11  }
0x229: {  	(erf) = vrcp.f32 v26  }
0x22a: {  	v63 =	vmul.f32 v2, v32  }
0x22b: {  	v13 =	vmul.f32 v22, v13;
	v17 =	vmul.f32 v22, v17  }
0x22c: {  	v0 =	vmul.f32 v5, v0;
	v26 =	vmul.f32 v1, v32  }
0x22d: {  	v5 =	vsub.f32 v63, v13  }
0x22e: {  	v0 =	vadd.f32 v0, v3;
	v13 =	vsub.f32 v26, v17;
	_ =	sdelay $0x1  }
0x22f: {  	v0 =	vsel vm8, v0, v3  }
0x230: {  	v3 =	vsub.f32 v14, v0  }
0x231: {  	v5 =	vmul.f32 v5, v8;
	v8 =	vmul.f32 v13, v8;
	v13 =	vpop (erf)  }
0x232: {  	v3 =	vmul.f32 v13, v3  }
0x233: {  	v2 =	vsel vm8, v5, v2;
	v1 =	vsel vm8, v8, v1  }
0x234: {  	v5 =	vmul.f32 v3, v2;
	v8 =	vmul.f32 v3, v1  }
0x235: {  	v4 =	vsel vm8, v6, v4;
	v6 =	vsel vm8, v10, v7  }
0x236: {  	v5 =	vadd.f32 v5, v4;
	v7 =	vadd.f32 v8, v6;
	_ =	sdelay $0x1  }
0x237: {  	v8 =	vmul.f32 v5, v9;
	v10 =	vmul.f32 v7, v9;
	_ =	sdelay $0x1  }
0x238: {  	v13 =	vmul.f32 v8, v8;
	v17 =	vmul.f32 v10, v10;
	_ =	sdelay $0x1  }
0x239: {  	v13 =	vadd.f32 v17, v13;
	_ =	sdelay $0x1  }
0x23a: {  	v13 =	vadd.f32 $1.000000000e+00, v13;
	_ =	sdelay $0x1  }
0x23b: {  	v17 =	vshrl.u32 v13, $0x1;
	v13 =	vmul.f32 $5.000000000e-01, v13  }
0x23c: {  	v17 =	vsub.s32 $0x5F3759DF, v17  }
0x23d: {  	v22 =	vmul.f32 v17, v13;
	_ =	sdelay $0x1  }
0x23e: {  	v22 =	vmul.f32 v17, v22;
	_ =	sdelay $0x1  }
0x23f: {  	v22 =	vsub.f32 $1.500000000e+00, v22;
	_ =	sdelay $0x1  }
0x240: {  	v17 =	vmul.f32 v17, v22;
	_ =	sdelay $0x1  }
0x241: {  	v13 =	vmul.f32 v17, v13  }
0x242: {  	v26 =	vmul.f32 v10, v1  }
0x243: {  	v22 =	vmul.f32 v8, v2;
	v13 =	vmul.f32 v13, v17;
	_ =	sdelay $0x1  }
0x244: {  	v22 =	vadd.f32 v26, v22;
	v13 =	vsub.f32 $1.500000000e+00, v13;
	_ =	sdelay $0x1  }
0x245: {  	v13 =	vmul.f32 v13, v17;
	v17 =	vadd.f32 v22, v11;
	_ =	sdelay $0x1  }
0x246: {  	v17 =	vmul.f32 v13, v17;
	_ =	sdelay $0x1  }
0x247: {  	v17 =	vmax.f32 v17, $-1.000000000e+00  }
0x248: {  	v59 =	vmin.f32 v17, $1.000000000e+00  }
0x249: {  	v17 =	vmul.f32 v59, v59;
	_ =	sdelay $0x1  }
0x24a: {  	v17 =	vsub.f32 $1.000000000e+00, v17;
	_ =	sdelay $0x1  }
0x24b: {  	v17 =	vmax.f32 v17, $0.0e+00  }
0x24c: {  	v17 =	vmul.f32 v17, v27;
	_ =	sdelay $0x1  }
0x24d: {  	v17 =	vsub.f32 $1.000000000e+00, v17;
	_ =	sdelay $0x1  }
0x24e: {  	v17 =	vmax.f32 v17, $9.999999930e-09  }
0x24f: {  	v31 =	vmul.f32 v59, v24;
	v22 =	vshrl.u32 v17, $0x1;
	v26 =	vmul.f32 $5.000000000e-01, v17  }
0x250: {  	v22 =	vsub.s32 $0x5F3759DF, v22  }
0x251: {  	v63 =	vmul.f32 v31, v31;
	v35 =	vmul.f32 v22, v26;
	_ =	sdelay $0x1  }
0x252: {  	v63 =	vsub.f32 v27, v63;
	v35 =	vmul.f32 v22, v35;
	_ =	sdelay $0x1  }
0x253: {  	v63 =	vadd.f32 v17, v63;
	v35 =	vsub.f32 $1.500000000e+00, v35;
	_ =	sdelay $0x1  }
0x254: {  	v22 =	vmul.f32 v22, v35;
	v35 =	vshrl.u32 v63, $0x1;
	v63 =	vmul.f32 $5.000000000e-01, v63  }
0x255: {  	v35 =	vsub.s32 $0x5F3759DF, v35  }
0x256: {  	v26 =	vmul.f32 v22, v26;
	v14 =	vmul.f32 v35, v63;
	_ =	sdelay $0x1  }
0x257: {  	v26 =	vmul.f32 v26, v22;
	v14 =	vmul.f32 v35, v14;
	_ =	sdelay $0x1  }
0x258: {  	v26 =	vsub.f32 $1.500000000e+00, v26;
	v14 =	vsub.f32 $1.500000000e+00, v14;
	_ =	sdelay $0x1  }
0x259: {  	v22 =	vmul.f32 v26, v22;
	v14 =	vmul.f32 v35, v14;
	_ =	sdelay $0x1  }
0x25a: {  	v17 =	vmul.f32 v22, v17;
	v22 =	vmul.f32 v14, v63;
	_ =	sdelay $0x1  }
0x25b: {  	v17 =	vsub.f32 v31, v17;
	v22 =	vmul.f32 v22, v14;
	_ =	sdelay $0x1  }
0x25c: {  	v13 =	vmul.f32 v17, v13;
	v17 =	vmul.f32 v11, v24;
	v22 =	vsub.f32 $1.500000000e+00, v22;
	_ =	sdelay $0x1  }
0x25d: {  	v17 =	vsub.f32 v17, v13;
	v14 =	vmul.f32 v22, v14;
	_ =	sdelay $0x1  }
0x25e: {  	vm10 =	vgt.f32 v3, $9.999999970e-07;
	v17 =	vmul.f32 v17, v14  }
0x25f: {  	vm9 =	vmand vm13, vm10  }
0x260: {  	v17 =	vsel vm9, v17, v11  }
0x261: {  	v22 =	vand.u32 $0x7FFFFFFF, v17  }
0x262: {  	vm14 =	vgt.f32 v22, $9.999999970e-07  }
0x263: {  	v22 =	vnsel vm14, $0x3F800000, v17  }
0x264: {  	(erf) = vrcp.f32 v22;
	_ =	sdelay $0x2  }
0x265: {  	v3 =	vmul.f32 v3, v11  }
0x266: {  	v8 =	vmul.f32 v13, v8;
	v10 =	vmul.f32 v13, v10  }
0x267: {  	v3 =	vadd.f32 v3, v0;
	v11 =	vmul.f32 v2, v24;
	v22 =	vmul.f32 v1, v24;
	_ =	sdelay $0x1  }
0x268: {  	v0 =	vsel vm9, v3, v0;
	v8 =	vsub.f32 v11, v8;
	v10 =	vsub.f32 v22, v10  }
0x269: {  	v3 =	vsub.f32 v18, v0  }
0x26a: {  	v8 =	vmul.f32 v8, v14;
	v10 =	vmul.f32 v10, v14;
	v11 =	vpop (erf)  }
0x26b: {  	v3 =	vmul.f32 v11, v3  }
0x26c: {  	v2 =	vsel vm9, v8, v2;
	v1 =	vsel vm9, v10, v1  }
0x26d: {  	v8 =	vmul.f32 v3, v2;
	v10 =	vmul.f32 v3, v1  }
0x26e: {  	v4 =	vsel vm9, v5, v4;
	v5 =	vsel vm9, v7, v6  }
0x26f: {  	v6 =	vadd.f32 v8, v4;
	v7 =	vadd.f32 v10, v5;
	_ =	sdelay $0x1  }
0x270: {  	v8 =	vmul.f32 v6, v21;
	v10 =	vmul.f32 v7, v21;
	_ =	sdelay $0x1  }
0x271: {  	v11 =	vmul.f32 v8, v8;
	v13 =	vmul.f32 v10, v10;
	_ =	sdelay $0x1  }
0x272: {  	v11 =	vadd.f32 v13, v11;
	_ =	sdelay $0x1  }
0x273: {  	v11 =	vadd.f32 $1.000000000e+00, v11;
	_ =	sdelay $0x1  }
0x274: {  	v13 =	vshrl.u32 v11, $0x1;
	v11 =	vmul.f32 $5.000000000e-01, v11  }
0x275: {  	v13 =	vsub.s32 $0x5F3759DF, v13  }
0x276: {  	v14 =	vmul.f32 v13, v11;
	_ =	sdelay $0x1  }
0x277: {  	v14 =	vmul.f32 v13, v14;
	_ =	sdelay $0x1  }
0x278: {  	v14 =	vsub.f32 $1.500000000e+00, v14;
	_ =	sdelay $0x1  }
0x279: {  	v13 =	vmul.f32 v13, v14;
	_ =	sdelay $0x1  }
0x27a: {  	v11 =	vmul.f32 v13, v11  }
0x27b: {  	v22 =	vmul.f32 v10, v1  }
0x27c: {  	v14 =	vmul.f32 v8, v2;
	v11 =	vmul.f32 v11, v13;
	_ =	sdelay $0x1  }
0x27d: {  	v14 =	vadd.f32 v22, v14;
	v11 =	vsub.f32 $1.500000000e+00, v11;
	_ =	sdelay $0x1  }
0x27e: {  	v11 =	vmul.f32 v11, v13;
	v13 =	vadd.f32 v14, v17;
	_ =	sdelay $0x1  }
0x27f: {  	v13 =	vmul.f32 v11, v13;
	_ =	sdelay $0x1  }
0x280: {  	v13 =	vmax.f32 v13, $-1.000000000e+00  }
0x281: {  	v63 =	vmin.f32 v13, $1.000000000e+00  }
0x282: {  	v13 =	vmul.f32 v63, v63;
	_ =	sdelay $0x1  }
0x283: {  	v13 =	vsub.f32 $1.000000000e+00, v13;
	_ =	sdelay $0x1  }
0x284: {  	v13 =	vmax.f32 v13, $0.0e+00  }
0x285: {  	v13 =	vmul.f32 v13, v28;
	_ =	sdelay $0x1  }
0x286: {  	v13 =	vsub.f32 $1.000000000e+00, v13;
	_ =	sdelay $0x1  }
0x287: {  	v13 =	vmax.f32 v13, $9.999999930e-09  }
0x288: {  	v26 =	vmul.f32 v63, v20;
	v14 =	vshrl.u32 v13, $0x1;
	v22 =	vmul.f32 $5.000000000e-01, v13  }
0x289: {  	v14 =	vsub.s32 $0x5F3759DF, v14  }
0x28a: {  	v35 =	vmul.f32 v26, v26;
	v31 =	vmul.f32 v14, v22;
	_ =	sdelay $0x1  }
0x28b: {  	v35 =	vsub.f32 v28, v35;
	v31 =	vmul.f32 v14, v31;
	_ =	sdelay $0x1  }
0x28c: {  	v35 =	vadd.f32 v13, v35;
	v31 =	vsub.f32 $1.500000000e+00, v31;
	_ =	sdelay $0x1  }
0x28d: {  	v14 =	vmul.f32 v14, v31;
	v31 =	vshrl.u32 v35, $0x1;
	v35 =	vmul.f32 $5.000000000e-01, v35  }
0x28e: {  	v31 =	vsub.s32 $0x5F3759DF, v31  }
0x28f: {  	v22 =	vmul.f32 v14, v22;
	v15 =	vmul.f32 v31, v35;
	_ =	sdelay $0x1  }
0x290: {  	v22 =	vmul.f32 v22, v14;
	v15 =	vmul.f32 v31, v15;
	_ =	sdelay $0x1  }
0x291: {  	v22 =	vsub.f32 $1.500000000e+00, v22;
	v15 =	vsub.f32 $1.500000000e+00, v15;
	_ =	sdelay $0x1  }
0x292: {  	v14 =	vmul.f32 v22, v14;
	v15 =	vmul.f32 v31, v15;
	_ =	sdelay $0x1  }
0x293: {  	v13 =	vmul.f32 v14, v13;
	v14 =	vmul.f32 v15, v35;
	_ =	sdelay $0x1  }
0x294: {  	v13 =	vsub.f32 v26, v13;
	v14 =	vmul.f32 v14, v15;
	_ =	sdelay $0x1  }
0x295: {  	v11 =	vmul.f32 v13, v11;
	v13 =	vmul.f32 v17, v20;
	v14 =	vsub.f32 $1.500000000e+00, v14;
	_ =	sdelay $0x1  }
0x296: {  	v13 =	vsub.f32 v13, v11;
	v14 =	vmul.f32 v14, v15;
	_ =	sdelay $0x1  }
0x297: {  	vm11 =	vgt.f32 v3, $9.999999970e-07;
	v13 =	vmul.f32 v13, v14  }
0x298: {  	vm10 =	vmand vm14, vm11  }
0x299: {  	v13 =	vsel vm10, v13, v17  }
0x29a: {  	v15 =	vand.u32 $0x7FFFFFFF, v13  }
0x29b: {  	vm11 =	vgt.f32 v15, $9.999999970e-07  }
0x29c: {  	v15 =	vnsel vm11, $0x3F800000, v13  }
0x29d: {  	(erf) = vrcp.f32 v15;
	_ =	sdelay $0x2  }
0x29e: {  	v3 =	vmul.f32 v3, v17  }
0x29f: {  	v8 =	vmul.f32 v11, v8;
	v10 =	vmul.f32 v11, v10  }
0x2a0: {  	v3 =	vadd.f32 v3, v0;
	v17 =	vmul.f32 v1, v20;
	v15 =	vmul.f32 v2, v20;
	_ =	sdelay $0x1  }
0x2a1: {  	v3 =	vsel vm10, v3, v0;
	v10 =	vsub.f32 v17, v10;
	v8 =	vsub.f32 v15, v8  }
0x2a2: {  	v0 =	vsub.f32 v62, v3  }
0x2a3: {  	v10 =	vmul.f32 v10, v14;
	v8 =	vmul.f32 v8, v14;
	v11 =	vpop (erf)  }
0x2a4: {  	v11 =	vmul.f32 v11, v0  }
0x2a5: {  	v1 =	vsel vm10, v10, v1;
	v2 =	vsel vm10, v8, v2  }
0x2a6: {  	v0 =	vmul.f32 v11, v2;
	v8 =	vmul.f32 v11, v1  }
0x2a7: {  	v4 =	vsel vm10, v6, v4;
	v5 =	vsel vm10, v7, v5  }
0x2a8: {  	v6 =	vadd.f32 v0, v4;
	v7 =	vadd.f32 v8, v5;
	_ =	sdelay $0x1  }
0x2a9: {  	v8 =	vmul.f32 v6, v30;
	v10 =	vmul.f32 v7, v30;
	_ =	sdelay $0x1  }
0x2aa: {  	v35 =	vmul.f32 v8, v8;
	v14 =	vmul.f32 v10, v10;
	_ =	sdelay $0x1  }
0x2ab: {  	v0 =	vadd.f32 v14, v35;
	_ =	sdelay $0x1  }
0x2ac: {  	v0 =	vadd.f32 $1.000000000e+00, v0;
	_ =	sdelay $0x1  }
0x2ad: {  	v14 =	vshrl.u32 v0, $0x1;
	v0 =	vmul.f32 $5.000000000e-01, v0  }
0x2ae: {  	v14 =	vsub.s32 $0x5F3759DF, v14  }
0x2af: {  	v15 =	vmul.f32 v14, v0;
	_ =	sdelay $0x1  }
0x2b0: {  	v15 =	vmul.f32 v14, v15;
	_ =	sdelay $0x1  }
0x2b1: {  	v15 =	vsub.f32 $1.500000000e+00, v15;
	_ =	sdelay $0x1  }
0x2b2: {  	v14 =	vmul.f32 v14, v15;
	_ =	sdelay $0x1  }
0x2b3: {  	v0 =	vmul.f32 v14, v0  }
0x2b4: {  	v17 =	vmul.f32 v10, v1  }
0x2b5: {  	v15 =	vmul.f32 v8, v2;
	v0 =	vmul.f32 v0, v14;
	_ =	sdelay $0x1  }
0x2b6: {  	v15 =	vadd.f32 v17, v15;
	v0 =	vsub.f32 $1.500000000e+00, v0;
	_ =	sdelay $0x1  }
0x2b7: {  	v35 =	vadd.f32 v15, v13;
	v14 =	vmul.f32 v0, v14;
	_ =	sdelay $0x1  }
0x2b8: {  	v0 =	vmul.f32 v14, v35;
	_ =	sdelay $0x1  }
0x2b9: {  	v0 =	vmax.f32 v0, $-1.000000000e+00  }
0x2ba: {  	v16 =	vmin.f32 v0, $1.000000000e+00  }
0x2bb: {  	v15 =	vmul.f32 v16, v16;
	_ =	sdelay $0x1  }
0x2bc: {  	v15 =	vsub.f32 $1.000000000e+00, v15;
	_ =	sdelay $0x1  }
0x2bd: {  	v15 =	vmax.f32 v15, $0.0e+00  }
0x2be: {  	v15 =	vmul.f32 v15, v36;
	_ =	sdelay $0x1  }
0x2bf: {  	v15 =	vsub.f32 $1.000000000e+00, v15;
	_ =	sdelay $0x1  }
0x2c0: {  	v15 =	vmax.f32 v15, $9.999999930e-09  }
0x2c1: {  	v26 =	vmul.f32 v16, v25;
	v17 =	vshrl.u32 v15, $0x1;
	v22 =	vmul.f32 $5.000000000e-01, v15  }
0x2c2: {  	v17 =	vsub.s32 $0x5F3759DF, v17  }
0x2c3: {  	v0 =	vmul.f32 v26, v26;
	v31 =	vmul.f32 v17, v22;
	_ =	sdelay $0x1  }
0x2c4: {  	v35 =	vsub.f32 v36, v0;
	v31 =	vmul.f32 v17, v31;
	_ =	sdelay $0x1  }
0x2c5: {  	v35 =	vadd.f32 v15, v35;
	v31 =	vsub.f32 $1.500000000e+00, v31;
	_ =	sdelay $0x1  }
0x2c6: {  	v17 =	vmul.f32 v17, v31;
	v31 =	vshrl.u32 v35, $0x1;
	v35 =	vmul.f32 $5.000000000e-01, v35  }
0x2c7: {  	v31 =	vsub.s32 $0x5F3759DF, v31  }
0x2c8: {  	v22 =	vmul.f32 v17, v22;
	v18 =	vmul.f32 v31, v35;
	_ =	sdelay $0x1  }
0x2c9: {  	v22 =	vmul.f32 v22, v17;
	v18 =	vmul.f32 v31, v18;
	_ =	sdelay $0x1  }
0x2ca: {  	v22 =	vsub.f32 $1.500000000e+00, v22;
	v18 =	vsub.f32 $1.500000000e+00, v18;
	_ =	sdelay $0x1  }
0x2cb: {  	v17 =	vmul.f32 v22, v17;
	v18 =	vmul.f32 v31, v18;
	_ =	sdelay $0x1  }
0x2cc: {  	v15 =	vmul.f32 v17, v15;
	v17 =	vmul.f32 v18, v35;
	_ =	sdelay $0x1  }
0x2cd: {  	v15 =	vsub.f32 v26, v15;
	v17 =	vmul.f32 v17, v18;
	_ =	sdelay $0x1  }
0x2ce: {  	v14 =	vmul.f32 v15, v14;
	v15 =	vmul.f32 v13, v25;
	v17 =	vsub.f32 $1.500000000e+00, v17;
	_ =	sdelay $0x1  }
0x2cf: {  	v15 =	vsub.f32 v15, v14;
	v17 =	vmul.f32 v17, v18;
	_ =	sdelay $0x1  }
0x2d0: {  	vm12 =	vgt.f32 v11, $9.999999970e-07;
	v15 =	vmul.f32 v15, v17  }
0x2d1: {  	vm11 =	vmand vm11, vm12  }
0x2d2: {  	v15 =	vsel vm11, v15, v13  }
0x2d3: {  	v18 =	vand.u32 $0x7FFFFFFF, v15  }
0x2d4: {  	vm12 =	vgt.f32 v18, $9.999999970e-07  }
0x2d5: {  	v18 =	vnsel vm12, $0x3F800000, v15  }
0x2d6: {  	(erf) = vrcp.f32 v18;
	_ =	sdelay $0x2  }
0x2d7: {  	v11 =	vmul.f32 v11, v13  }
0x2d8: {  	v8 =	vmul.f32 v14, v8;
	v10 =	vmul.f32 v14, v10  }
0x2d9: {  	v11 =	vadd.f32 v11, v3;
	v13 =	vmul.f32 v2, v25;
	v18 =	vmul.f32 v1, v25;
	_ =	sdelay $0x1  }
0x2da: {  	v3 =	vsel vm11, v11, v3;
	v8 =	vsub.f32 v13, v8;
	v10 =	vsub.f32 v18, v10  }
0x2db: {  	v11 =	vsub.f32 v52, v3  }
0x2dc: {  	v8 =	vmul.f32 v8, v17;
	v10 =	vmul.f32 v10, v17;
	v13 =	vpop (erf)  }
0x2dd: {  	v11 =	vmul.f32 v13, v11  }
0x2de: {  	v2 =	vsel vm11, v8, v2;
	v8 =	vsel vm11, v10, v1  }
0x2df: {  	v35 =	vmul.f32 v11, v2;
	v10 =	vmul.f32 v11, v8  }
0x2e0: {  	v4 =	vsel vm11, v6, v4;
	v5 =	vsel vm11, v7, v5  }
0x2e1: {  	v6 =	vadd.f32 v35, v4;
	v7 =	vadd.f32 v10, v5;
	_ =	sdelay $0x1  }
0x2e2: {  	v10 =	vmul.f32 v6, v33;
	v13 =	vmul.f32 v7, v33;
	_ =	sdelay $0x1  }
0x2e3: {  	v36 =	vmul.f32 v10, v10;
	v14 =	vmul.f32 v13, v13;
	_ =	sdelay $0x1  }
0x2e4: {  	v1 =	vadd.f32 v14, v36;
	_ =	sdelay $0x1  }
0x2e5: {  	v1 =	vadd.f32 $1.000000000e+00, v1;
	_ =	sdelay $0x1  }
0x2e6: {  	v14 =	vshrl.u32 v1, $0x1;
	v1 =	vmul.f32 $5.000000000e-01, v1  }
0x2e7: {  	v14 =	vsub.s32 $0x5F3759DF, v14  }
0x2e8: {  	v17 =	vmul.f32 v14, v1;
	_ =	sdelay $0x1  }
0x2e9: {  	v17 =	vmul.f32 v14, v17;
	_ =	sdelay $0x1  }
0x2ea: {  	v17 =	vsub.f32 $1.500000000e+00, v17;
	_ =	sdelay $0x1  }
0x2eb: {  	v14 =	vmul.f32 v14, v17;
	_ =	sdelay $0x1  }
0x2ec: {  	v1 =	vmul.f32 v14, v1  }
0x2ed: {  	v18 =	vmul.f32 v13, v8  }
0x2ee: {  	v17 =	vmul.f32 v10, v2;
	v1 =	vmul.f32 v1, v14;
	_ =	sdelay $0x1  }
0x2ef: {  	v17 =	vadd.f32 v18, v17;
	v1 =	vsub.f32 $1.500000000e+00, v1;
	_ =	sdelay $0x1  }
0x2f0: {  	v35 =	vadd.f32 v17, v15;
	v14 =	vmul.f32 v1, v14;
	_ =	sdelay $0x1  }
0x2f1: {  	v1 =	vmul.f32 v14, v35;
	_ =	sdelay $0x1  }
0x2f2: {  	v1 =	vmax.f32 v1, $-1.000000000e+00  }
0x2f3: {  	[tilespmem:$0x1FE60] =	vst v12;
	v12 =	vmin.f32 v1, $1.000000000e+00  }
0x2f4: {  	v9 =	vld [tilespmem:$0x1FF10];
	v17 =	vmul.f32 v12, v12;
	_ =	sdelay $0x1  }
0x2f5: {  	v17 =	vsub.f32 $1.000000000e+00, v17;
	_ =	sdelay $0x1  }
0x2f6: {  	v17 =	vmax.f32 v17, $0.0e+00  }
0x2f7: {  	v17 =	vmul.f32 v17, v9;
	_ =	sdelay $0x1  }
0x2f8: {  	v17 =	vsub.f32 $1.000000000e+00, v17;
	_ =	sdelay $0x1  }
0x2f9: {  	v9 =	vld [tilespmem:$0x1FF10];
	v17 =	vmax.f32 v17, $9.999999930e-09  }
0x2fa: {  	v26 =	vmul.f32 v12, v29;
	v18 =	vshrl.u32 v17, $0x1;
	v22 =	vmul.f32 $5.000000000e-01, v17  }
0x2fb: {  	v18 =	vsub.s32 $0x5F3759DF, v18  }
0x2fc: {  	v36 =	vmul.f32 v26, v26;
	v31 =	vmul.f32 v18, v22;
	_ =	sdelay $0x1  }
0x2fd: {  	v35 =	vsub.f32 v9, v36;
	v31 =	vmul.f32 v18, v31;
	_ =	sdelay $0x1  }
0x2fe: {  	v35 =	vadd.f32 v17, v35;
	v31 =	vsub.f32 $1.500000000e+00, v31;
	_ =	sdelay $0x1  }
0x2ff: {  	v18 =	vmul.f32 v18, v31;
	v31 =	vshrl.u32 v35, $0x1;
	v35 =	vmul.f32 $5.000000000e-01, v35  }
0x300: {  	v31 =	vsub.s32 $0x5F3759DF, v31  }
0x301: {  	v30 =	vmov v19;
	v22 =	vmul.f32 v18, v22;
	v19 =	vmul.f32 v31, v35;
	_ =	sdelay $0x1  }
0x302: {  	v22 =	vmul.f32 v22, v18;
	v19 =	vmul.f32 v31, v19;
	_ =	sdelay $0x1  }
0x303: {  	v22 =	vsub.f32 $1.500000000e+00, v22;
	v19 =	vsub.f32 $1.500000000e+00, v19;
	_ =	sdelay $0x1  }
0x304: {  	v18 =	vmul.f32 v22, v18;
	v19 =	vmul.f32 v31, v19;
	_ =	sdelay $0x1  }
0x305: {  	v17 =	vmul.f32 v18, v17;
	v18 =	vmul.f32 v19, v35;
	_ =	sdelay $0x1  }
0x306: {  	v17 =	vsub.f32 v26, v17;
	v18 =	vmul.f32 v18, v19;
	_ =	sdelay $0x1  }
0x307: {  	v14 =	vmul.f32 v17, v14;
	v17 =	vmul.f32 v15, v29;
	v18 =	vsub.f32 $1.500000000e+00, v18;
	_ =	sdelay $0x1  }
0x308: {  	v17 =	vsub.f32 v17, v14;
	v18 =	vmul.f32 v18, v19;
	_ =	sdelay $0x1  }
0x309: {  	vm13 =	vgt.f32 v11, $9.999999970e-07;
	v17 =	vmul.f32 v17, v18  }
0x30a: {  	vm12 =	vmand vm12, vm13  }
0x30b: {  	v19 =	vsel vm12, v17, v15  }
0x30c: {  	v17 =	vand.u32 $0x7FFFFFFF, v19  }
0x30d: {  	vm13 =	vgt.f32 v17, $9.999999970e-07  }
0x30e: {  	v17 =	vnsel vm13, $0x3F800000, v19  }
0x30f: {  	(erf) = vrcp.f32 v17;
	_ =	sdelay $0x2  }
0x310: {  	v11 =	vmul.f32 v11, v15;
	v36 =	vmov v62;
	v62 =	vld [tilespmem:$0x1FF90]  }
0x311: {  	v10 =	vmul.f32 v14, v10;
	v13 =	vmul.f32 v14, v13  }
0x312: {  	v11 =	vadd.f32 v11, v3;
	v15 =	vmul.f32 v2, v29;
	v17 =	vmul.f32 v8, v29;
	_ =	sdelay $0x1  }
0x313: {  	v3 =	vsel vm12, v11, v3;
	v10 =	vsub.f32 v15, v10;
	v13 =	vsub.f32 v17, v13  }
0x314: {  	v11 =	vsub.f32 v62, v3  }
0x315: {  	v10 =	vmul.f32 v10, v18;
	v13 =	vmul.f32 v13, v18;
	v14 =	vpop (erf)  }
0x316: {  	v62 =	vld [tilespmem:$0x1FF20];
	v11 =	vmul.f32 v14, v11  }
0x317: {  	v35 =	vld [tilespmem:$0x1FF20];
	v10 =	vsel vm12, v10, v2;
	v8 =	vsel vm12, v13, v8  }
0x318: {  	v2 =	vmul.f32 v11, v10;
	v13 =	vmul.f32 v11, v8  }
0x319: {  	v4 =	vsel vm12, v6, v4;
	v5 =	vsel vm12, v7, v5  }
0x31a: {  	v14 =	vadd.f32 v2, v4;
	v13 =	vadd.f32 v13, v5;
	_ =	sdelay $0x1  }
0x31b: {  	v6 =	vmul.f32 v14, v35;
	v7 =	vmul.f32 v13, v62;
	_ =	sdelay $0x1  }
0x31c: {  	v35 =	vmul.f32 v6, v6;
	v15 =	vmul.f32 v7, v7;
	_ =	sdelay $0x1  }
0x31d: {  	v2 =	vadd.f32 v15, v35;
	_ =	sdelay $0x1  }
0x31e: {  	v2 =	vadd.f32 $1.000000000e+00, v2;
	_ =	sdelay $0x1  }
0x31f: {  	v15 =	vshrl.u32 v2, $0x1;
	v2 =	vmul.f32 $5.000000000e-01, v2  }
0x320: {  	v15 =	vsub.s32 $0x5F3759DF, v15  }
0x321: {  	v17 =	vmul.f32 v15, v2;
	_ =	sdelay $0x1  }
0x322: {  	v17 =	vmul.f32 v15, v17;
	_ =	sdelay $0x1  }
0x323: {  	v17 =	vsub.f32 $1.500000000e+00, v17;
	_ =	sdelay $0x1  }
0x324: {  	v15 =	vmul.f32 v15, v17;
	_ =	sdelay $0x1  }
0x325: {  	v2 =	vmul.f32 v15, v2  }
0x326: {  	v18 =	vmul.f32 v7, v8  }
0x327: {  	v17 =	vmul.f32 v6, v10;
	v2 =	vmul.f32 v2, v15;
	_ =	sdelay $0x1  }
0x328: {  	v17 =	vadd.f32 v18, v17;
	v2 =	vsub.f32 $1.500000000e+00, v2;
	_ =	sdelay $0x1  }
0x329: {  	v62 =	vadd.f32 v17, v19;
	v15 =	vmul.f32 v2, v15;
	_ =	sdelay $0x1  }
0x32a: {  	v2 =	vmul.f32 v15, v62;
	_ =	sdelay $0x1  }
0x32b: {  	v2 =	vmax.f32 v2, $-1.000000000e+00  }
0x32c: {  	v2 =	vmin.f32 v2, $1.000000000e+00  }
0x32d: {  	v9 =	vld [tilespmem:$0x1FF30];
	v17 =	vmul.f32 v2, v2;
	_ =	sdelay $0x1  }
0x32e: {  	v17 =	vsub.f32 $1.000000000e+00, v17;
	_ =	sdelay $0x1  }
0x32f: {  	v17 =	vmax.f32 v17, $0.0e+00  }
0x330: {  	v17 =	vmul.f32 v17, v9;
	_ =	sdelay $0x1  }
0x331: {  	v17 =	vsub.f32 $1.000000000e+00, v17;
	_ =	sdelay $0x1  }
0x332: {  	v9 =	vld [tilespmem:$0x1FF30];
	v17 =	vmax.f32 v17, $9.999999930e-09  }
0x333: {  	v26 =	vmul.f32 v2, v34;
	v18 =	vshrl.u32 v17, $0x1;
	v22 =	vmul.f32 $5.000000000e-01, v17  }
0x334: {  	v18 =	vsub.s32 $0x5F3759DF, v18  }
0x335: {  	v1 =	vmul.f32 v26, v26;
	v31 =	vmul.f32 v18, v22;
	_ =	sdelay $0x1  }
0x336: {  	v35 =	vsub.f32 v9, v1;
	v31 =	vmul.f32 v18, v31;
	_ =	sdelay $0x1  }
0x337: {  	v35 =	vadd.f32 v17, v35;
	v31 =	vsub.f32 $1.500000000e+00, v31;
	_ =	sdelay $0x1  }
0x338: {  	v18 =	vmul.f32 v18, v31;
	v31 =	vshrl.u32 v35, $0x1;
	v35 =	vmul.f32 $5.000000000e-01, v35  }
0x339: {  	v31 =	vsub.s32 $0x5F3759DF, v31  }
0x33a: {  	v27 =	vmov v21;
	v22 =	vmul.f32 v18, v22;
	v21 =	vmul.f32 v31, v35;
	_ =	sdelay $0x1  }
0x33b: {  	v22 =	vmul.f32 v22, v18;
	v21 =	vmul.f32 v31, v21;
	_ =	sdelay $0x1  }
0x33c: {  	v22 =	vsub.f32 $1.500000000e+00, v22;
	v21 =	vsub.f32 $1.500000000e+00, v21;
	_ =	sdelay $0x1  }
0x33d: {  	v18 =	vmul.f32 v22, v18;
	v21 =	vmul.f32 v31, v21;
	_ =	sdelay $0x1  }
0x33e: {  	v17 =	vmul.f32 v18, v17;
	v18 =	vmul.f32 v21, v35;
	_ =	sdelay $0x1  }
0x33f: {  	v17 =	vsub.f32 v26, v17;
	v18 =	vmul.f32 v18, v21;
	_ =	sdelay $0x1  }
0x340: {  	v15 =	vmul.f32 v17, v15;
	v17 =	vmul.f32 v19, v34;
	v18 =	vsub.f32 $1.500000000e+00, v18;
	_ =	sdelay $0x1  }
0x341: {  	v17 =	vsub.f32 v17, v15;
	v18 =	vmul.f32 v18, v21;
	_ =	sdelay $0x1  }
0x342: {  	vm14 =	vgt.f32 v11, $9.999999970e-07;
	v17 =	vmul.f32 v17, v18  }
0x343: {  	vm13 =	vmand vm13, vm14  }
0x344: {  	v17 =	vsel vm13, v17, v19  }
0x345: {  	v21 =	vand.u32 $0x7FFFFFFF, v17  }
0x346: {  	vm14 =	vgt.f32 v21, $9.999999970e-07  }
0x347: {  	v21 =	vnsel vm14, $0x3F800000, v17  }
0x348: {  	(erf) = vrcp.f32 v21;
	_ =	sdelay $0x2  }
0x349: {  	v28 =	vmov v52;
	v52 =	vld [tilespmem:$0x1FF40];
	v11 =	vmul.f32 v11, v19  }
0x34a: {  	v6 =	vmul.f32 v15, v6;
	v7 =	vmul.f32 v15, v7  }
0x34b: {  	v11 =	vadd.f32 v11, v3;
	v19 =	vmul.f32 v10, v34;
	v21 =	vmul.f32 v8, v34;
	_ =	sdelay $0x1  }
0x34c: {  	v22 =	vsel vm13, v11, v3;
	v6 =	vsub.f32 v19, v6;
	v7 =	vsub.f32 v21, v7  }
0x34d: {  	v3 =	vsub.f32 v52, v22  }
0x34e: {  	v6 =	vmul.f32 v6, v18;
	v7 =	vmul.f32 v7, v18;
	v11 =	vpop (erf)  }
0x34f: {  	v26 =	vmul.f32 v11, v3  }
0x350: {  	v6 =	vsel vm13, v6, v10;
	v7 =	vsel vm13, v7, v8  }
0x351: {  	v3 =	vmul.f32 v26, v6;
	v8 =	vmul.f32 v26, v7  }
0x352: {  	v4 =	vsel vm13, v14, v4;
	v5 =	vsel vm13, v13, v5  }
0x353: {  	v10 =	vadd.f32 v3, v4;
	v13 =	vadd.f32 v8, v5;
	_ =	sdelay $0x1  }
0x354: {  	v35 =	vmul.f32 v10, v37;
	v31 =	vmul.f32 v13, v37;
	_ =	sdelay $0x1  }
0x355: {  	v62 =	vmul.f32 v35, v35;
	v8 =	vmul.f32 v31, v31;
	_ =	sdelay $0x1  }
0x356: {  	v3 =	vadd.f32 v8, v62;
	_ =	sdelay $0x1  }
0x357: {  	v3 =	vadd.f32 $1.000000000e+00, v3;
	_ =	sdelay $0x1  }
0x358: {  	v8 =	vshrl.u32 v3, $0x1;
	v3 =	vmul.f32 $5.000000000e-01, v3  }
0x359: {  	v8 =	vsub.s32 $0x5F3759DF, v8  }
0x35a: {  	v11 =	vmul.f32 v8, v3;
	_ =	sdelay $0x1  }
0x35b: {  	v11 =	vmul.f32 v8, v11;
	_ =	sdelay $0x1  }
0x35c: {  	v11 =	vsub.f32 $1.500000000e+00, v11;
	_ =	sdelay $0x1  }
0x35d: {  	v8 =	vmul.f32 v8, v11;
	_ =	sdelay $0x1  }
0x35e: {  	v3 =	vmul.f32 v8, v3  }
0x35f: {  	v14 =	vmul.f32 v31, v7  }
0x360: {  	v11 =	vmul.f32 v35, v6;
	v3 =	vmul.f32 v3, v8;
	_ =	sdelay $0x1  }
0x361: {  	v11 =	vadd.f32 v14, v11;
	v3 =	vsub.f32 $1.500000000e+00, v3;
	_ =	sdelay $0x1  }
0x362: {  	v52 =	vadd.f32 v11, v17;
	v8 =	vmul.f32 v3, v8;
	_ =	sdelay $0x1  }
0x363: {  	v3 =	vmul.f32 v8, v52;
	_ =	sdelay $0x1  }
0x364: {  	v3 =	vmax.f32 v3, $-1.000000000e+00  }
0x365: {  	v3 =	vmin.f32 v3, $1.000000000e+00  }
0x366: {  	v9 =	vld [tilespmem:$0x1FF50];
	v14 =	vsub.f32 $1.000000000e+00, v39;
	v11 =	vmul.f32 v3, v3;
	_ =	sdelay $0x1  }
0x367: {  	v19 =	vmul.f32 v61, v57;
	v15 =	vmul.f32 $3.999999910e-02, v14;
	v11 =	vsub.f32 $1.000000000e+00, v11  }
0x368: {  	v57 =	vmul.f32 v61, v56;
	v21 =	vmul.f32 v49, v38  }
0x369: {  	v18 =	vmul.f32 v51, v38;
	v14 =	vmul.f32 v15, v14;
	v11 =	vmax.f32 v11, $0.0e+00  }
0x36a: {  	v1 =	vld [tilespmem:$0x1FE70];
	v15 =	vmul.f32 v55, v53;
	v11 =	vmul.f32 v11, v9  }
0x36b: {  	v18 =	vsub.f32 v18, v19;
	v19 =	vsub.f32 v21, v57  }
0x36c: {  	v57 =	vld [tilespmem:$0x1FE50];
	v15 =	vadd.f32 v15, v54;
	v11 =	vsub.f32 $1.000000000e+00, v11;
	_ =	sdelay $0x1  }
0x36d: {  	v18 =	vmul.f32 v18, v60;
	v53 =	vsel vm7, v15, v54;
	v11 =	vmax.f32 v11, $9.999999930e-09  }
0x36e: {  	v54 =	vsub.f32 v1, v53;
	v9 =	vld [tilespmem:$0x1FF50];
	v21 =	vshrl.u32 v11, $0x1;
	v39 =	vmul.f32 $5.000000000e-01, v11  }
0x36f: {  	v19 =	vmul.f32 v19, v60;
	v15 =	vsub.s32 $0x5F3759DF, v21;
	v21 =	vmul.f32 v3, v38  }
0x370: {  	v54 =	vmul.f32 v57, v54;
	v61 =	vmul.f32 v15, v39  }
0x371: {  	v0 =	vld [tilespmem:$0x1FE80];
	v56 =	vsub.f32 $1.000000000e+00, v40;
	v51 =	vsel vm7, v18, v51;
	v62 =	vmul.f32 v21, v21  }
0x372: {  	v40 =	vsel vm7, v19, v49;
	v19 =	vmul.f32 v54, v51;
	v55 =	vmul.f32 v15, v61  }
0x373: {  	v48 =	vsel vm7, v41, v48;
	v61 =	vmul.f32 v54, v40;
	v18 =	vsub.f32 v9, v62  }
0x374: {  	v47 =	vsel vm7, v50, v47;
	v50 =	vadd.f32 v19, v48;
	v60 =	vsub.f32 $1.500000000e+00, v55  }
0x375: {  	v49 =	vadd.f32 v61, v47;
	v18 =	vadd.f32 v11, v18  }
0x376: {  	v61 =	vmul.f32 v50, v0;
	v15 =	vmul.f32 v15, v60  }
0x377: {  	v52 =	vmul.f32 v49, v0;
	v19 =	vshrl.u32 v18, $0x1;
	v18 =	vmul.f32 $5.000000000e-01, v18  }
0x378: {  	v62 =	vmul.f32 v61, v61;
	v39 =	vmul.f32 v15, v39;
	v19 =	vsub.s32 $0x5F3759DF, v19  }
0x379: {  	v9 =	vmovc v33;
	v33 =	vmov v23;
	v23 =	vmul.f32 v52, v52;
	v55 =	vmul.f32 v19, v18  }
0x37a: {  	v57 =	vmul.f32 $3.999999910e-02, v56;
	v60 =	vld [tilespmem:s30+$0xFFFFFFF0]  }
0x37b: {  	v39 =	vmul.f32 v39, v15;
	v23 =	vadd.f32 v23, v62;
	v62 =	vld [tilespmem:$0x1FE60];
	v55 =	vmul.f32 v19, v55  }
0x37c: {  	v14 =	vsub.f32 $1.000000000e+00, v14;
	v56 =	vmul.f32 v57, v56  }
0x37d: {  	v39 =	vsub.f32 $1.500000000e+00, v39;
	v55 =	vsub.f32 $1.500000000e+00, v55  }
0x37e: {  	vm15 =	vgt.f32 v26, $9.999999970e-07;
	v14 =	vmax.f32 v14, $0.0e+00;
	v57 =	vsub.f32 $1.000000000e+00, v56  }
0x37f: {  	v14 =	vmin.f32 v14, $1.000000000e+00;
	v15 =	vmul.f32 v39, v15;
	v19 =	vmul.f32 v19, v55  }
0x380: {  	v41 =	vmax.f32 v57, $0.0e+00;
	v14 =	vmul.f32 v14, v60;
	v39 =	vsub.f32 $1.000000000e+00, v62  }
0x381: {  	v23 =	vadd.f32 $1.000000000e+00, v23;
	v11 =	vmul.f32 v15, v11;
	v18 =	vmul.f32 v19, v18  }
0x382: {  	v41 =	vmin.f32 v41, $1.000000000e+00;
	v14 =	vsel vm0, v14, v60;
	v15 =	vmul.f32 $3.999999910e-02, v39  }
0x383: {  	v60 =	vshrl.u32 v23, $0x1;
	v11 =	vsub.f32 v21, v11;
	v18 =	vmul.f32 v18, v19  }
0x384: {  	v23 =	vmul.f32 $5.000000000e-01, v23;
	v62 =	vsub.s32 $0x5F3759DF, v60;
	v15 =	vmul.f32 v15, v39  }
0x385: {  	v8 =	vmul.f32 v11, v8;
	v11 =	vmul.f32 v17, v38;
	v18 =	vsub.f32 $1.500000000e+00, v18  }
0x386: {  	v55 =	vmul.f32 v41, v14;
	v56 =	vmul.f32 v62, v23;
	v21 =	vsub.f32 $1.000000000e+00, v42  }
0x387: {  	v15 =	vsub.f32 $1.000000000e+00, v15;
	v11 =	vsub.f32 v11, v8;
	v18 =	vmul.f32 v18, v19  }
0x388: {  	vm15 =	vmand vm14, vm15;
	v57 =	vmul.f32 v62, v56;
	v19 =	vmul.f32 $3.999999910e-02, v21  }
0x389: {  	v14 =	vsel vm1, v55, v14;
	v15 =	vmax.f32 v15, $0.0e+00;
	v11 =	vmul.f32 v11, v18  }
0x38a: {  	v15 =	vmin.f32 v15, $1.000000000e+00;
	v19 =	vmul.f32 v19, v21;
	v21 =	vsub.f32 $1.500000000e+00, v57  }
0x38b: {  	v15 =	vmul.f32 v15, v14;
	v39 =	vsel vm15, v11, v17  }
0x38c: {  	v19 =	vsub.f32 $1.000000000e+00, v19;
	v11 =	vmul.f32 v62, v21;
	v21 =	vand.u32 $0x7FFFFFFF, v39  }
0x38d: {  	v14 =	vsel vm2, v15, v14;
	vm0 =	vgt.f32 v21, $9.999999970e-07  }
0x38e: {  	v17 =	vmul.f32 v26, v17;
	v15 =	vmax.f32 v19, $0.0e+00;
	v21 =	vnsel vm0, $0x3F800000, v39  }
0x38f: {  	v19 =	vmul.f32 v11, v23;
	v15 =	vmin.f32 v15, $1.000000000e+00;
	(erf) = vrcp.f32 v21  }
0x390: {  	v26 =	vmul.f32 v8, v35;
	v15 =	vmul.f32 v15, v14  }
0x391: {  	v62 =	vmul.f32 v7, v38;
	v19 =	vmul.f32 v19, v11  }
0x392: {  	v21 =	vmul.f32 v52, v40;
	v14 =	vsel vm3, v15, v14;
	v15 =	vmul.f32 v61, v51  }
0x393: {  	v8 =	vmul.f32 v8, v31;
	v23 =	vsub.f32 $1.000000000e+00, v43;
	v60 =	vadd.f32 v17, v22  }
0x394: {  	v19 =	vsub.f32 $1.500000000e+00, v19;
	v15 =	vadd.f32 v21, v15;
	v21 =	vmul.f32 v6, v38  }
0x395: {  	v8 =	vsub.f32 v62, v8;
	v31 =	vmul.f32 $3.999999910e-02, v23;
	v41 =	vsel vm15, v60, v22  }
0x396: {  	v17 =	vmul.f32 v19, v11;
	v11 =	vadd.f32 v15, v44;
	v15 =	vsub.f32 v21, v26  }
0x397: {  	v8 =	vmul.f32 v8, v18;
	v19 =	vmul.f32 v31, v23;
	v21 =	vsub.f32 v1, v41  }
0x398: {  	v22 =	vsub.f32 $1.000000000e+00, v58;
	v11 =	vmul.f32 v17, v11;
	v15 =	vmul.f32 v15, v18;
	v18 =	vpop (erf)  }
0x399: {  	v42 =	vsel vm15, v8, v7;
	v19 =	vsub.f32 $1.000000000e+00, v19;
	v58 =	vmul.f32 v18, v21  }
0x39a: {  	v11 =	vmax.f32 v11, $-1.000000000e+00;
	v18 =	vmul.f32 $3.999999910e-02, v22;
	v43 =	vsel vm15, v15, v6  }
0x39b: {  	v6 =	vmin.f32 v11, $1.000000000e+00;
	v7 =	vmul.f32 v58, v43;
	v8 =	vmul.f32 v58, v42  }
0x39c: {  	v56 =	vsel vm15, v10, v4;
	v11 =	vmul.f32 v6, v6;
	v4 =	vmul.f32 v18, v22;
	v18 =	vld [tilespmem:$0x1FF60]  }
0x39d: {  	v55 =	vsel vm15, v13, v5;
	v1 =	vmax.f32 v19, $0.0e+00;
	v60 =	vadd.f32 v7, v56  }
0x39e: {  	v10 =	vld [tilespmem:s30+$0x0];
	v5 =	vmin.f32 v1, $1.000000000e+00;
	v57 =	vadd.f32 v8, v55;
	v8 =	vsub.f32 $1.000000000e+00, v11  }
0x39f: {  	v5 =	vmul.f32 v5, v14;
	v7 =	vsub.f32 $1.000000000e+00, v45;
	v4 =	vsub.f32 $1.000000000e+00, v4  }
0x3a0: {  	v62 =	vmul.f32 v60, v0;
	v45 =	vmul.f32 v57, v0;
	v8 =	vmax.f32 v8, $0.0e+00  }
0x3a1: {  	v11 =	vmul.f32 $3.999999910e-02, v7;
	v4 =	vmax.f32 v4, $0.0e+00;
	v8 =	vmul.f32 v8, v18  }
0x3a2: {  	v4 =	vmin.f32 v4, $1.000000000e+00;
	v13 =	vmul.f32 v62, v62;
	v15 =	vmul.f32 v45, v45  }
0x3a3: {  	v7 =	vmul.f32 v11, v7;
	v4 =	vmul.f32 v4, v10  }
0x3a4: {  	v5 =	vsel vm4, v5, v14;
	v8 =	vsub.f32 $1.000000000e+00, v8;
	v11 =	vadd.f32 v15, v13  }
0x3a5: {  	v13 =	vsub.f32 $1.000000000e+00, v59;
	v4 =	vsel vm8, v4, v10;
	v7 =	vsub.f32 $1.000000000e+00, v7  }
0x3a6: {  	v8 =	vmax.f32 v8, $9.999999930e-09;
	v10 =	vadd.f32 $1.000000000e+00, v11;
	v11 =	vsub.f32 $1.000000000e+00, v46  }
0x3a7: {  	v14 =	vmul.f32 $3.999999910e-02, v13;
	v15 =	vshrl.u32 v8, $0x1;
	v19 =	vmul.f32 $5.000000000e-01, v8  }
0x3a8: {  	v7 =	vmax.f32 v7, $0.0e+00;
	v18 =	vshrl.u32 v10, $0x1;
	v10 =	vmul.f32 $5.000000000e-01, v10  }
0x3a9: {  	v15 =	vsub.s32 $0x5F3759DF, v15;
	v13 =	vmul.f32 v14, v13;
	v14 =	vsub.s32 $0x5F3759DF, v18  }
0x3aa: {  	v7 =	vmin.f32 v7, $1.000000000e+00;
	v18 =	vmul.f32 $3.999999910e-02, v11;
	v21 =	vmul.f32 v14, v10  }
0x3ab: {  	v22 =	vmul.f32 v15, v19;
	v7 =	vmul.f32 v7, v5;
	v13 =	vsub.f32 $1.000000000e+00, v13  }
0x3ac: {  	v11 =	vmul.f32 v18, v11;
	v18 =	vmul.f32 v14, v21  }
0x3ad: {  	v21 =	vmul.f32 v15, v22;
	v13 =	vmax.f32 v13, $0.0e+00;
	v22 =	vsub.f32 $1.000000000e+00, v63;
	v63 =	vld [tilespmem:$0x1FF70]  }
0x3ae: {  	v13 =	vmin.f32 v13, $1.000000000e+00;
	v18 =	vsub.f32 $1.500000000e+00, v18  }
0x3af: {  	v5 =	vsel vm5, v7, v5;
	v7 =	vsub.f32 $1.500000000e+00, v21;
	v13 =	vmul.f32 v13, v4  }
0x3b0: {  	v0 =	vsub.f32 $1.000000000e+00, v16;
	v21 =	vmul.f32 v45, v42;
	v14 =	vmul.f32 v14, v18  }
0x3b1: {  	v11 =	vsub.f32 $1.000000000e+00, v11;
	v18 =	vmul.f32 $3.999999910e-02, v22;
	v7 =	vmul.f32 v15, v7  }
0x3b2: {  	v59 =	vmovc v38;
	v38 =	vld [tilespmem:$0x1FF60];
	v4 =	vsel vm9, v13, v4;
	v13 =	vmul.f32 v6, v63;
	v10 =	vmul.f32 v14, v10  }
0x3b3: {  	v11 =	vmax.f32 v11, $0.0e+00;
	v15 =	vmul.f32 v18, v22;
	v18 =	vmul.f32 v62, v43  }
0x3b4: {  	v11 =	vmin.f32 v11, $1.000000000e+00;
	v19 =	vmul.f32 v7, v19;
	v10 =	vmul.f32 v10, v14  }
0x3b5: {  	v15 =	vsub.f32 $1.000000000e+00, v15;
	v18 =	vadd.f32 v21, v18;
	v21 =	vmul.f32 v13, v13  }
0x3b6: {  	v11 =	vmul.f32 v11, v5;
	v19 =	vmul.f32 v19, v7;
	v10 =	vsub.f32 $1.500000000e+00, v10  }
0x3b7: {  	v15 =	vmax.f32 v15, $0.0e+00;
	v21 =	vsub.f32 v38, v21;
	v18 =	vadd.f32 v18, v39  }
0x3b8: {  	v15 =	vmin.f32 v15, $1.000000000e+00;
	v10 =	vmul.f32 v10, v14;
	v14 =	vmul.f32 $3.999999910e-02, v0  }
0x3b9: {  	v5 =	vsel vm7, v11, v5;
	v11 =	vsub.f32 $1.500000000e+00, v19;
	v15 =	vmul.f32 v15, v4  }
0x3ba: {  	v19 =	vadd.f32 v8, v21;
	v0 =	vmul.f32 v14, v0;
	v14 =	vmul.f32 v10, v18  }
0x3bb: {  	v1 =	vsub.f32 $1.000000000e+00, v12;
	v7 =	vmul.f32 v11, v7;
	v4 =	vsel vm10, v15, v4  }
0x3bc: {  	v11 =	vshrl.u32 v19, $0x1;
	v0 =	vsub.f32 $1.000000000e+00, v0;
	v14 =	vmax.f32 v14, $-1.000000000e+00  }
0x3bd: {  	v15 =	vmul.f32 $5.000000000e-01, v19;
	v7 =	vmul.f32 v7, v8;
	v14 =	vmin.f32 v14, $1.000000000e+00  }
0x3be: {  	v11 =	vsub.s32 $0x5F3759DF, v11;
	v0 =	vmax.f32 v0, $0.0e+00;
	v18 =	vmul.f32 v14, v14  }
0x3bf: {  	v19 =	vmul.f32 $3.999999910e-02, v1;
	v8 =	vmul.f32 v11, v15;
	v0 =	vmin.f32 v0, $1.000000000e+00  }
0x3c0: {  	v0 =	vmul.f32 v0, v4;
	v18 =	vsub.f32 $1.000000000e+00, v18  }
0x3c1: {  	v1 =	vmul.f32 v19, v1;
	v8 =	vmul.f32 v11, v8  }
0x3c2: {  	v7 =	vsub.f32 v13, v7;
	v0 =	vsel vm11, v0, v4;
	v4 =	vmax.f32 v18, $0.0e+00  }
0x3c3: {  	v1 =	vsub.f32 $1.000000000e+00, v1;
	v8 =	vsub.f32 $1.500000000e+00, v8;
	v4 =	vmul.f32 v4, v38  }
0x3c4: {  	v2 =	vsub.f32 $1.000000000e+00, v2;
	v13 =	vmul.f32 v51, v63;
	v7 =	vmul.f32 v7, v17  }
0x3c5: {  	v1 =	vmax.f32 v1, $0.0e+00;
	v8 =	vmul.f32 v11, v8;
	v4 =	vsub.f32 $1.000000000e+00, v4  }
0x3c6: {  	v17 =	vmul.f32 v7, v61;
	v1 =	vmin.f32 v1, $1.000000000e+00;
	v18 =	vmul.f32 $3.999999910e-02, v2  }
0x3c7: {  	v11 =	vmul.f32 v40, v63;
	v15 =	vmul.f32 v8, v15;
	v4 =	vmax.f32 v4, $9.999999930e-09  }
0x3c8: {  	v2 =	vmul.f32 v18, v2;
	v18 =	vshrl.u32 v4, $0x1;
	v19 =	vmul.f32 $5.000000000e-01, v4  }
0x3c9: {  	v13 =	vsub.f32 v13, v17;
	v17 =	vmul.f32 v7, v52;
	v18 =	vsub.s32 $0x5F3759DF, v18  }
0x3ca: {  	v15 =	vmul.f32 v15, v8;
	v2 =	vsub.f32 $1.000000000e+00, v2;
	v21 =	vmul.f32 v18, v19  }
0x3cb: {  	v1 =	vmul.f32 v1, v0;
	v11 =	vsub.f32 v11, v17  }
0x3cc: {  	v61 =	vsub.f32 $1.500000000e+00, v15;
	v2 =	vmax.f32 v2, $0.0e+00;
	v17 =	vmul.f32 v18, v21  }
0x3cd: {  	v0 =	vsel vm12, v1, v0;
	v2 =	vmin.f32 v2, $1.000000000e+00  }
0x3ce: {  	v1 =	vmul.f32 v61, v8;
	v21 =	vmul.f32 v44, v63;
	v8 =	vsub.f32 $1.500000000e+00, v17  }
0x3cf: {  	v23 =	vmul.f32 v42, v63;
	v2 =	vmul.f32 v2, v0  }
0x3d0: {  	v13 =	vmul.f32 v13, v1;
	v7 =	vsub.f32 v21, v7;
	v8 =	vmul.f32 v18, v8  }
0x3d1: {  	v6 =	vsub.f32 $1.000000000e+00, v6;
	v52 =	vmul.f32 v11, v1;
	v17 =	vmul.f32 v14, v63  }
0x3d2: {  	vm14 =	vgt.f32 v54, $9.999999970e-07;
	v1 =	vmul.f32 v7, v1;
	v7 =	vmul.f32 v8, v19  }
0x3d3: {  	v3 =	vsub.f32 $1.000000000e+00, v3;
	v11 =	vmul.f32 $3.999999910e-02, v6;
	v18 =	vmul.f32 v17, v17  }
0x3d4: {  	vm2 =	vmand vm6, vm14;
	v15 =	vmul.f32 v54, v44;
	v7 =	vmul.f32 v7, v8  }
0x3d5: {  	v0 =	vsel vm13, v2, v0;
	v6 =	vmul.f32 v11, v6;
	v18 =	vsub.f32 v38, v18  }
0x3d6: {  	v11 =	vadd.f32 v15, v53;
	v15 =	vsel vm2, v50, v48;
	v7 =	vsub.f32 $1.500000000e+00, v7  }
0x3d7: {  	v21 =	vmul.f32 $3.999999910e-02, v3;
	v13 =	vsel vm2, v13, v51;
	v18 =	vadd.f32 v4, v18  }
0x3d8: {  	v2 =	vsel vm2, v52, v40;
	v6 =	vsub.f32 $1.000000000e+00, v6;
	v7 =	vmul.f32 v7, v8  }
0x3d9: {  	v3 =	vmul.f32 v21, v3;
	v22 =	vshrl.u32 v18, $0x1;
	v18 =	vmul.f32 $5.000000000e-01, v18  }
0x3da: {  	v31 =	vld [tilespmem:$0x1FFA0];
	v6 =	vmax.f32 v6, $0.0e+00;
	v21 =	vsub.s32 $0x5F3759DF, v22;
	v4 =	vmul.f32 v7, v4  }
0x3db: {  	v3 =	vsub.f32 $1.000000000e+00, v3;
	v6 =	vmin.f32 v6, $1.000000000e+00;
	v8 =	vmul.f32 v21, v18  }
0x3dc: {  	v35 =	vld [tilespmem:$0x1FFB0];
	v14 =	vsub.f32 $1.000000000e+00, v14;
	v6 =	vmul.f32 v6, v5;
	v4 =	vsub.f32 v17, v4  }
0x3dd: {  	v54 =	vld [tilespmem:$0x1FFC0];
	v1 =	vsel vm2, v1, v44;
	v3 =	vmax.f32 v3, $0.0e+00;
	v7 =	vmul.f32 v21, v8  }
0x3de: {  	s0 =	sadd.s32 $0xFFFFFF90, s31;
	v44 =	vld [tilespmem:$0x1FFD0];
	v3 =	vmin.f32 v3, $1.000000000e+00;
	v5 =	vsel vm2, v6, v5;
	v4 =	vmul.f32 v4, v10  }
0x3df: {  	v46 =	vld [tilespmem:$0x1FFE0];
	v6 =	vadd.s32 s0, v31;
	v3 =	vmul.f32 v3, v0;
	v7 =	vsub.f32 $1.500000000e+00, v7  }
0x3e0: {  	v11 =	vsel vm2, v11, v53;
	v19 =	vsel vm2, v49, v47;
	v26 =	vmul.f32 v4, v45;
	v45 =	vld [tilespmem:$0x1FFF0]  }
0x3e1: {  	v0 =	vsel vm15, v3, v0;
	v8 =	vadd.s32 s0, v35;
	v7 =	vmul.f32 v21, v7  }
0x3e2: {  	vm15 =	vgt.f32 v58, $9.999999970e-07;
	v10 =	vadd.s32 s0, v54;
	v21 =	vmul.f32 v43, v63  }
0x3e3: {  	v17 =	vadd.s32 s0, v44;
	v62 =	vmul.f32 v4, v62;
	v18 =	vmul.f32 v7, v18  }
0x3e4: {  	v50 =	vld [tilespmem:$0x1FF40];
	v22 =	vadd.s32 s0, v46;
	vm0 =	vmand vm0, vm15;
	[tilespmem:v6+s18+$0x0] =	vst.idx.msk $0xffff, v15;
	v15 =	vmul.f32 v39, v63  }
0x3e5: {  	v48 =	vld [tilespmem:$0x1FF20];
	v52 =	vmovc v28;
	v3 =	vsub.f32 v21, v62;
	v18 =	vmul.f32 v18, v7;
	v21 =	vadd.s32 s0, v45  }
0x3e6: {  	v28 =	vld [tilespmem:$0x1FED0];
	[tilespmem:v8+s18+$0x0] =	vst.idx.msk $0xffff, v19;
	v8 =	vadd.s32 s0, v30;
	v4 =	vsub.f32 v15, v4;
	v6 =	vsub.f32 v23, v26  }
0x3e7: {  	v49 =	vld [tilespmem:$0x1FF30];
	v19 =	vmovc v30;
	[tilespmem:v10+s18+$0x0] =	vst.idx.msk $0xffff, v11;
	v10 =	vmul.f32 $3.999999910e-02, v14;
	v11 =	vadd.s32 s31, v31;
	v18 =	vsub.f32 $1.500000000e+00, v18  }
0x3e8: {  	v47 =	vld [tilespmem:$0x1FF10];
	v15 =	vadd.s32 s31, v35;
	v23 =	vmovc v33;
	v33 =	vmov v9;
	[tilespmem:v17+s18+$0x0] =	vst.idx.msk $0xffff, v13;
	v13 =	vmul.f32 v58, v39  }
0x3e9: {  	v30 =	vld [tilespmem:$0x1FEF0];
	[tilespmem:v22+s18+$0x0] =	vst.idx.msk $0xffff, v2;
	v38 =	vmul.f32 v10, v14;
	v10 =	vadd.s32 s31, v54;
	v7 =	vmul.f32 v18, v7  }
0x3ea: {  	v9 =	vld [tilespmem:$0x1FEE0];
	v14 =	vadd.s32 s31, v44;
	v54 =	vadd.f32 v13, v41;
	v13 =	vsel vm0, v60, v56;
	[tilespmem:v21+s18+$0x0] =	vst.idx.msk $0xffff, v1  }
0x3eb: {  	v62 =	vmovc v36;
	v36 =	vld [tilespmem:$0x1FF80];
	v56 =	vsel vm0, v57, v55;
	v2 =	vsub.f32 $1.000000000e+00, v38;
	[tilespmem:v8+s18+$0x0] =	vst.idx.msk $0xffff, v5;
	v8 =	vadd.s32 s31, v46  }
0x3ec: {  	s22 =	sadd.s32 $0x2, s22;
	v58 =	vld [tilespmem:$0x1FF50];
	v57 =	vadd.s32 s31, v19;
	v3 =	vmul.f32 v3, v7;
	[tilespmem:v11+s18+$0x0] =	vst.idx.msk $0xffff, v13;
	v11 =	vadd.s32 s31, v45  }
0x3ed: {  	p0 =	slt.u32 s22, $0x7E;
	v18 =	vld [tilespmem:$0x1FF00];
	v6 =	vmul.f32 v6, v7;
	v2 =	vmax.f32 v2, $0.0e+00;
	[tilespmem:v15+s18+$0x0] =	vst.idx.msk $0xffff, v56;
	v1 =	vsel vm0, v54, v41  }
.Ltmp0:
0x3ee: {  	v4 =	vmul.f32 v4, v7;
	v15 =	vld [tilespmem:$0x1FF90];
	v2 =	vmin.f32 v2, $1.000000000e+00;
	v3 =	vsel vm0, v3, v43;
	[tilespmem:v10+s18+$0x0] =	vst.idx.msk $0xffff, v1;
	(pc) =	sbr.rel @p0 .LBB2_3-.Ltmp0, $4  }
0x3ef: {  	v21 =	vmov v27;
	v61 =	vsel vm0, v6, v42;
	v27 =	vld [tilespmem:$0x1FEB0];
	v60 =	vmul.f32 v2, v0;
	[tilespmem:v14+s18+$0x0] =	vst.idx.msk $0xffff, v3  }
0x3f0: {  	s28 =	sadd.s32 $0x20, s28;
	s29 =	sadd.s32 $0x20, s29;
	v63 =	vsel vm0, v4, v39;
	v14 =	vld [tilespmem:$0x1FEC0];
	[tilespmem:v8+s18+$0x0] =	vst.idx.msk $0xffff, v61  }
0x3f1: {  	s26 =	sadd.s32 $0x20, s26;
	s24 =	sadd.s32 $0x20, s24;
	s25 =	sadd.s32 $0x20, s25;
	v0 =	vsel vm0, v60, v0;
	v8 =	vld [tilespmem:$0x1FE90];
	[tilespmem:v11+s18+$0x0] =	vst.idx.msk $0xffff, v63  }
0x3f2: {  	s23 =	sadd.s32 $0x20, s23;
	s30 =	sadd.s32 $0x20, s30;
	s31 =	sadd.s32 $0xE0, s31;
	v11 =	vld [tilespmem:$0x1FEA0];
	[tilespmem:v57+s18+$0x0] =	vst.idx.msk $0xffff, v0  }
0x3f3: {  	s0 =	smul.u32 $0x7, s21  }
0x3f4: {  	s20 =	sadd.s32 $0x1, s20  }
0x3f5: {  	p0 =	sne.s32 s20, $0x20;
	s0 =	sshrl.u32 s0, $0x3  }
.Ltmp1:
0x3f6: {  	s0 =	sadd.s32 s2, s0;
	(pc) =	sbr.rel @p0 .LBB2_2-.Ltmp1, $4  }
0x3f7: {  	[hbm4b:s0+s3] =	stream.linear.scatter [tilespmem:s18], [sflag:$0x1], $0x3800, $0x38;
	[tilespmem:$0x7080] =	vst v63  }
0x3f8: {  	_ =	swait.ge [sflag:s11], $0x3800  }
0x3f9: {  	[sflag:s11] =	ssyncset.done $0x0  }
0x3fa: {  	[sflag:s11] =	ssyncadd.s32 $0xFFFFC800  }
0x3fb: {  	s19 =	sadd.s32 $0x1, s19  }
0x3fc: {  	p0 =	sne.s32 s19, s9  }
.Ltmp2:
0x3fd: {  	_ = 	snop;
	(pc) =	sbr.rel @p0 .LBB2_1-.Ltmp2, $1  }
0x3fe: {  	_ =	sdelay $0x3  }
0x3ff: {  	_ =	sfence.sel $0x180000  }
0x400: {  	[bflag:$0x0] =	sbarrier.arrive $0xFFFF  }
0x401: {  	_ =	strace $0x90000047  }
0x402: {  	[bflag:$0x2] =	sbarrier.arrive $0xFFFF  }
0x403: {  	p0 =	sne.s32 s4, $0x0;
	s0 =	rddreg [dreg:$0x3]  }
0x404: {  	s0 =	sadd.s32 @!p0 $0x100000, s0  }
0x405: {  	[sflag:s0] =	ssyncadd.tile.s32 @!p0 $0x1;
	_ =	shalt  }
.Lfunc_end2:
_tile_overlayer_lowered:
.L_overlay_start_2:
0x406: {  	(tag) =	ssettag $0x2  }
0x407: {  	s0 =	rddreg [dreg:$0x0];
	s2 =	stileid.u32  }
0x408: {  	s1 =	rddreg [dreg:$0x1];
	p0 =	sne.s32 s2, $0x0  }
0x409: {  	s3 =	rddreg [dreg:$0x2];
	[bflag:$0x3] =	sbarrier.arrive $0xFFFF;
	s2 =	simm.s32 @!p0 $0x1C01  }
0x40a: {  	[timem:s3], [sflag:s2] =	dma.local @!p0 [hbm:s0], s1  }
0x40b: {  	s0 =	simm.s32 @!p0 $0x1  }
0x40c: {  	_ =	swait.ge @!p0 [sflag:s0], s1  }
0x40d: {  	s1 =	ssub.s32 @!p0 $0x0, s1;
	[sflag:s0] =	ssyncset.done @!p0 $0x0  }
0x40e: {  	[sflag:s0] =	ssyncadd.s32 @!p0 s1  }
0x40f: {  	[bflag:$0x3] =	sbarrier.arrive $0xFFFF  }
0x410: {  	_ =	shalt  }

// kernel: sparse-core-data-format-call.cloned.1.call-start
scs
called_computation_lowered:
.L_overlay_start_0:
0x0: {  	s2 =	sld [smem:$0x3FD9]  }
0x1: {  	s3 =	sld [smem:$0x3FFE];
	_ =	sdelay $0x1  }
0x2: {  	s1 =	srdreg.scid  }
0x3: {  	s0 =	sand.u32 $0x1, s1  }
0x4: {  	s18 =	sshll.u32 s0, $0xA;
	s2 =	sadd.s32 s3, s2  }
0x5: {  	s2 =	sadd.s32 s2, s18  }
0x6: {  	[smem:$0x3FC2] =	sst s2  }
0x7: {  	_ = 	snop  }
0x8: {  	s2 =	sld [smem:$0x3FD0];
	(tm) =	ssettm $0x1  }
0x9: {  	s19 =	sld [smem:$0x3FFB];
	_ =	sdelay $0x3  }
0xa: {  	_ =	strace s19  }
0xb: {  	s3 =	sld [smem:$0x3FFC];
	_ =	sdelay $0x3  }
0xc: {  	_ =	strace s3  }
0xd: {  	s3 =	sld [smem:$0x3FFD];
	_ =	sdelay $0x3  }
0xe: {  	_ =	strace s3  }
0xf: {  	_ =	strace $0x8FFFFFFF  }
0x10: {  	s20 =	sld [smem:$0x3FDB];
	_ =	sdelay $0x1  }
0x11: {  	s4 =	simm.s32 $_scs_section_size  }
0x12: {  	s5 =	simm.s32 $_size__tile_overlayer_lowered;
	s6 =	simm.s32 $_tile_overlayer_lowered  }
0x13: {  	s23 =	simm.s32 $0x1BFF;
	s22 =	sshll.u32 s6, $0x1;
	s3 =	sadd.s32 s4, s20  }
0x14: {  	s7 =	simm.s32 $0x0;
	s21 =	sshll.u32 s5, $0x1;
	s5 =	sadd.s32 s22, s3  }
0x15: {  	[timem:s7], [sflag:s23] =	dma.local [hbm:s5], s21  }
0x16: {  	_ =	swait.ge [sflag:s23], s21  }
0x17: {  	s4 =	ssub.s32 $0x0, s21;
	[sflag:s23] =	ssyncset.done $0x0  }
0x18: {  	[sflag:s23] =	ssyncadd.s32 s4;
	_ =	sdelay $0x1  }
0x19: {  	s24 =	simm.s32 $0x1B8B  }
0x1a: {  	_ =	swait.ge [sflag:s24], $0x1  }
0x1b: {  	[sflag:s24] =	ssyncset.done $0x0  }
0x1c: {  	s26 =	simm.s32 $0x1B8E;
	s25 =	sld [smem:$0x3FFE];
	[sflag:s24] =	ssyncadd.s32 $0xFFFFFFFF  }
0x1d: {  	s27 =	simm.s32 $execute0_lowered;
	[smem:$0x3FD2] =	sst s26  }
0x1e: {  	s5 =	sshll.u32 s27, $0x1;
	_ =	strace $0x80000049;
	[dreg:$0x1] =	wrdreg $0xFFFFFFFF  }
0x1f: {  	s28 =	simm.s32 $_size_execute0_lowered;
	s3 =	sadd.s32 s3, s5;
	[dreg:$0x0] =	wrdreg $0x0  }
0x20: {  	s5 =	sshll.u32 s28, $0x1;
	[dreg:$0x2] =	wrdreg s3  }
0x21: {  	[dreg:$0x3] =	wrdreg s5  }
0x22: {  	[dreg:$0x4] =	wrdreg $0xC0  }
0x23: {  	_ =	task [dreg:s7], $0x5FFFF  }
0x24: {  	[dreg:$0x1] =	wrdreg $0xFFFFFFFF  }
0x25: {  	[dreg:$0x0] =	wrdreg $0x60  }
0x26: {  	[dreg:$0x2] =	wrdreg s25  }
0x27: {  	[dreg:$0x3] =	wrdreg s2  }
0x28: {  	[dreg:$0x4] =	wrdreg $0x9  }
0x29: {  	_ =	task.clear_ibuf [dreg:s7], $0x5FFFF;
	_ =	strace $0x90000049  }
0x2a: {  	s29 =	simm.s32 $0x9;
	_ =	strace $0x8000004B  }
0x2b: {  	_ =	swait.ge [sflag:s29], $0x1  }
0x2c: {  	[sflag:s29] =	ssyncadd.s32 $0xFFFFFFFF  }
0x2d: {  	_ =	strace $0x9000004B  }
0x2e: {  	_ =	sfence  }
0x2f: {  	s30 =	sld [smem:$0x0];
	_ =	sdelay $0x2  }
0x30: {  	s31 =	sshll.u32 s1, $0xD;
	s1 =	sshrl.u32 s1, $0x2  }
0x31: {  	s3 =	sand.u32 $0x4000, s31;
	s1 =	sadd.s32 s1, s30  }
0x32: {  	s0 =	sor.u32 s3, s0;
	s1 =	sshll.u32 s1, $0x11  }
0x33: {  	s0 =	sor.u32 s1, s0  }
0x34: {  	s0 =	sadd.s32 $0x8F2B, s0  }
0x35: {  	[sflag:s0] =	ssyncadd.remote.s32 $0x1  }
0x36: {  	_ =	sfence.sel $0xFFFF  }
0x37: {  	[dreg:$0x0] =	wrdreg $0xFFFFFFFF;
	(pc) =	sbr.abs _section_cstart, $3  }
0x38: {  	[dreg:$0x1] =	wrdreg $0xFFFFFFFF  }
0x39: {  	_ =	task.clear_ibuf [dreg:s7], $0x2FFFF;
	_ =	strace $0x9FFFFFFF  }
0x3a: {  	(tm) =	ssettm $0x7FFFFFFF  }
0x3b: {  	_ =	shalt  }
tec
execute0_lowered:
.L_overlay_start_1:
0x0: {  	(tag) =	ssettag $0x1  }
0x1: {  	s0 =	srdreg.scid  }
0x2: {  	s1 =	sshll.u32 s0, $0x4  }
0x3: {  	s6 =	rddreg [dreg:$0x0];
	s0 =	stileid.u32;
	s1 =	sand.u32 $0x10, s1  }
0x4: {  	s3 =	rddreg [dreg:$0x1];
	s1 =	sor.u32 s0, s1  }
0x5: {  	s7 =	simm.s32 $0x1;
	s8 =	simm.s32 $0x2;
	s2 =	sshll.u32 s1, $0x7  }
0x6: {  	s10 =	simm.s32 $0x0;
	s9 =	simm.s32 $0x0;
	s5 =	ssub.s32 $0x200000, s2  }
.Ltmp0:
0x7: {  	s6 =	sadd.s32 $0x200, s6;
	s4 =	sand.u32 $0xF80, s5;
	(pc) =	sbr.rel .LBB1_1-.Ltmp0, $4  }
0x8: {  	s1 =	rddreg [dreg:$0x2];
	_ =	strace $0x8000004A;
	p0 =	sne.s32 s4, $0x0  }
0x9: {  	s5 =	sshrl.u32 s5, $0xC;
	s4 =	simm.s32 $0x1;
	s7 =	simm.s32 @!p0 $0x0  }
0xa: {  	[sflag:s4] =	ssyncpa.u1 $0x0;
	p0 =	por $0x0, $0x0;
	s5 =	sadd.s32 s7, s5  }
0xb: {  	[sflag:s8] =	ssyncpa.u1 $0x0;
	s8 =	smov.u32 s2;
	s7 =	sadd.s32 $0x1, s5  }
.LBB1_4:
0xc: {  	[tilespmem:s20+$0xFFFFFFFA ss:$0x81] =	vst.msk $0xff, v4  }
0xd: {  	v4 =	vld.msk [tilespmem:s21+$0xFFFFFFF0], $0xff;
	_ =	sdelay $0x3  }
0xe: {  	[tilespmem:s18+$0xFFFFFFFB ss:$0x81] =	vst.msk $0xff, v3  }
0xf: {  	v3 =	vld.msk [tilespmem:s19+$0xFFFFFFF8], $0xff;
	[tilespmem:s20+$0xFFFFFFFB ss:$0x81] =	vst.msk $0xff, v4  }
0x10: {  	v4 =	vld.msk [tilespmem:s21+$0xFFFFFFF8], $0xff;
	_ =	sdelay $0x3  }
0x11: {  	v5 =	vld.msk [tilespmem:s17+$0x0], $0xff;
	[tilespmem:s18+$0xFFFFFFFC ss:$0x81] =	vst.msk $0xff, v3  }
0x12: {  	v3 =	vld.msk [tilespmem:s19+$0x0], $0xff;
	[tilespmem:s20+$0xFFFFFFFC ss:$0x81] =	vst.msk $0xff, v4  }
0x13: {  	v4 =	vld.msk [tilespmem:s21+$0x0], $0xff;
	_ =	sdelay $0x2  }
0x14: {  	[tilespmem:s16+$0xFFFFFFFD ss:$0x81] =	vst.msk $0xff, v5  }
0x15: {  	v5 =	vld.msk [tilespmem:s17+$0x8], $0xff;
	[tilespmem:s18+$0xFFFFFFFD ss:$0x81] =	vst.msk $0xff, v3  }
0x16: {  	v3 =	vld.msk [tilespmem:s19+$0x8], $0xff;
	[tilespmem:s20+$0xFFFFFFFD ss:$0x81] =	vst.msk $0xff, v4  }
0x17: {  	v4 =	vld.msk [tilespmem:s21+$0x8], $0xff;
	_ =	sdelay $0x1  }
0x18: {  	[tilespmem:s14+$0xFFFFFFFE ss:$0x81] =	vst.msk $0xff, v2  }
0x19: {  	v2 =	vld.msk [tilespmem:s15+$0x10], $0xff;
	[tilespmem:s16+$0xFFFFFFFE ss:$0x81] =	vst.msk $0xff, v5  }
0x1a: {  	v5 =	vld.msk [tilespmem:s17+$0x10], $0xff;
	[tilespmem:s18+$0xFFFFFFFE ss:$0x81] =	vst.msk $0xff, v3  }
0x1b: {  	v3 =	vld.msk [tilespmem:s19+$0x10], $0xff;
	[tilespmem:s20+$0xFFFFFFFE ss:$0x81] =	vst.msk $0xff, v4  }
0x1c: {  	v4 =	vld.msk [tilespmem:s21+$0x10], $0xff  }
0x1d: {  	[tilespmem:s12+$0xFFFFFFFF ss:$0x81] =	vst.msk $0xff, v1  }
0x1e: {  	v1 =	vld.msk [tilespmem:s13+$0x18], $0xff;
	[tilespmem:s14+$0xFFFFFFFF ss:$0x81] =	vst.msk $0xff, v2  }
0x1f: {  	v2 =	vld.msk [tilespmem:s15+$0x18], $0xff;
	[tilespmem:s16+$0xFFFFFFFF ss:$0x81] =	vst.msk $0xff, v5  }
0x20: {  	v61 =	vld.msk [tilespmem:s17+$0x18], $0xff;
	[tilespmem:s18+$0xFFFFFFFF ss:$0x81] =	vst.msk $0xff, v3  }
0x21: {  	v62 =	vld.msk [tilespmem:s19+$0x18], $0xff;
	[tilespmem:s20+$0xFFFFFFFF ss:$0x81] =	vst.msk $0xff, v4  }
0x22: {  	[tilespmem:s11+$0x0 ss:$0x81] =	vst.msk $0xff, v0;
	v63 =	vld.msk [tilespmem:s21+$0x18], $0xff  }
0x23: {  	s28 =	sshll.u32 s10, $0x3;
	[tilespmem:s12+$0x0 ss:$0x81] =	vst.msk $0xff, v1  }
0x24: {  	s29 =	sand.u32 $0x78, s10;
	s11 =	sand.u32 $0x1FFC00, s28;
	[tilespmem:s14+$0x0 ss:$0x81] =	vst.msk $0xff, v2  }
0x25: {  	s30 =	sand.u32 $0x1C0000, s10;
	s11 =	sor.u32 s29, s11;
	[tilespmem:s16+$0x0 ss:$0x81] =	vst.msk $0xff, v61  }
0x26: {  	s11 =	sshrl.u32 s11, $0x3;
	s12 =	sadd.s32 s3, s30;
	[tilespmem:s18+$0x0 ss:$0x81] =	vst.msk $0xff, v62  }
0x27: {  	s31 =	sand.u32 $0x7, s10;
	s11 =	sadd.s32 s11, s12;
	[tilespmem:s20+$0x0 ss:$0x81] =	vst.msk $0xff, v63  }
0x28: {  	[hbm4b:s11+s31] =	stream.linear.scatter [tilespmem:s22], [sflag:$0x2], $0x400, $0x20;
	[tilespmem:$0x1010] =	vst v63  }
.LBB1_5:
0x29: {  	s12 =	sadd.s32 $0x1000, s8  }
0x2a: {  	p2 =	sgt.s32 s12, $0x1FFFFF  }
0x2b: {  	s12 =	smov.u32 @p2 s2;
	p2 =	sne.s32 s9, s7  }
.Ltmp1:
0x2c: {  	p1 =	slt.u32 s9, $0x2;
	(pc) =	sbr.rel @!p2 .LBB1_6-.Ltmp1, $4  }
0x2d: {  	s11 =	simm.s32 @!p1 $0x2  }
0x2e: {  	s13 =	sadd.s32 $0x1, s9;
	_ =	swait.ge @!p1 [sflag:s11], $0x400  }
0x2f: {  	s10 =	smov.u32 s8;
	p0 =	por !p0, !p0;
	[sflag:s11] =	ssyncset.done @!p1 $0x0  }
0x30: {  	s9 =	smov.u32 s13;
	s8 =	smov.u32 s12;
	[sflag:s11] =	ssyncadd.s32 @!p1 $0xFFFFFC00  }
.LBB1_1:
0x31: {  	p1 =	sge.u32 s9, s5  }
0x32: {  	s31 =	sadd.s32 $0xFFFFFFFF, s9;
	s11 =	sxor.u32 @!p1 $0xFFFFFFFF, s9;
	s12 =	sshll.u32 @!p1 s8, $0x4  }
0x33: {  	s13 =	simm.s32 @!p1 $0x8;
	s11 =	sshll.u32 @!p1 s11, $0xA;
	s12 =	sand.u32 @!p1 $0x1FFFFF0, s12  }
0x34: {  	s14 =	simm.s32 @!p1 $0x80;
	s11 =	sand.u32 @!p1 $0x400, s11;
	s12 =	sadd.s32 @!p1 s6, s12  }
0x35: {  	[tilespmem:s11], [sflag:$0x1] =	stream.strided.gather @!p1 [hbm4b:s12+s13], $0x400, s14, s13, $0x38;
	[tilespmem:$0x1010] =	vst v63  }
0x36: {  	p1 =	sge.u32 s31, s5  }
.Ltmp2:
0x37: {  	_ = 	snop;
	(pc) =	sbr.rel @p1 .LBB1_5-.Ltmp2, $1  }
0x38: {  	_ =	sdelay $0x3  }
0x39: {  	s11 =	simm.s32 $0x1  }
0x3a: {  	_ =	swait.ge [sflag:s4], $0x400;
	s11 =	simm.s32 @!p0 $0x0  }
0x3b: {  	[sflag:s4] =	ssyncset.done $0x0;
	s12 =	sshll.u32 s11, $0xA  }
0x3c: {  	[sflag:s4] =	ssyncadd.s32 $0xFFFFFC00;
	s20 =	sor.u32 $0x20, s12  }
0x3d: {  	v0 =	vld.msk [tilespmem:s20+$0xFFFFFFE0], $0xff  }
0x3e: {  	s11 =	smul.u32 $0x1020, s11;
	_ =	sdelay $0x1  }
0x3f: {  	s11 =	sshrl.u32 s11, $0x2  }
0x40: {  	s11 =	sor.u32 $0x807, s11  }
0x41: {  	[tilespmem:s11+$0xFFFFFFF9 ss:$0x81] =	vst.msk $0xff, v0  }
0x42: {  	v0 =	vld.msk [tilespmem:s20+$0xFFFFFFE8], $0xff  }
0x43: {  	s13 =	sadd.s32 $0x40, s20  }
0x44: {  	v1 =	vld.msk [tilespmem:s13+$0xFFFFFFE0], $0xff;
	_ =	sdelay $0x2  }
0x45: {  	[tilespmem:s11+$0xFFFFFFFA ss:$0x81] =	vst.msk $0xff, v0  }
0x46: {  	s12 =	sadd.s32 $0x8, s11;
	v0 =	vld.msk [tilespmem:s20+$0xFFFFFFF0], $0xff  }
0x47: {  	[tilespmem:s12+$0xFFFFFFF9 ss:$0x81] =	vst.msk $0xff, v1  }
0x48: {  	v1 =	vld.msk [tilespmem:s13+$0xFFFFFFE8], $0xff  }
0x49: {  	s15 =	sadd.s32 $0x40, s13  }
0x4a: {  	v2 =	vld.msk [tilespmem:s15+$0xFFFFFFE0], $0xff  }
0x4b: {  	[tilespmem:s11+$0xFFFFFFFB ss:$0x81] =	vst.msk $0xff, v0  }
0x4c: {  	v0 =	vld.msk [tilespmem:s20+$0xFFFFFFF8], $0xff  }
0x4d: {  	[tilespmem:s12+$0xFFFFFFFA ss:$0x81] =	vst.msk $0xff, v1  }
0x4e: {  	s14 =	sadd.s32 $0x8, s12;
	v1 =	vld.msk [tilespmem:s13+$0xFFFFFFF0], $0xff  }
0x4f: {  	[tilespmem:s14+$0xFFFFFFF9 ss:$0x81] =	vst.msk $0xff, v2  }
0x50: {  	s17 =	sadd.s32 $0x40, s15;
	v2 =	vld.msk [tilespmem:s15+$0xFFFFFFE8], $0xff  }
0x51: {  	[tilespmem:s11+$0xFFFFFFFC ss:$0x81] =	vst.msk $0xff, v0;
	v0 =	vld.msk [tilespmem:s17+$0xFFFFFFE0], $0xff  }
0x52: {  	v3 =	vld.msk [tilespmem:s20+$0x0], $0xff  }
0x53: {  	[tilespmem:s12+$0xFFFFFFFB ss:$0x81] =	vst.msk $0xff, v1  }
0x54: {  	v1 =	vld.msk [tilespmem:s13+$0xFFFFFFF8], $0xff  }
0x55: {  	s16 =	sadd.s32 $0x8, s14;
	[tilespmem:s14+$0xFFFFFFFA ss:$0x81] =	vst.msk $0xff, v2  }
0x56: {  	v2 =	vld.msk [tilespmem:s15+$0xFFFFFFF0], $0xff;
	[tilespmem:s16+$0xFFFFFFF9 ss:$0x81] =	vst.msk $0xff, v0  }
0x57: {  	v0 =	vld.msk [tilespmem:s17+$0xFFFFFFE8], $0xff;
	[tilespmem:s11+$0xFFFFFFFD ss:$0x81] =	vst.msk $0xff, v3  }
0x58: {  	s19 =	sadd.s32 $0x40, s17;
	v3 =	vld.msk [tilespmem:s20+$0x8], $0xff  }
0x59: {  	[tilespmem:s12+$0xFFFFFFFC ss:$0x81] =	vst.msk $0xff, v1;
	v1 =	vld.msk [tilespmem:s19+$0xFFFFFFE0], $0xff  }
0x5a: {  	v4 =	vld.msk [tilespmem:s13+$0x0], $0xff  }
0x5b: {  	[tilespmem:s14+$0xFFFFFFFB ss:$0x81] =	vst.msk $0xff, v2  }
0x5c: {  	v2 =	vld.msk [tilespmem:s15+$0xFFFFFFF8], $0xff;
	[tilespmem:s16+$0xFFFFFFFA ss:$0x81] =	vst.msk $0xff, v0  }
0x5d: {  	s18 =	sadd.s32 $0x8, s16;
	v0 =	vld.msk [tilespmem:s17+$0xFFFFFFF0], $0xff;
	[tilespmem:s11+$0xFFFFFFFE ss:$0x81] =	vst.msk $0xff, v3  }
0x5e: {  	[tilespmem:s18+$0xFFFFFFF9 ss:$0x81] =	vst.msk $0xff, v1;
	v1 =	vld.msk [tilespmem:s20+$0x10], $0xff  }
0x5f: {  	[tilespmem:s12+$0xFFFFFFFD ss:$0x81] =	vst.msk $0xff, v4;
	v3 =	vld.msk [tilespmem:s19+$0xFFFFFFE8], $0xff  }
0x60: {  	s21 =	sadd.s32 $0x40, s19;
	v4 =	vld.msk [tilespmem:s13+$0x8], $0xff  }
0x61: {  	[tilespmem:s14+$0xFFFFFFFC ss:$0x81] =	vst.msk $0xff, v2;
	v2 =	vld.msk [tilespmem:s21+$0xFFFFFFE0], $0xff  }
0x62: {  	v5 =	vld.msk [tilespmem:s15+$0x0], $0xff;
	[tilespmem:s16+$0xFFFFFFFB ss:$0x81] =	vst.msk $0xff, v0  }
0x63: {  	v6 =	vld.msk [tilespmem:s17+$0xFFFFFFF8], $0xff;
	[tilespmem:s11+$0xFFFFFFFF ss:$0x81] =	vst.msk $0xff, v1  }
0x64: {  	s22 =	sand.u32 $0x1, s9;
	[tilespmem:s18+$0xFFFFFFFA ss:$0x81] =	vst.msk $0xff, v3;
	v0 =	vld.msk [tilespmem:s20+$0x18], $0xff  }
0x65: {  	s22 =	smul.u32 $0x1020, s22;
	[tilespmem:s12+$0xFFFFFFFE ss:$0x81] =	vst.msk $0xff, v4;
	v3 =	vld.msk [tilespmem:s19+$0xFFFFFFF0], $0xff;
	s20 =	sadd.s32 $0x8, s18  }
0x66: {  	v1 =	vld.msk [tilespmem:s13+$0x10], $0xff;
	[tilespmem:s20+$0xFFFFFFF9 ss:$0x81] =	vst.msk $0xff, v2  }
0x67: {  	s22 =	sshrl.u32 s22, $0x2;
	[tilespmem:s14+$0xFFFFFFFD ss:$0x81] =	vst.msk $0xff, v5;
	v4 =	vld.msk [tilespmem:s21+$0xFFFFFFE8], $0xff  }
0x68: {  	s23 =	simm.s32 $0x28;
	s22 =	sor.u32 $0x800, s22;
	s24 =	sadd.s32 $0x40, s21;
	v2 =	vld.msk [tilespmem:s15+$0x8], $0xff;
	[tilespmem:s16+$0xFFFFFFFC ss:$0x81] =	vst.msk $0xff, v6  }
.LBB1_3:
0x69: {  	v5 =	vld.msk [tilespmem:s24+$0xFFFFFFE0], $0xff;
	[tilespmem:s11+$0x0 ss:$0x81] =	vst.msk $0xff, v0;
	s11 =	smov.u32 s12;
	s12 =	smov.u32 s14;
	s14 =	smov.u32 s16  }
0x6a: {  	s23 =	sadd.s32 $0x8, s23;
	s16 =	smov.u32 s18;
	[tilespmem:s18+$0xFFFFFFFB ss:$0x81] =	vst.msk $0xff, v3;
	v6 =	vld.msk [tilespmem:s17+$0x0], $0xff;
	s18 =	smov.u32 s20  }
0x6b: {  	p1 =	slt.u32 s23, $0x78;
	v7 =	vld.msk [tilespmem:s19+$0xFFFFFFF8], $0xff;
	[tilespmem:s11+$0xFFFFFFFF ss:$0x81] =	vst.msk $0xff, v1  }
.Ltmp3:
0x6c: {  	[tilespmem:s20+$0xFFFFFFFA ss:$0x81] =	vst.msk $0xff, v4;
	v0 =	vld.msk [tilespmem:s13+$0x18], $0xff;
	s13 =	smov.u32 s15;
	s15 =	smov.u32 s17;
	(pc) =	sbr.rel @p1 .LBB1_3-.Ltmp3, $4  }
0x6d: {  	s20 =	sadd.s32 $0x8, s20;
	s17 =	smov.u32 s19;
	s19 =	smov.u32 s21;
	v3 =	vld.msk [tilespmem:s21+$0xFFFFFFF0], $0xff;
	[tilespmem:s12+$0xFFFFFFFE ss:$0x81] =	vst.msk $0xff, v2  }
0x6e: {  	s21 =	smov.u32 s24;
	[tilespmem:s20+$0xFFFFFFF9 ss:$0x81] =	vst.msk $0xff, v5;
	v1 =	vld.msk [tilespmem:s13+$0x10], $0xff  }
0x6f: {  	v4 =	vld.msk [tilespmem:s24+$0xFFFFFFE8], $0xff;
	[tilespmem:s14+$0xFFFFFFFD ss:$0x81] =	vst.msk $0xff, v6  }
0x70: {  	s24 =	sadd.s32 $0x40, s24;
	[tilespmem:s16+$0xFFFFFFFC ss:$0x81] =	vst.msk $0xff, v7;
	v2 =	vld.msk [tilespmem:s15+$0x8], $0xff  }
.Ltmp4:
0x71: {  	_ = 	snop;
	(pc) =	sbr.rel .LBB1_4-.Ltmp4, $1  }
0x72: {  	_ =	sdelay $0x3  }
.LBB1_6:
0x73: {  	_ =	sfence.sel $0x180000  }
0x74: {  	s2 =	simm.s32 $0x1;
	[bflag:$0x0] =	sbarrier.arrive $0xFFFF  }
0x75: {  	s31 =	simm.s32 $0x2;
	[sflag:s2] =	ssyncpa.u1 $0x1  }
0x76: {  	[sflag:s31] =	ssyncpa.u1 $0x1  }
0x77: {  	p0 =	sne.s32 s0, $0x0;
	_ =	strace $0x9000004A  }
0x78: {  	s0 =	sadd.s32 @!p0 $0x100000, s1;
	[bflag:$0x2] =	sbarrier.arrive $0xFFFF  }
0x79: {  	[sflag:s0] =	ssyncadd.tile.s32 @!p0 $0x1;
	_ =	shalt  }
.Lfunc_end1:
_tile_overlayer_lowered:
.L_overlay_start_2:
0x7a: {  	(tag) =	ssettag $0x2  }
0x7b: {  	s0 =	rddreg [dreg:$0x0];
	s2 =	stileid.u32  }
0x7c: {  	s1 =	rddreg [dreg:$0x1];
	p0 =	sne.s32 s2, $0x0  }
0x7d: {  	s3 =	rddreg [dreg:$0x2];
	[bflag:$0x3] =	sbarrier.arrive $0xFFFF;
	s2 =	simm.s32 @!p0 $0x1C01  }
0x7e: {  	[timem:s3], [sflag:s2] =	dma.local @!p0 [hbm:s0], s1  }
0x7f: {  	s0 =	simm.s32 @!p0 $0x1  }
0x80: {  	_ =	swait.ge @!p0 [sflag:s0], s1  }
0x81: {  	s1 =	ssub.s32 @!p0 $0x0, s1;
	[sflag:s0] =	ssyncset.done @!p0 $0x0  }
0x82: {  	[sflag:s0] =	ssyncadd.s32 @!p0 s1  }
0x83: {  	[bflag:$0x3] =	sbarrier.arrive $0xFFFF  }
0x84: {  	_ =	shalt  }

</sc_bundles>
